<compile_context>
chip_gen: v7x
topology: tpu7x:2x2x1
jax: 0.10.2.dev20260603
libtpu: 0.0.44.dev20260713+nightly
codegen_flags: <defaults>
</compile_context>

<pallas_src>
import functools

import jax
import jax.numpy as jnp
from jax import lax
from jax.experimental import pallas as pl
from jax.experimental.pallas import tpu as pltpu
from jax.experimental.pallas import tpu_sc as plsc

N0 = 10000
D = 128
NC = 2
NS = 16
NW = NC * NS
CHUNK = 128
CPT = 80
EPT = CHUNK * CPT
E_PAD = NW * EPT
NROW_PAD = 10240
NPC = NROW_PAD // NC
ACC_ROWS = 6144
SCAT_PAD = 1 << 30
NBUF = 4
BE = 8192
BN = 2000


def _mesh():
    return plsc.VectorSubcoreMesh(core_axis_name="c", subcore_axis_name="s",
                                  num_cores=NC, num_subcores=NS)


def _make_gather():
    @functools.partial(
        pl.kernel,
        out_type=jax.ShapeDtypeStruct((NW, CPT // NBUF, NBUF * CHUNK, D), jnp.float32),
        mesh=_mesh(),
        scratch_types=[
            pltpu.VMEM((CPT, CHUNK), jnp.int32),
            pltpu.VMEM((NBUF * CHUNK, D), jnp.float32),
            pltpu.SemaphoreType.DMA,
            pltpu.SemaphoreType.DMA,
            pltpu.SemaphoreType.DMA,
            pltpu.SemaphoreType.DMA,
        ],
    )
    def gather_k(tbl, idx, out, idx_v, wbuf, sem0, sem1, sem2, sem3):
        sems = [sem0, sem1, sem2, sem3]
        c = lax.axis_index("c")
        s = lax.axis_index("s")
        w = c * NS + s
        pltpu.sync_copy(idx.at[w], idx_v)

        def outer(t, _):
            cps = []
            for b in range(NBUF):
                cps.append(pltpu.async_copy(
                    tbl.at[idx_v.at[t * NBUF + b]],
                    wbuf.at[pl.ds(b * CHUNK, CHUNK)], sems[b]))
            for cp in cps:
                cp.wait()
            pltpu.sync_copy(wbuf, out.at[w, t])
            return _

        lax.fori_loop(0, CPT // NBUF, outer, None)

    return gather_k


def _make_gather3():
    OUT3 = jax.ShapeDtypeStruct((NW, CPT // NBUF, NBUF * CHUNK, D), jnp.float32)

    @functools.partial(
        pl.kernel,
        out_type=(OUT3, OUT3, OUT3),
        mesh=_mesh(),
        scratch_types=[
            pltpu.VMEM((CPT, CHUNK), jnp.int32),
            pltpu.VMEM((CPT, CHUNK), jnp.int32),
            pltpu.VMEM((NBUF * CHUNK, D), jnp.float32),
            pltpu.SemaphoreType.DMA,
            pltpu.SemaphoreType.DMA,
            pltpu.SemaphoreType.DMA,
            pltpu.SemaphoreType.DMA,
        ],
    )
    def gather3_k(tbl_a, tbl_b, tbl_c, idx_r, idx_c, out_a, out_b, out_c,
                  idxr_v, idxc_v, wbuf, sem0, sem1, sem2, sem3):
        sems = [sem0, sem1, sem2, sem3]
        c = lax.axis_index("c")
        s = lax.axis_index("s")
        w = c * NS + s
        pltpu.sync_copy(idx_r.at[w], idxr_v)
        pltpu.sync_copy(idx_c.at[w], idxc_v)

        for tbl, idx_v, out in ((tbl_a, idxr_v, out_a),
                                (tbl_b, idxc_v, out_b),
                                (tbl_c, idxc_v, out_c)):
            def outer(t, _):
                cps = []
                for b in range(NBUF):
                    cps.append(pltpu.async_copy(
                        tbl.at[idx_v.at[t * NBUF + b]],
                        wbuf.at[pl.ds(b * CHUNK, CHUNK)], sems[b]))
                for cp in cps:
                    cp.wait()
                pltpu.sync_copy(wbuf, out.at[w, t])
                return _

            lax.fori_loop(0, CPT // NBUF, outer, None)

    return gather3_k


def _make_scatter():

    @functools.partial(
        pl.kernel,
        out_type=jax.ShapeDtypeStruct((NROW_PAD, D), jnp.float32),
        mesh=_mesh(),
        scratch_types=[
            pltpu.VMEM((CPT, CHUNK), jnp.int32),
            pltpu.VMEM((CPT, CHUNK), jnp.int32),
            pltpu.VMEM((2, CHUNK, D), jnp.float32),
            pltpu.VMEM((CHUNK, D), jnp.float32),
            pltpu.VMEM_SHARED((ACC_ROWS, D), jnp.float32),
            pltpu.SemaphoreType.DMA,
            pltpu.SemaphoreType.DMA,
        ],
    )
    def scatter_k(ea, ridx, zeros_b, out_s, idx_v, lidx_v, dbuf, zbuf, acc,
                  sem0, sem1):
        c = lax.axis_index("c")
        s = lax.axis_index("s")
        pltpu.sync_copy(zeros_b, zbuf)

        zpt = ACC_ROWS // NS // CHUNK
        z0 = s * (ACC_ROWS // NS)

        def zbody(k, _):
            pltpu.sync_copy(zbuf, acc.at[pl.ds(z0 + k * CHUNK, CHUNK)])
            return _

        lax.fori_loop(0, zpt, zbody, None)
        plsc.subcore_barrier()

        base = c * NPC

        def do_partition(p):
            pltpu.sync_copy(ridx.at[p], idx_v)

            def remap(g, _):
                r = g >> 3
                k = g & 7
                raw = idx_v[r, pl.ds(16 * k, 16)]
                loc = raw - base
                ok = (loc >= 0) & (loc < NPC)
                lidx_v[r, pl.ds(16 * k, 16)] = jnp.where(ok, loc, ACC_ROWS - 1)
                return _

            lax.fori_loop(0, CPT * (CHUNK // 16), remap, None)

            sems = [sem0, sem1]
            pltpu.async_copy(ea.at[p, 0], dbuf.at[0], sem0).wait()

            def body(t, _):
                for par in range(2):
                    j = 2 * t + par
                    nxt = 1 - par

                    @pl.when(j + 1 < CPT)
                    def _():
                        pltpu.async_copy(ea.at[p, j + 1], dbuf.at[nxt],
                                         sems[nxt])
                    pltpu.sync_copy(dbuf.at[par], acc.at[lidx_v.at[j]],
                                    add=True)

                    @pl.when(j + 1 < CPT)
                    def _():
                        pltpu.make_async_copy(ea.at[p, j + 1], dbuf.at[nxt],
                                              sems[nxt]).wait()
                return _

            lax.fori_loop(0, CPT // 2, body, None)

        do_partition(2 * s)
        do_partition(2 * s + 1)
        plsc.subcore_barrier()

        w0 = (NPC // NS) * s

        def wbody(k, _):
            rr = pl.ds(w0 + k * 64, 64)
            pltpu.sync_copy(acc.at[rr], zbuf.at[pl.ds(0, 64)])
            pltpu.sync_copy(zbuf.at[pl.ds(0, 64)], out_s.at[pl.ds(base + w0 + k * 64, 64)])
            return _

        lax.fori_loop(0, NPC // NS // 64, wbody, None)

    return scatter_k


_SC_CACHE = {}


def _sc_gather():
    if 'g' not in _SC_CACHE:
        _SC_CACHE['g'] = _make_gather()
    return _SC_CACHE['g']


def _sc_scatter():
    if 's' not in _SC_CACHE:
        _SC_CACHE['s'] = _make_scatter()
    return _SC_CACHE['s']


def _sc_gather3():
    if 'g3' not in _SC_CACHE:
        _SC_CACHE['g3'] = _make_gather3()
    return _SC_CACHE['g3']


def _proj_body(x0_r, x1_r, ew1a, ew1b, eb1, pw1b, pb1, u0, u1, v1):
    u0[...] = jnp.dot(x0_r[...], ew1a[...], preferred_element_type=jnp.float32)
    u1[...] = jnp.dot(x1_r[...], ew1b[...], preferred_element_type=jnp.float32) + eb1[...]
    v1[...] = jnp.dot(x1_r[...], pw1b[...], preferred_element_type=jnp.float32) + pb1[...]


def _edge_body(a_r, b_r, w2, b2, g, be, w3, b3, out_r):
    h1 = jnp.maximum(a_r[...] + b_r[...], 0.0)
    h2 = jnp.dot(h1, w2[...], preferred_element_type=jnp.float32) + b2[...]
    m = jnp.mean(h2, axis=-1, keepdims=True)
    d = h2 - m
    v = jnp.mean(d * d, axis=-1, keepdims=True)
    y = jnp.maximum(d * lax.rsqrt(v + 1e-5) * g[...] + be[...], 0.0)
    out_r[...] = jnp.dot(y, w3[...], preferred_element_type=jnp.float32) + b3[...]


def _node_body(s_r, x0_r, nw1a, nw1b, nb1, nw2, nb2, ng, nbe,
               nw3, nb3, pw1a, v0_r):
    agg = s_r[...]
    x = x0_r[...]
    h = jnp.maximum(
        jnp.dot(x, nw1a[...], preferred_element_type=jnp.float32)
        + jnp.dot(agg, nw1b[...], preferred_element_type=jnp.float32)
        + nb1[...], 0.0)
    h = jnp.dot(h, nw2[...], preferred_element_type=jnp.float32) + nb2[...]
    m = jnp.mean(h, axis=-1, keepdims=True)
    d = h - m
    v = jnp.mean(d * d, axis=-1, keepdims=True)
    h = jnp.maximum(d * lax.rsqrt(v + 1e-5) * ng[...] + nbe[...], 0.0)
    na = jnp.dot(h, nw3[...], preferred_element_type=jnp.float32) + nb3[...] + x
    v0_r[...] = jnp.dot(na, pw1a[...], preferred_element_type=jnp.float32)


def _pred_body(a_r, b_r, w2, b2, out_r):
    t = jnp.maximum(a_r[...] + b_r[...], 0.0)
    s = jnp.sum(t * w2[...], axis=1, keepdims=True) + b2[...]
    out_r[...] = jax.nn.sigmoid(s)


def _wspec(shape):
    return pl.BlockSpec(shape, lambda i: tuple(0 for _ in shape))


def kernel(x0, x1, edge_index, e_w1, e_b1, e_w2, e_b2, e_g, e_be, e_w3, e_b3,
           n_w1, n_b1, n_w2, n_b2, n_g, n_be, n_w3, n_b3,
           p_w1, p_b1, p_w2, p_b2):
    E = edge_index.shape[1]
    row = edge_index[0]
    col = edge_index[1]
    npad = E_PAD - E
    row_g = jnp.concatenate([row, jnp.zeros((npad,), jnp.int32)]).reshape(NW, CPT, CHUNK)
    col_g = jnp.concatenate([col, jnp.zeros((npad,), jnp.int32)]).reshape(NW, CPT, CHUNK)
    row_s = jnp.concatenate([row, jnp.full((npad,), SCAT_PAD, jnp.int32)]).reshape(NW, CPT, CHUNK)

    nb = N0 // BN
    proj = pl.pallas_call(
        _proj_body,
        grid=(nb,),
        in_specs=[
            pl.BlockSpec((BN, D), lambda i: (i, 0)),
            pl.BlockSpec((BN, D), lambda i: (i, 0)),
            _wspec((D, D)), _wspec((D, D)), _wspec((1, D)),
            _wspec((D, D)), _wspec((1, D)),
        ],
        out_specs=[pl.BlockSpec((BN, D), lambda i: (i, 0))] * 3,
        out_shape=[jax.ShapeDtypeStruct((N0, D), jnp.float32)] * 3,
    )
    u0, u1, v1 = proj(x0, x1, e_w1[:D], e_w1[D:], e_b1.reshape(1, D),
                      p_w1[D:], p_b1.reshape(1, D))

    g_u0 = _sc_gather()(u0, row_g).reshape(E_PAD, D)
    g_u1 = _sc_gather()(u1, col_g).reshape(E_PAD, D)
    g_v1 = _sc_gather()(v1, col_g).reshape(E_PAD, D)

    ne = E_PAD // BE
    ea = pl.pallas_call(
        _edge_body,
        grid=(ne,),
        in_specs=[
            pl.BlockSpec((BE, D), lambda i: (i, 0)),
            pl.BlockSpec((BE, D), lambda i: (i, 0)),
            _wspec((D, D)), _wspec((1, D)), _wspec((1, D)), _wspec((1, D)),
            _wspec((D, D)), _wspec((1, D)),
        ],
        out_specs=pl.BlockSpec((BE, D), lambda i: (i, 0)),
        out_shape=jax.ShapeDtypeStruct((E_PAD, D), jnp.float32),
    )(g_u0, g_u1, e_w2, e_b2.reshape(1, D), e_g.reshape(1, D), e_be.reshape(1, D),
      e_w3, e_b3.reshape(1, D))

    zeros_b = jnp.zeros((CHUNK, D), jnp.float32)
    s_sum = _sc_scatter()(ea.reshape(NW, CPT, CHUNK, D), row_s, zeros_b)

    v0 = pl.pallas_call(
        _node_body,
        grid=(nb,),
        in_specs=[
            pl.BlockSpec((BN, D), lambda i: (i, 0)),
            pl.BlockSpec((BN, D), lambda i: (i, 0)),
            _wspec((D, D)), _wspec((D, D)), _wspec((1, D)),
            _wspec((D, D)), _wspec((1, D)), _wspec((1, D)), _wspec((1, D)),
            _wspec((D, D)), _wspec((1, D)), _wspec((D, D)),
        ],
        out_specs=pl.BlockSpec((BN, D), lambda i: (i, 0)),
        out_shape=jax.ShapeDtypeStruct((N0, D), jnp.float32),
    )(s_sum, x0,
      n_w1[:D], n_w1[D:], n_b1.reshape(1, D), n_w2, n_b2.reshape(1, D),
      n_g.reshape(1, D), n_be.reshape(1, D), n_w3, n_b3.reshape(1, D), p_w1[:D])

    g_v0 = _sc_gather()(v0, row_g).reshape(E_PAD, D)

    preds = pl.pallas_call(
        _pred_body,
        grid=(ne,),
        in_specs=[
            pl.BlockSpec((BE, D), lambda i: (i, 0)),
            pl.BlockSpec((BE, D), lambda i: (i, 0)),
            _wspec((1, D)), _wspec((1, 1)),
        ],
        out_specs=pl.BlockSpec((BE, 1), lambda i: (i, 0)),
        out_shape=jax.ShapeDtypeStruct((E_PAD, 1), jnp.float32),
    )(g_v0, g_v1, p_w2.reshape(1, D), p_b2.reshape(1, 1))

    return preds[:E]

# --- scband reference (transcript-rebuilt; emitter-appended) ---
"""Pipeline reference for scband-obj2-obj-gnn-78383153152533 (READ-ONLY COPY).

The authoritative reference and input builder live on the scoring server;
editing this copy changes nothing except your own understanding.
"""

import jax, jax.numpy as jnp
import numpy as np

IN_DIM = 128
HID = 128
MP_ITERS = 1
N0 = 10000
N1 = 10000
E = 320000


def _ln(x, g, b, eps=1e-5):
    m = jnp.mean(x, axis=-1, keepdims=True)
    v = jnp.var(x, axis=-1, keepdims=True)
    return (x - m) / jnp.sqrt(v + eps) * g + b


def setup_inputs(seed: int = 0) -> dict:
    key = jax.random.key(seed)
    ks = jax.random.split(key, 32)

    def w(k, shape):
        fan_in = shape[0]
        bound = 1.0 / np.sqrt(fan_in)
        return jax.random.uniform(k, shape, jnp.float32, -bound, bound)

    inp = {}
    inp['x0'] = jax.random.normal(ks[0], (N0, IN_DIM), jnp.float32)
    inp['x1'] = jax.random.normal(ks[1], (N1, IN_DIM), jnp.float32)
    inp['edge_index'] = jax.random.randint(ks[2], (2, E), 0, N0, jnp.int32)
    # edge_mlp: Linear(2d,h) ReLU Linear(h,h) LayerNorm(h) ReLU Linear(h,h)
    inp['e_w1'] = w(ks[3], (2 * IN_DIM, HID)); inp['e_b1'] = w(ks[4], (HID,))
    inp['e_w2'] = w(ks[5], (HID, HID)); inp['e_b2'] = w(ks[6], (HID,))
    inp['e_g'] = jnp.ones((HID,), jnp.float32); inp['e_be'] = jnp.zeros((HID,), jnp.float32)
    inp['e_w3'] = w(ks[7], (HID, HID)); inp['e_b3'] = w(ks[8], (HID,))
    # node_mlp: Linear(h+d,h) ReLU Linear(h,h) LayerNorm(h) ReLU Linear(h,d)
    inp['n_w1'] = w(ks[9], (HID + IN_DIM, HID)); inp['n_b1'] = w(ks[10], (HID,))
    inp['n_w2'] = w(ks[11], (HID, HID)); inp['n_b2'] = w(ks[12], (HID,))
    inp['n_g'] = jnp.ones((HID,), jnp.float32); inp['n_be'] = jnp.zeros((HID,), jnp.float32)
    inp['n_w3'] = w(ks[13], (HID, IN_DIM)); inp['n_b3'] = w(ks[14], (IN_DIM,))
    # edge_predictor: Linear(2d,h) ReLU Linear(h,1)
    inp['p_w1'] = w(ks[15], (2 * IN_DIM, HID)); inp['p_b1'] = w(ks[16], (HID,))
    inp['p_w2'] = w(ks[17], (HID, 1)); inp['p_b2'] = w(ks[18], (1,))
    return inp


def reference(x0, x1, edge_index, e_w1, e_b1, e_w2, e_b2, e_g, e_be, e_w3, e_b3,
              n_w1, n_b1, n_w2, n_b2, n_g, n_be, n_w3, n_b3,
              p_w1, p_b1, p_w2, p_b2):
    row = edge_index[0]
    col = edge_index[1]

    def edge_mlp(src, tgt):
        h = jnp.concatenate([src, tgt], axis=1)
        h = jax.nn.relu(h @ e_w1 + e_b1)
        h = h @ e_w2 + e_b2
        h = jax.nn.relu(_ln(h, e_g, e_be))
        return h @ e_w3 + e_b3

    def node_mlp(h):
        h = jax.nn.relu(h @ n_w1 + n_b1)
        h = h @ n_w2 + n_b2
        h = jax.nn.relu(_ln(h, n_g, n_be))
        return h @ n_w3 + n_b3

    na0 = x0
    for _ in range(MP_ITERS):
        edge_attr = edge_mlp(na0[row], x1[col])  # gather on SparseCore
        agg = jax.ops.segment_sum(edge_attr, row, num_segments=na0.shape[0])  # scatter-add
        na0 = node_mlp(jnp.concatenate([na0, agg], axis=1)) + na0
    pred_in = jnp.concatenate([na0[row], x1[col]], axis=1)
    h = jax.nn.relu(pred_in @ p_w1 + p_b1)
    edge_preds = jax.nn.sigmoid(h @ p_w2 + p_b2)
    return edge_preds

if __name__ == "__main__":
    import jax
    _d = setup_inputs()
    print(jax.jit(kernel)(*tuple(_d.values())))

</pallas_src>

<mosaic_0001>
#map = affine_map<(d0, d1) -> (0, 0)>
#map1 = affine_map<(d0, d1) -> (0, 0, 0)>
#map2 = affine_map<(d0, d1) -> (0, 0, 0, 0)>
module attributes {stable_mosaic.version = 14 : i64} {
  func.func @gather_k(%arg0: i32, %arg1: i32, %arg2: memref<10000x128xf32, #tpu.memory_space<hbm>>, %arg3: memref<32x80x128xi32, #tpu.memory_space<hbm>>, %arg4: memref<32x20x512x128xf32, #tpu.memory_space<hbm>>, %arg5: memref<80x128xi32, #tpu.memory_space<vmem>>, %arg6: memref<512x128xf32, #tpu.memory_space<vmem>>, %arg7: memref<!tpu.dma_semaphore, #tpu.memory_space<semaphore_mem>>, %arg8: memref<!tpu.dma_semaphore, #tpu.memory_space<semaphore_mem>>, %arg9: memref<!tpu.dma_semaphore, #tpu.memory_space<semaphore_mem>>, %arg10: memref<!tpu.dma_semaphore, #tpu.memory_space<semaphore_mem>>) attributes {dimension_semantics = [#tpu.dimension_semantics<core_parallel>, #tpu.dimension_semantics<subcore_parallel>], iteration_bounds = array<i64: 2, 16>, scalar_prefetch = 0 : i64, scratch_operands = 6 : i64, tpu.core_type = #tpu.core_type<sc_vector_subcore>, window_params = [{transform_indices = #map}, {transform_indices = #map1}, {transform_indices = #map2}]} {
    %mul3A = arith.constant 16 : i32
    %mul3A_0 = arith.muli %arg0, %mul3A : i32
    %add3A = arith.addi %mul3A_0, %arg1 : i32
    "tpu.region"() ({
      %run_scoped3A = tpu.sem_alloc : memref<!tpu.dma_semaphore, #tpu.memory_space<semaphore_mem>>
      %dma_start3A = arith.constant 0 : i32
      %dma_start3A_5 = arith.constant 0 : i32
      %dma_start3A_6 = tpu.memref_slice %arg3[%add3A, %dma_start3A, %dma_start3A_5] : memref<32x80x128xi32, #tpu.memory_space<hbm>> -> memref<1x80x128xi32, #tpu.memory_space<hbm>>
      %dma_start3A_7 = tpu.memref_squeeze %dma_start3A_6 : memref<1x80x128xi32, #tpu.memory_space<hbm>> -> memref<80x128xi32, #tpu.memory_space<hbm>>
      %dma_start3A_8 = arith.constant 0 : i32
      %dma_start3A_9 = arith.constant 0 : i32
      %dma_start3A_10 = tpu.memref_slice %arg3[%add3A, %dma_start3A_8, %dma_start3A_9] : memref<32x80x128xi32, #tpu.memory_space<hbm>> -> memref<1x80x128xi32, #tpu.memory_space<hbm>>
      %dma_start3A_11 = tpu.memref_squeeze %dma_start3A_10 : memref<1x80x128xi32, #tpu.memory_space<hbm>> -> memref<80x128xi32, #tpu.memory_space<hbm>>
      tpu.enqueue_dma source(%dma_start3A_11 : memref<80x128xi32, #tpu.memory_space<hbm>>) target(%arg5 : memref<80x128xi32, #tpu.memory_space<vmem>>) target_semaphore(%run_scoped3A : memref<!tpu.dma_semaphore, #tpu.memory_space<semaphore_mem>>)
      %dma_wait3A = arith.constant 0 : i32
      %dma_wait3A_12 = arith.constant 0 : i32
      %dma_wait3A_13 = tpu.memref_slice %arg3[%add3A, %dma_wait3A, %dma_wait3A_12] : memref<32x80x128xi32, #tpu.memory_space<hbm>> -> memref<1x80x128xi32, #tpu.memory_space<hbm>>
      %dma_wait3A_14 = tpu.memref_squeeze %dma_wait3A_13 : memref<1x80x128xi32, #tpu.memory_space<hbm>> -> memref<80x128xi32, #tpu.memory_space<hbm>>
      %dma_wait3A_15 = arith.constant 0 : i32
      %dma_wait3A_16 = arith.constant 0 : i32
      %dma_wait3A_17 = tpu.memref_slice %arg3[%add3A, %dma_wait3A_15, %dma_wait3A_16] : memref<32x80x128xi32, #tpu.memory_space<hbm>> -> memref<1x80x128xi32, #tpu.memory_space<hbm>>
      %dma_wait3A_18 = tpu.memref_squeeze %dma_wait3A_17 : memref<1x80x128xi32, #tpu.memory_space<hbm>> -> memref<80x128xi32, #tpu.memory_space<hbm>>
      tpu.wait_dma2 semaphore(%run_scoped3A : memref<!tpu.dma_semaphore, #tpu.memory_space<semaphore_mem>>) src(%dma_wait3A_18 : memref<80x128xi32, #tpu.memory_space<hbm>>) dst(%arg5 : memref<80x128xi32, #tpu.memory_space<vmem>>)
      tpu.yield
    }) : () -> ()
    %scan3A = arith.constant 0 : i32
    %scan3A_1 = arith.constant 20 : i32
    %scan3A_2 = arith.addi %scan3A, %scan3A_1 : i32
    %scan3A_3 = arith.constant 1 : i32
    scf.for %scan3A_5 = %scan3A to %scan3A_2 step %scan3A_3  : i32 {
      %mul3A_6 = arith.constant 4 : i32
      %mul3A_7 = arith.muli %scan3A_5, %mul3A_6 : i32
      %add3A_8 = arith.constant 0 : i32
      %add3A_9 = arith.addi %mul3A_7, %add3A_8 : i32
      %dma_start3A = arith.constant 0 : i32
      %dma_start3A_10 = arith.constant 0 : i32
      %dma_start3A_11 = tpu.memref_slice %arg6[%dma_start3A, %dma_start3A_10] : memref<512x128xf32, #tpu.memory_space<vmem>> -> memref<128x128xf32, #tpu.memory_space<vmem>>
      %dma_start3A_12 = arith.constant 0 : i32
      %dma_start3A_13 = tpu.memref_slice %arg5[%add3A_9, %dma_start3A_12] : memref<80x128xi32, #tpu.memory_space<vmem>> -> memref<1x128xi32, #tpu.memory_space<vmem>>
      %dma_start3A_14 = tpu.memref_squeeze %dma_start3A_13 : memref<1x128xi32, #tpu.memory_space<vmem>> -> memref<128xi32, #tpu.memory_space<vmem>>
      %dma_start3A_15 = arith.constant 0 : i32
      %dma_start3A_16 = arith.constant 0 : i32
      %dma_start3A_17 = tpu.memref_slice %arg2[%dma_start3A_15, %dma_start3A_16] : memref<10000x128xf32, #tpu.memory_space<hbm>> -> memref<10000x128xf32, #tpu.memory_space<hbm>>
      tpu.enqueue_indirect_dma source(%dma_start3A_17 : memref<10000x128xf32, #tpu.memory_space<hbm>>) target(%dma_start3A_11 : memref<128x128xf32, #tpu.memory_space<vmem>>) offsets(%dma_start3A_14 : memref<128xi32, #tpu.memory_space<vmem>>) semaphore(%arg7 : memref<!tpu.dma_semaphore, #tpu.memory_space<semaphore_mem>>)
      %mul3A_18 = arith.constant 4 : i32
      %mul3A_19 = arith.muli %scan3A_5, %mul3A_18 : i32
      %add3A_20 = arith.constant 1 : i32
      %add3A_21 = arith.addi %mul3A_19, %add3A_20 : i32
      %dma_start3A_22 = arith.constant 128 : i32
      %dma_start3A_23 = arith.constant 0 : i32
      %dma_start3A_24 = tpu.memref_slice %arg6[%dma_start3A_22, %dma_start3A_23] : memref<512x128xf32, #tpu.memory_space<vmem>> -> memref<128x128xf32, #tpu.memory_space<vmem>>
      %dma_start3A_25 = arith.constant 0 : i32
      %dma_start3A_26 = tpu.memref_slice %arg5[%add3A_21, %dma_start3A_25] : memref<80x128xi32, #tpu.memory_space<vmem>> -> memref<1x128xi32, #tpu.memory_space<vmem>>
      %dma_start3A_27 = tpu.memref_squeeze %dma_start3A_26 : memref<1x128xi32, #tpu.memory_space<vmem>> -> memref<128xi32, #tpu.memory_space<vmem>>
      %dma_start3A_28 = arith.constant 0 : i32
      %dma_start3A_29 = arith.constant 0 : i32
      %dma_start3A_30 = tpu.memref_slice %arg2[%dma_start3A_28, %dma_start3A_29] : memref<10000x128xf32, #tpu.memory_space<hbm>> -> memref<10000x128xf32, #tpu.memory_space<hbm>>
      tpu.enqueue_indirect_dma source(%dma_start3A_30 : memref<10000x128xf32, #tpu.memory_space<hbm>>) target(%dma_start3A_24 : memref<128x128xf32, #tpu.memory_space<vmem>>) offsets(%dma_start3A_27 : memref<128xi32, #tpu.memory_space<vmem>>) semaphore(%arg8 : memref<!tpu.dma_semaphore, #tpu.memory_space<semaphore_mem>>)
      %mul3A_31 = arith.constant 4 : i32
      %mul3A_32 = arith.muli %scan3A_5, %mul3A_31 : i32
      %add3A_33 = arith.constant 2 : i32
      %add3A_34 = arith.addi %mul3A_32, %add3A_33 : i32
      %dma_start3A_35 = arith.constant 256 : i32
      %dma_start3A_36 = arith.constant 0 : i32
      %dma_start3A_37 = tpu.memref_slice %arg6[%dma_start3A_35, %dma_start3A_36] : memref<512x128xf32, #tpu.memory_space<vmem>> -> memref<128x128xf32, #tpu.memory_space<vmem>>
      %dma_start3A_38 = arith.constant 0 : i32
      %dma_start3A_39 = tpu.memref_slice %arg5[%add3A_34, %dma_start3A_38] : memref<80x128xi32, #tpu.memory_space<vmem>> -> memref<1x128xi32, #tpu.memory_space<vmem>>
      %dma_start3A_40 = tpu.memref_squeeze %dma_start3A_39 : memref<1x128xi32, #tpu.memory_space<vmem>> -> memref<128xi32, #tpu.memory_space<vmem>>
      %dma_start3A_41 = arith.constant 0 : i32
      %dma_start3A_42 = arith.constant 0 : i32
      %dma_start3A_43 = tpu.memref_slice %arg2[%dma_start3A_41, %dma_start3A_42] : memref<10000x128xf32, #tpu.memory_space<hbm>> -> memref<10000x128xf32, #tpu.memory_space<hbm>>
      tpu.enqueue_indirect_dma source(%dma_start3A_43 : memref<10000x128xf32, #tpu.memory_space<hbm>>) target(%dma_start3A_37 : memref<128x128xf32, #tpu.memory_space<vmem>>) offsets(%dma_start3A_40 : memref<128xi32, #tpu.memory_space<vmem>>) semaphore(%arg9 : memref<!tpu.dma_semaphore, #tpu.memory_space<semaphore_mem>>)
      %mul3A_44 = arith.constant 4 : i32
      %mul3A_45 = arith.muli %scan3A_5, %mul3A_44 : i32
      %add3A_46 = arith.constant 3 : i32
      %add3A_47 = arith.addi %mul3A_45, %add3A_46 : i32
      %dma_start3A_48 = arith.constant 384 : i32
      %dma_start3A_49 = arith.constant 0 : i32
      %dma_start3A_50 = tpu.memref_slice %arg6[%dma_start3A_48, %dma_start3A_49] : memref<512x128xf32, #tpu.memory_space<vmem>> -> memref<128x128xf32, #tpu.memory_space<vmem>>
      %dma_start3A_51 = arith.constant 0 : i32
      %dma_start3A_52 = tpu.memref_slice %arg5[%add3A_47, %dma_start3A_51] : memref<80x128xi32, #tpu.memory_space<vmem>> -> memref<1x128xi32, #tpu.memory_space<vmem>>
      %dma_start3A_53 = tpu.memref_squeeze %dma_start3A_52 : memref<1x128xi32, #tpu.memory_space<vmem>> -> memref<128xi32, #tpu.memory_space<vmem>>
      %dma_start3A_54 = arith.constant 0 : i32
      %dma_start3A_55 = arith.constant 0 : i32
      %dma_start3A_56 = tpu.memref_slice %arg2[%dma_start3A_54, %dma_start3A_55] : memref<10000x128xf32, #tpu.memory_space<hbm>> -> memref<10000x128xf32, #tpu.memory_space<hbm>>
      tpu.enqueue_indirect_dma source(%dma_start3A_56 : memref<10000x128xf32, #tpu.memory_space<hbm>>) target(%dma_start3A_50 : memref<128x128xf32, #tpu.memory_space<vmem>>) offsets(%dma_start3A_53 : memref<128xi32, #tpu.memory_space<vmem>>) semaphore(%arg10 : memref<!tpu.dma_semaphore, #tpu.memory_space<semaphore_mem>>)
      %dma_wait3A = arith.constant 0 : i32
      %dma_wait3A_57 = arith.constant 0 : i32
      %dma_wait3A_58 = tpu.memref_slice %arg6[%dma_wait3A, %dma_wait3A_57] : memref<512x128xf32, #tpu.memory_space<vmem>> -> memref<128x128xf32, #tpu.memory_space<vmem>>
      %dma_wait3A_59 = arith.constant 0 : i32
      %dma_wait3A_60 = tpu.memref_slice %arg5[%add3A_9, %dma_wait3A_59] : memref<80x128xi32, #tpu.memory_space<vmem>> -> memref<1x128xi32, #tpu.memory_space<vmem>>
      %dma_wait3A_61 = tpu.memref_squeeze %dma_wait3A_60 : memref<1x128xi32, #tpu.memory_space<vmem>> -> memref<128xi32, #tpu.memory_space<vmem>>
      %dma_wait3A_62 = arith.constant 0 : i32
      %dma_wait3A_63 = arith.constant 0 : i32
      %dma_wait3A_64 = tpu.memref_slice %arg2[%dma_wait3A_62, %dma_wait3A_63] : memref<10000x128xf32, #tpu.memory_space<hbm>> -> memref<10000x128xf32, #tpu.memory_space<hbm>>
      tpu.wait_indirect_dma semaphore(%arg7 : memref<!tpu.dma_semaphore, #tpu.memory_space<semaphore_mem>>) src(%dma_wait3A_64 : memref<10000x128xf32, #tpu.memory_space<hbm>>) dst(%dma_wait3A_58 : memref<128x128xf32, #tpu.memory_space<vmem>>)
      %dma_wait3A_65 = arith.constant 128 : i32
      %dma_wait3A_66 = arith.constant 0 : i32
      %dma_wait3A_67 = tpu.memref_slice %arg6[%dma_wait3A_65, %dma_wait3A_66] : memref<512x128xf32, #tpu.memory_space<vmem>> -> memref<128x128xf32, #tpu.memory_space<vmem>>
      %dma_wait3A_68 = arith.constant 0 : i32
      %dma_wait3A_69 = tpu.memref_slice %arg5[%add3A_21, %dma_wait3A_68] : memref<80x128xi32, #tpu.memory_space<vmem>> -> memref<1x128xi32, #tpu.memory_space<vmem>>
      %dma_wait3A_70 = tpu.memref_squeeze %dma_wait3A_69 : memref<1x128xi32, #tpu.memory_space<vmem>> -> memref<128xi32, #tpu.memory_space<vmem>>
      %dma_wait3A_71 = arith.constant 0 : i32
      %dma_wait3A_72 = arith.constant 0 : i32
      %dma_wait3A_73 = tpu.memref_slice %arg2[%dma_wait3A_71, %dma_wait3A_72] : memref<10000x128xf32, #tpu.memory_space<hbm>> -> memref<10000x128xf32, #tpu.memory_space<hbm>>
      tpu.wait_indirect_dma semaphore(%arg8 : memref<!tpu.dma_semaphore, #tpu.memory_space<semaphore_mem>>) src(%dma_wait3A_73 : memref<10000x128xf32, #tpu.memory_space<hbm>>) dst(%dma_wait3A_67 : memref<128x128xf32, #tpu.memory_space<vmem>>)
      %dma_wait3A_74 = arith.constant 256 : i32
      %dma_wait3A_75 = arith.constant 0 : i32
      %dma_wait3A_76 = tpu.memref_slice %arg6[%dma_wait3A_74, %dma_wait3A_75] : memref<512x128xf32, #tpu.memory_space<vmem>> -> memref<128x128xf32, #tpu.memory_space<vmem>>
      %dma_wait3A_77 = arith.constant 0 : i32
      %dma_wait3A_78 = tpu.memref_slice %arg5[%add3A_34, %dma_wait3A_77] : memref<80x128xi32, #tpu.memory_space<vmem>> -> memref<1x128xi32, #tpu.memory_space<vmem>>
      %dma_wait3A_79 = tpu.memref_squeeze %dma_wait3A_78 : memref<1x128xi32, #tpu.memory_space<vmem>> -> memref<128xi32, #tpu.memory_space<vmem>>
      %dma_wait3A_80 = arith.constant 0 : i32
      %dma_wait3A_81 = arith.constant 0 : i32
      %dma_wait3A_82 = tpu.memref_slice %arg2[%dma_wait3A_80, %dma_wait3A_81] : memref<10000x128xf32, #tpu.memory_space<hbm>> -> memref<10000x128xf32, #tpu.memory_space<hbm>>
      tpu.wait_indirect_dma semaphore(%arg9 : memref<!tpu.dma_semaphore, #tpu.memory_space<semaphore_mem>>) src(%dma_wait3A_82 : memref<10000x128xf32, #tpu.memory_space<hbm>>) dst(%dma_wait3A_76 : memref<128x128xf32, #tpu.memory_space<vmem>>)
      %dma_wait3A_83 = arith.constant 384 : i32
      %dma_wait3A_84 = arith.constant 0 : i32
      %dma_wait3A_85 = tpu.memref_slice %arg6[%dma_wait3A_83, %dma_wait3A_84] : memref<512x128xf32, #tpu.memory_space<vmem>> -> memref<128x128xf32, #tpu.memory_space<vmem>>
      %dma_wait3A_86 = arith.constant 0 : i32
      %dma_wait3A_87 = tpu.memref_slice %arg5[%add3A_47, %dma_wait3A_86] : memref<80x128xi32, #tpu.memory_space<vmem>> -> memref<1x128xi32, #tpu.memory_space<vmem>>
      %dma_wait3A_88 = tpu.memref_squeeze %dma_wait3A_87 : memref<1x128xi32, #tpu.memory_space<vmem>> -> memref<128xi32, #tpu.memory_space<vmem>>
      %dma_wait3A_89 = arith.constant 0 : i32
      %dma_wait3A_90 = arith.constant 0 : i32
      %dma_wait3A_91 = tpu.memref_slice %arg2[%dma_wait3A_89, %dma_wait3A_90] : memref<10000x128xf32, #tpu.memory_space<hbm>> -> memref<10000x128xf32, #tpu.memory_space<hbm>>
      tpu.wait_indirect_dma semaphore(%arg10 : memref<!tpu.dma_semaphore, #tpu.memory_space<semaphore_mem>>) src(%dma_wait3A_91 : memref<10000x128xf32, #tpu.memory_space<hbm>>) dst(%dma_wait3A_85 : memref<128x128xf32, #tpu.memory_space<vmem>>)
      "tpu.region"() ({
        %run_scoped3A = tpu.sem_alloc : memref<!tpu.dma_semaphore, #tpu.memory_space<semaphore_mem>>
        %dma_start3A_92 = arith.constant 0 : i32
        %dma_start3A_93 = arith.constant 0 : i32
        %dma_start3A_94 = tpu.memref_slice %arg4[%add3A, %scan3A_5, %dma_start3A_92, %dma_start3A_93] : memref<32x20x512x128xf32, #tpu.memory_space<hbm>> -> memref<1x1x512x128xf32, #tpu.memory_space<hbm>>
        %dma_start3A_95 = tpu.memref_squeeze %dma_start3A_94 : memref<1x1x512x128xf32, #tpu.memory_space<hbm>> -> memref<512x128xf32, #tpu.memory_space<hbm>>
        %dma_start3A_96 = arith.constant 0 : i32
        %dma_start3A_97 = arith.constant 0 : i32
        %dma_start3A_98 = tpu.memref_slice %arg4[%add3A, %scan3A_5, %dma_start3A_96, %dma_start3A_97] : memref<32x20x512x128xf32, #tpu.memory_space<hbm>> -> memref<1x1x512x128xf32, #tpu.memory_space<hbm>>
        %dma_start3A_99 = tpu.memref_squeeze %dma_start3A_98 : memref<1x1x512x128xf32, #tpu.memory_space<hbm>> -> memref<512x128xf32, #tpu.memory_space<hbm>>
        tpu.enqueue_dma source(%arg6 : memref<512x128xf32, #tpu.memory_space<vmem>>) target(%dma_start3A_99 : memref<512x128xf32, #tpu.memory_space<hbm>>) target_semaphore(%run_scoped3A : memref<!tpu.dma_semaphore, #tpu.memory_space<semaphore_mem>>)
        %dma_wait3A_100 = arith.constant 0 : i32
        %dma_wait3A_101 = arith.constant 0 : i32
        %dma_wait3A_102 = tpu.memref_slice %arg4[%add3A, %scan3A_5, %dma_wait3A_100, %dma_wait3A_101] : memref<32x20x512x128xf32, #tpu.memory_space<hbm>> -> memref<1x1x512x128xf32, #tpu.memory_space<hbm>>
        %dma_wait3A_103 = tpu.memref_squeeze %dma_wait3A_102 : memref<1x1x512x128xf32, #tpu.memory_space<hbm>> -> memref<512x128xf32, #tpu.memory_space<hbm>>
        %dma_wait3A_104 = arith.constant 0 : i32
        %dma_wait3A_105 = arith.constant 0 : i32
        %dma_wait3A_106 = tpu.memref_slice %arg4[%add3A, %scan3A_5, %dma_wait3A_104, %dma_wait3A_105] : memref<32x20x512x128xf32, #tpu.memory_space<hbm>> -> memref<1x1x512x128xf32, #tpu.memory_space<hbm>>
        %dma_wait3A_107 = tpu.memref_squeeze %dma_wait3A_106 : memref<1x1x512x128xf32, #tpu.memory_space<hbm>> -> memref<512x128xf32, #tpu.memory_space<hbm>>
        tpu.wait_dma2 semaphore(%run_scoped3A : memref<!tpu.dma_semaphore, #tpu.memory_space<semaphore_mem>>) src(%arg6 : memref<512x128xf32, #tpu.memory_space<vmem>>) dst(%dma_wait3A_107 : memref<512x128xf32, #tpu.memory_space<hbm>>)
        tpu.yield
      }) : () -> ()
    }
    %scan3A_4 = arith.constant 20 : i32
    return
  }
}

#map = affine_map<(d0, d1) -> (0, 0)>
#map1 = affine_map<(d0, d1) -> (0, 0, 0)>
#map2 = affine_map<(d0, d1) -> (0, 0, 0, 0)>
module attributes {stable_mosaic.version = 14 : i64} {
  func.func @gather_k(%arg0: i32, %arg1: i32, %arg2: memref<10000x128xf32, #tpu.memory_space<hbm>>, %arg3: memref<32x80x128xi32, #tpu.memory_space<hbm>>, %arg4: memref<32x20x512x128xf32, #tpu.memory_space<hbm>>, %arg5: memref<80x128xi32, #tpu.memory_space<vmem>>, %arg6: memref<512x128xf32, #tpu.memory_space<vmem>>, %arg7: memref<!tpu.dma_semaphore, #tpu.memory_space<semaphore_mem>>, %arg8: memref<!tpu.dma_semaphore, #tpu.memory_space<semaphore_mem>>, %arg9: memref<!tpu.dma_semaphore, #tpu.memory_space<semaphore_mem>>, %arg10: memref<!tpu.dma_semaphore, #tpu.memory_space<semaphore_mem>>) attributes {dimension_semantics = [#tpu.dimension_semantics<core_parallel>, #tpu.dimension_semantics<subcore_parallel>], iteration_bounds = array<i64: 2, 16>, scalar_prefetch = 0 : i64, scratch_operands = 6 : i64, tpu.core_type = #tpu.core_type<sc_vector_subcore>, window_params = [{transform_indices = #map}, {transform_indices = #map1}, {transform_indices = #map2}]} {
    %mul3A = arith.constant 16 : i32
    %mul3A_0 = arith.muli %arg0, %mul3A : i32
    %add3A = arith.addi %mul3A_0, %arg1 : i32
    "tpu.region"() ({
      %run_scoped3A = tpu.sem_alloc : memref<!tpu.dma_semaphore, #tpu.memory_space<semaphore_mem>>
      %dma_start3A = arith.constant 0 : i32
      %dma_start3A_5 = arith.constant 0 : i32
      %dma_start3A_6 = tpu.memref_slice %arg3[%add3A, %dma_start3A, %dma_start3A_5] : memref<32x80x128xi32, #tpu.memory_space<hbm>> -> memref<1x80x128xi32, #tpu.memory_space<hbm>>
      %dma_start3A_7 = tpu.memref_squeeze %dma_start3A_6 : memref<1x80x128xi32, #tpu.memory_space<hbm>> -> memref<80x128xi32, #tpu.memory_space<hbm>>
      %dma_start3A_8 = arith.constant 0 : i32
      %dma_start3A_9 = arith.constant 0 : i32
      %dma_start3A_10 = tpu.memref_slice %arg3[%add3A, %dma_start3A_8, %dma_start3A_9] : memref<32x80x128xi32, #tpu.memory_space<hbm>> -> memref<1x80x128xi32, #tpu.memory_space<hbm>>
      %dma_start3A_11 = tpu.memref_squeeze %dma_start3A_10 : memref<1x80x128xi32, #tpu.memory_space<hbm>> -> memref<80x128xi32, #tpu.memory_space<hbm>>
      tpu.enqueue_dma source(%dma_start3A_11 : memref<80x128xi32, #tpu.memory_space<hbm>>) target(%arg5 : memref<80x128xi32, #tpu.memory_space<vmem>>) target_semaphore(%run_scoped3A : memref<!tpu.dma_semaphore, #tpu.memory_space<semaphore_mem>>)
      %dma_wait3A = arith.constant 0 : i32
      %dma_wait3A_12 = arith.constant 0 : i32
      %dma_wait3A_13 = tpu.memref_slice %arg3[%add3A, %dma_wait3A, %dma_wait3A_12] : memref<32x80x128xi32, #tpu.memory_space<hbm>> -> memref<1x80x128xi32, #tpu.memory_space<hbm>>
      %dma_wait3A_14 = tpu.memref_squeeze %dma_wait3A_13 : memref<1x80x128xi32, #tpu.memory_space<hbm>> -> memref<80x128xi32, #tpu.memory_space<hbm>>
      %dma_wait3A_15 = arith.constant 0 : i32
      %dma_wait3A_16 = arith.constant 0 : i32
      %dma_wait3A_17 = tpu.memref_slice %arg3[%add3A, %dma_wait3A_15, %dma_wait3A_16] : memref<32x80x128xi32, #tpu.memory_space<hbm>> -> memref<1x80x128xi32, #tpu.memory_space<hbm>>
      %dma_wait3A_18 = tpu.memref_squeeze %dma_wait3A_17 : memref<1x80x128xi32, #tpu.memory_space<hbm>> -> memref<80x128xi32, #tpu.memory_space<hbm>>
      tpu.wait_dma2 semaphore(%run_scoped3A : memref<!tpu.dma_semaphore, #tpu.memory_space<semaphore_mem>>) src(%dma_wait3A_18 : memref<80x128xi32, #tpu.memory_space<hbm>>) dst(%arg5 : memref<80x128xi32, #tpu.memory_space<vmem>>)
      tpu.yield
    }) : () -> ()
    %scan3A = arith.constant 0 : i32
    %scan3A_1 = arith.constant 20 : i32
    %scan3A_2 = arith.addi %scan3A, %scan3A_1 : i32
    %scan3A_3 = arith.constant 1 : i32
    scf.for %scan3A_5 = %scan3A to %scan3A_2 step %scan3A_3  : i32 {
      %mul3A_6 = arith.constant 4 : i32
      %mul3A_7 = arith.muli %scan3A_5, %mul3A_6 : i32
      %add3A_8 = arith.constant 0 : i32
      %add3A_9 = arith.addi %mul3A_7, %add3A_8 : i32
      %dma_start3A = arith.constant 0 : i32
      %dma_start3A_10 = arith.constant 0 : i32
      %dma_start3A_11 = tpu.memref_slice %arg6[%dma_start3A, %dma_start3A_10] : memref<512x128xf32, #tpu.memory_space<vmem>> -> memref<128x128xf32, #tpu.memory_space<vmem>>
      %dma_start3A_12 = arith.constant 0 : i32
      %dma_start3A_13 = tpu.memref_slice %arg5[%add3A_9, %dma_start3A_12] : memref<80x128xi32, #tpu.memory_space<vmem>> -> memref<1x128xi32, #tpu.memory_space<vmem>>
      %dma_start3A_14 = tpu.memref_squeeze %dma_start3A_13 : memref<1x128xi32, #tpu.memory_space<vmem>> -> memref<128xi32, #tpu.memory_space<vmem>>
      %dma_start3A_15 = arith.constant 0 : i32
      %dma_start3A_16 = arith.constant 0 : i32
      %dma_start3A_17 = tpu.memref_slice %arg2[%dma_start3A_15, %dma_start3A_16] : memref<10000x128xf32, #tpu.memory_space<hbm>> -> memref<10000x128xf32, #tpu.memory_space<hbm>>
      tpu.enqueue_indirect_dma source(%dma_start3A_17 : memref<10000x128xf32, #tpu.memory_space<hbm>>) target(%dma_start3A_11 : memref<128x128xf32, #tpu.memory_space<vmem>>) offsets(%dma_start3A_14 : memref<128xi32, #tpu.memory_space<vmem>>) semaphore(%arg7 : memref<!tpu.dma_semaphore, #tpu.memory_space<semaphore_mem>>)
      %mul3A_18 = arith.constant 4 : i32
      %mul3A_19 = arith.muli %scan3A_5, %mul3A_18 : i32
      %add3A_20 = arith.constant 1 : i32
      %add3A_21 = arith.addi %mul3A_19, %add3A_20 : i32
      %dma_start3A_22 = arith.constant 128 : i32
      %dma_start3A_23 = arith.constant 0 : i32
      %dma_start3A_24 = tpu.memref_slice %arg6[%dma_start3A_22, %dma_start3A_23] : memref<512x128xf32, #tpu.memory_space<vmem>> -> memref<128x128xf32, #tpu.memory_space<vmem>>
      %dma_start3A_25 = arith.constant 0 : i32
      %dma_start3A_26 = tpu.memref_slice %arg5[%add3A_21, %dma_start3A_25] : memref<80x128xi32, #tpu.memory_space<vmem>> -> memref<1x128xi32, #tpu.memory_space<vmem>>
      %dma_start3A_27 = tpu.memref_squeeze %dma_start3A_26 : memref<1x128xi32, #tpu.memory_space<vmem>> -> memref<128xi32, #tpu.memory_space<vmem>>
      %dma_start3A_28 = arith.constant 0 : i32
      %dma_start3A_29 = arith.constant 0 : i32
      %dma_start3A_30 = tpu.memref_slice %arg2[%dma_start3A_28, %dma_start3A_29] : memref<10000x128xf32, #tpu.memory_space<hbm>> -> memref<10000x128xf32, #tpu.memory_space<hbm>>
      tpu.enqueue_indirect_dma source(%dma_start3A_30 : memref<10000x128xf32, #tpu.memory_space<hbm>>) target(%dma_start3A_24 : memref<128x128xf32, #tpu.memory_space<vmem>>) offsets(%dma_start3A_27 : memref<128xi32, #tpu.memory_space<vmem>>) semaphore(%arg8 : memref<!tpu.dma_semaphore, #tpu.memory_space<semaphore_mem>>)
      %mul3A_31 = arith.constant 4 : i32
      %mul3A_32 = arith.muli %scan3A_5, %mul3A_31 : i32
      %add3A_33 = arith.constant 2 : i32
      %add3A_34 = arith.addi %mul3A_32, %add3A_33 : i32
      %dma_start3A_35 = arith.constant 256 : i32
      %dma_start3A_36 = arith.constant 0 : i32
      %dma_start3A_37 = tpu.memref_slice %arg6[%dma_start3A_35, %dma_start3A_36] : memref<512x128xf32, #tpu.memory_space<vmem>> -> memref<128x128xf32, #tpu.memory_space<vmem>>
      %dma_start3A_38 = arith.constant 0 : i32
      %dma_start3A_39 = tpu.memref_slice %arg5[%add3A_34, %dma_start3A_38] : memref<80x128xi32, #tpu.memory_space<vmem>> -> memref<1x128xi32, #tpu.memory_space<vmem>>
      %dma_start3A_40 = tpu.memref_squeeze %dma_start3A_39 : memref<1x128xi32, #tpu.memory_space<vmem>> -> memref<128xi32, #tpu.memory_space<vmem>>
      %dma_start3A_41 = arith.constant 0 : i32
      %dma_start3A_42 = arith.constant 0 : i32
      %dma_start3A_43 = tpu.memref_slice %arg2[%dma_start3A_41, %dma_start3A_42] : memref<10000x128xf32, #tpu.memory_space<hbm>> -> memref<10000x128xf32, #tpu.memory_space<hbm>>
      tpu.enqueue_indirect_dma source(%dma_start3A_43 : memref<10000x128xf32, #tpu.memory_space<hbm>>) target(%dma_start3A_37 : memref<128x128xf32, #tpu.memory_space<vmem>>) offsets(%dma_start3A_40 : memref<128xi32, #tpu.memory_space<vmem>>) semaphore(%arg9 : memref<!tpu.dma_semaphore, #tpu.memory_space<semaphore_mem>>)
      %mul3A_44 = arith.constant 4 : i32
      %mul3A_45 = arith.muli %scan3A_5, %mul3A_44 : i32
      %add3A_46 = arith.constant 3 : i32
      %add3A_47 = arith.addi %mul3A_45, %add3A_46 : i32
      %dma_start3A_48 = arith.constant 384 : i32
      %dma_start3A_49 = arith.constant 0 : i32
      %dma_start3A_50 = tpu.memref_slice %arg6[%dma_start3A_48, %dma_start3A_49] : memref<512x128xf32, #tpu.memory_space<vmem>> -> memref<128x128xf32, #tpu.memory_space<vmem>>
      %dma_start3A_51 = arith.constant 0 : i32
      %dma_start3A_52 = tpu.memref_slice %arg5[%add3A_47, %dma_start3A_51] : memref<80x128xi32, #tpu.memory_space<vmem>> -> memref<1x128xi32, #tpu.memory_space<vmem>>
      %dma_start3A_53 = tpu.memref_squeeze %dma_start3A_52 : memref<1x128xi32, #tpu.memory_space<vmem>> -> memref<128xi32, #tpu.memory_space<vmem>>
      %dma_start3A_54 = arith.constant 0 : i32
      %dma_start3A_55 = arith.constant 0 : i32
      %dma_start3A_56 = tpu.memref_slice %arg2[%dma_start3A_54, %dma_start3A_55] : memref<10000x128xf32, #tpu.memory_space<hbm>> -> memref<10000x128xf32, #tpu.memory_space<hbm>>
      tpu.enqueue_indirect_dma source(%dma_start3A_56 : memref<10000x128xf32, #tpu.memory_space<hbm>>) target(%dma_start3A_50 : memref<128x128xf32, #tpu.memory_space<vmem>>) offsets(%dma_start3A_53 : memref<128xi32, #tpu.memory_space<vmem>>) semaphore(%arg10 : memref<!tpu.dma_semaphore, #tpu.memory_space<semaphore_mem>>)
      %dma_wait3A = arith.constant 0 : i32
      %dma_wait3A_57 = arith.constant 0 : i32
      %dma_wait3A_58 = tpu.memref_slice %arg6[%dma_wait3A, %dma_wait3A_57] : memref<512x128xf32, #tpu.memory_space<vmem>> -> memref<128x128xf32, #tpu.memory_space<vmem>>
      %dma_wait3A_59 = arith.constant 0 : i32
      %dma_wait3A_60 = tpu.memref_slice %arg5[%add3A_9, %dma_wait3A_59] : memref<80x128xi32, #tpu.memory_space<vmem>> -> memref<1x128xi32, #tpu.memory_space<vmem>>
      %dma_wait3A_61 = tpu.memref_squeeze %dma_wait3A_60 : memref<1x128xi32, #tpu.memory_space<vmem>> -> memref<128xi32, #tpu.memory_space<vmem>>
      %dma_wait3A_62 = arith.constant 0 : i32
      %dma_wait3A_63 = arith.constant 0 : i32
      %dma_wait3A_64 = tpu.memref_slice %arg2[%dma_wait3A_62, %dma_wait3A_63] : memref<10000x128xf32, #tpu.memory_space<hbm>> -> memref<10000x128xf32, #tpu.memory_space<hbm>>
      tpu.wait_indirect_dma semaphore(%arg7 : memref<!tpu.dma_semaphore, #tpu.memory_space<semaphore_mem>>) src(%dma_wait3A_64 : memref<10000x128xf32, #tpu.memory_space<hbm>>) dst(%dma_wait3A_58 : memref<128x128xf32, #tpu.memory_space<vmem>>)
      %dma_wait3A_65 = arith.constant 128 : i32
      %dma_wait3A_66 = arith.constant 0 : i32
      %dma_wait3A_67 = tpu.memref_slice %arg6[%dma_wait3A_65, %dma_wait3A_66] : memref<512x128xf32, #tpu.memory_space<vmem>> -> memref<128x128xf32, #tpu.memory_space<vmem>>
      %dma_wait3A_68 = arith.constant 0 : i32
      %dma_wait3A_69 = tpu.memref_slice %arg5[%add3A_21, %dma_wait3A_68] : memref<80x128xi32, #tpu.memory_space<vmem>> -> memref<1x128xi32, #tpu.memory_space<vmem>>
      %dma_wait3A_70 = tpu.memref_squeeze %dma_wait3A_69 : memref<1x128xi32, #tpu.memory_space<vmem>> -> memref<128xi32, #tpu.memory_space<vmem>>
      %dma_wait3A_71 = arith.constant 0 : i32
      %dma_wait3A_72 = arith.constant 0 : i32
      %dma_wait3A_73 = tpu.memref_slice %arg2[%dma_wait3A_71, %dma_wait3A_72] : memref<10000x128xf32, #tpu.memory_space<hbm>> -> memref<10000x128xf32, #tpu.memory_space<hbm>>
      tpu.wait_indirect_dma semaphore(%arg8 : memref<!tpu.dma_semaphore, #tpu.memory_space<semaphore_mem>>) src(%dma_wait3A_73 : memref<10000x128xf32, #tpu.memory_space<hbm>>) dst(%dma_wait3A_67 : memref<128x128xf32, #tpu.memory_space<vmem>>)
      %dma_wait3A_74 = arith.constant 256 : i32
      %dma_wait3A_75 = arith.constant 0 : i32
      %dma_wait3A_76 = tpu.memref_slice %arg6[%dma_wait3A_74, %dma_wait3A_75] : memref<512x128xf32, #tpu.memory_space<vmem>> -> memref<128x128xf32, #tpu.memory_space<vmem>>
      %dma_wait3A_77 = arith.constant 0 : i32
      %dma_wait3A_78 = tpu.memref_slice %arg5[%add3A_34, %dma_wait3A_77] : memref<80x128xi32, #tpu.memory_space<vmem>> -> memref<1x128xi32, #tpu.memory_space<vmem>>
      %dma_wait3A_79 = tpu.memref_squeeze %dma_wait3A_78 : memref<1x128xi32, #tpu.memory_space<vmem>> -> memref<128xi32, #tpu.memory_space<vmem>>
      %dma_wait3A_80 = arith.constant 0 : i32
      %dma_wait3A_81 = arith.constant 0 : i32
      %dma_wait3A_82 = tpu.memref_slice %arg2[%dma_wait3A_80, %dma_wait3A_81] : memref<10000x128xf32, #tpu.memory_space<hbm>> -> memref<10000x128xf32, #tpu.memory_space<hbm>>
      tpu.wait_indirect_dma semaphore(%arg9 : memref<!tpu.dma_semaphore, #tpu.memory_space<semaphore_mem>>) src(%dma_wait3A_82 : memref<10000x128xf32, #tpu.memory_space<hbm>>) dst(%dma_wait3A_76 : memref<128x128xf32, #tpu.memory_space<vmem>>)
      %dma_wait3A_83 = arith.constant 384 : i32
      %dma_wait3A_84 = arith.constant 0 : i32
      %dma_wait3A_85 = tpu.memref_slice %arg6[%dma_wait3A_83, %dma_wait3A_84] : memref<512x128xf32, #tpu.memory_space<vmem>> -> memref<128x128xf32, #tpu.memory_space<vmem>>
      %dma_wait3A_86 = arith.constant 0 : i32
      %dma_wait3A_87 = tpu.memref_slice %arg5[%add3A_47, %dma_wait3A_86] : memref<80x128xi32, #tpu.memory_space<vmem>> -> memref<1x128xi32, #tpu.memory_space<vmem>>
      %dma_wait3A_88 = tpu.memref_squeeze %dma_wait3A_87 : memref<1x128xi32, #tpu.memory_space<vmem>> -> memref<128xi32, #tpu.memory_space<vmem>>
      %dma_wait3A_89 = arith.constant 0 : i32
      %dma_wait3A_90 = arith.constant 0 : i32
      %dma_wait3A_91 = tpu.memref_slice %arg2[%dma_wait3A_89, %dma_wait3A_90] : memref<10000x128xf32, #tpu.memory_space<hbm>> -> memref<10000x128xf32, #tpu.memory_space<hbm>>
      tpu.wait_indirect_dma semaphore(%arg10 : memref<!tpu.dma_semaphore, #tpu.memory_space<semaphore_mem>>) src(%dma_wait3A_91 : memref<10000x128xf32, #tpu.memory_space<hbm>>) dst(%dma_wait3A_85 : memref<128x128xf32, #tpu.memory_space<vmem>>)
      "tpu.region"() ({
        %run_scoped3A = tpu.sem_alloc : memref<!tpu.dma_semaphore, #tpu.memory_space<semaphore_mem>>
        %dma_start3A_92 = arith.constant 0 : i32
        %dma_start3A_93 = arith.constant 0 : i32
        %dma_start3A_94 = tpu.memref_slice %arg4[%add3A, %scan3A_5, %dma_start3A_92, %dma_start3A_93] : memref<32x20x512x128xf32, #tpu.memory_space<hbm>> -> memref<1x1x512x128xf32, #tpu.memory_space<hbm>>
        %dma_start3A_95 = tpu.memref_squeeze %dma_start3A_94 : memref<1x1x512x128xf32, #tpu.memory_space<hbm>> -> memref<512x128xf32, #tpu.memory_space<hbm>>
        %dma_start3A_96 = arith.constant 0 : i32
        %dma_start3A_97 = arith.constant 0 : i32
        %dma_start3A_98 = tpu.memref_slice %arg4[%add3A, %scan3A_5, %dma_start3A_96, %dma_start3A_97] : memref<32x20x512x128xf32, #tpu.memory_space<hbm>> -> memref<1x1x512x128xf32, #tpu.memory_space<hbm>>
        %dma_start3A_99 = tpu.memref_squeeze %dma_start3A_98 : memref<1x1x512x128xf32, #tpu.memory_space<hbm>> -> memref<512x128xf32, #tpu.memory_space<hbm>>
        tpu.enqueue_dma source(%arg6 : memref<512x128xf32, #tpu.memory_space<vmem>>) target(%dma_start3A_99 : memref<512x128xf32, #tpu.memory_space<hbm>>) target_semaphore(%run_scoped3A : memref<!tpu.dma_semaphore, #tpu.memory_space<semaphore_mem>>)
        %dma_wait3A_100 = arith.constant 0 : i32
        %dma_wait3A_101 = arith.constant 0 : i32
        %dma_wait3A_102 = tpu.memref_slice %arg4[%add3A, %scan3A_5, %dma_wait3A_100, %dma_wait3A_101] : memref<32x20x512x128xf32, #tpu.memory_space<hbm>> -> memref<1x1x512x128xf32, #tpu.memory_space<hbm>>
        %dma_wait3A_103 = tpu.memref_squeeze %dma_wait3A_102 : memref<1x1x512x128xf32, #tpu.memory_space<hbm>> -> memref<512x128xf32, #tpu.memory_space<hbm>>
        %dma_wait3A_104 = arith.constant 0 : i32
        %dma_wait3A_105 = arith.constant 0 : i32
        %dma_wait3A_106 = tpu.memref_slice %arg4[%add3A, %scan3A_5, %dma_wait3A_104, %dma_wait3A_105] : memref<32x20x512x128xf32, #tpu.memory_space<hbm>> -> memref<1x1x512x128xf32, #tpu.memory_space<hbm>>
        %dma_wait3A_107 = tpu.memref_squeeze %dma_wait3A_106 : memref<1x1x512x128xf32, #tpu.memory_space<hbm>> -> memref<512x128xf32, #tpu.memory_space<hbm>>
        tpu.wait_dma2 semaphore(%run_scoped3A : memref<!tpu.dma_semaphore, #tpu.memory_space<semaphore_mem>>) src(%arg6 : memref<512x128xf32, #tpu.memory_space<vmem>>) dst(%dma_wait3A_107 : memref<512x128xf32, #tpu.memory_space<hbm>>)
        tpu.yield
      }) : () -> ()
    }
    %scan3A_4 = arith.constant 20 : i32
    return
  }
}

#map = affine_map<(d0, d1) -> (0, 0)>
#map1 = affine_map<(d0, d1) -> (0, 0, 0)>
#map2 = affine_map<(d0, d1) -> (0, 0, 0, 0)>
module attributes {stable_mosaic.version = 14 : i64} {
  func.func @gather_k(%arg0: i32, %arg1: i32, %arg2: memref<10000x128xf32, #tpu.memory_space<hbm>>, %arg3: memref<32x80x128xi32, #tpu.memory_space<hbm>>, %arg4: memref<32x20x512x128xf32, #tpu.memory_space<hbm>>, %arg5: memref<80x128xi32, #tpu.memory_space<vmem>>, %arg6: memref<512x128xf32, #tpu.memory_space<vmem>>, %arg7: memref<!tpu.dma_semaphore, #tpu.memory_space<semaphore_mem>>, %arg8: memref<!tpu.dma_semaphore, #tpu.memory_space<semaphore_mem>>, %arg9: memref<!tpu.dma_semaphore, #tpu.memory_space<semaphore_mem>>, %arg10: memref<!tpu.dma_semaphore, #tpu.memory_space<semaphore_mem>>) attributes {dimension_semantics = [#tpu.dimension_semantics<core_parallel>, #tpu.dimension_semantics<subcore_parallel>], iteration_bounds = array<i64: 2, 16>, scalar_prefetch = 0 : i64, scratch_operands = 6 : i64, tpu.core_type = #tpu.core_type<sc_vector_subcore>, window_params = [{transform_indices = #map}, {transform_indices = #map1}, {transform_indices = #map2}]} {
    %mul3A = arith.constant 16 : i32
    %mul3A_0 = arith.muli %arg0, %mul3A : i32
    %add3A = arith.addi %mul3A_0, %arg1 : i32
    "tpu.region"() ({
      %run_scoped3A = tpu.sem_alloc : memref<!tpu.dma_semaphore, #tpu.memory_space<semaphore_mem>>
      %dma_start3A = arith.constant 0 : i32
      %dma_start3A_5 = arith.constant 0 : i32
      %dma_start3A_6 = tpu.memref_slice %arg3[%add3A, %dma_start3A, %dma_start3A_5] : memref<32x80x128xi32, #tpu.memory_space<hbm>> -> memref<1x80x128xi32, #tpu.memory_space<hbm>>
      %dma_start3A_7 = tpu.memref_squeeze %dma_start3A_6 : memref<1x80x128xi32, #tpu.memory_space<hbm>> -> memref<80x128xi32, #tpu.memory_space<hbm>>
      %dma_start3A_8 = arith.constant 0 : i32
      %dma_start3A_9 = arith.constant 0 : i32
      %dma_start3A_10 = tpu.memref_slice %arg3[%add3A, %dma_start3A_8, %dma_start3A_9] : memref<32x80x128xi32, #tpu.memory_space<hbm>> -> memref<1x80x128xi32, #tpu.memory_space<hbm>>
      %dma_start3A_11 = tpu.memref_squeeze %dma_start3A_10 : memref<1x80x128xi32, #tpu.memory_space<hbm>> -> memref<80x128xi32, #tpu.memory_space<hbm>>
      tpu.enqueue_dma source(%dma_start3A_11 : memref<80x128xi32, #tpu.memory_space<hbm>>) target(%arg5 : memref<80x128xi32, #tpu.memory_space<vmem>>) target_semaphore(%run_scoped3A : memref<!tpu.dma_semaphore, #tpu.memory_space<semaphore_mem>>)
      %dma_wait3A = arith.constant 0 : i32
      %dma_wait3A_12 = arith.constant 0 : i32
      %dma_wait3A_13 = tpu.memref_slice %arg3[%add3A, %dma_wait3A, %dma_wait3A_12] : memref<32x80x128xi32, #tpu.memory_space<hbm>> -> memref<1x80x128xi32, #tpu.memory_space<hbm>>
      %dma_wait3A_14 = tpu.memref_squeeze %dma_wait3A_13 : memref<1x80x128xi32, #tpu.memory_space<hbm>> -> memref<80x128xi32, #tpu.memory_space<hbm>>
      %dma_wait3A_15 = arith.constant 0 : i32
      %dma_wait3A_16 = arith.constant 0 : i32
      %dma_wait3A_17 = tpu.memref_slice %arg3[%add3A, %dma_wait3A_15, %dma_wait3A_16] : memref<32x80x128xi32, #tpu.memory_space<hbm>> -> memref<1x80x128xi32, #tpu.memory_space<hbm>>
      %dma_wait3A_18 = tpu.memref_squeeze %dma_wait3A_17 : memref<1x80x128xi32, #tpu.memory_space<hbm>> -> memref<80x128xi32, #tpu.memory_space<hbm>>
      tpu.wait_dma2 semaphore(%run_scoped3A : memref<!tpu.dma_semaphore, #tpu.memory_space<semaphore_mem>>) src(%dma_wait3A_18 : memref<80x128xi32, #tpu.memory_space<hbm>>) dst(%arg5 : memref<80x128xi32, #tpu.memory_space<vmem>>)
      tpu.yield
    }) : () -> ()
    %scan3A = arith.constant 0 : i32
    %scan3A_1 = arith.constant 20 : i32
    %scan3A_2 = arith.addi %scan3A, %scan3A_1 : i32
    %scan3A_3 = arith.constant 1 : i32
    scf.for %scan3A_5 = %scan3A to %scan3A_2 step %scan3A_3  : i32 {
      %mul3A_6 = arith.constant 4 : i32
      %mul3A_7 = arith.muli %scan3A_5, %mul3A_6 : i32
      %add3A_8 = arith.constant 0 : i32
      %add3A_9 = arith.addi %mul3A_7, %add3A_8 : i32
      %dma_start3A = arith.constant 0 : i32
      %dma_start3A_10 = arith.constant 0 : i32
      %dma_start3A_11 = tpu.memref_slice %arg6[%dma_start3A, %dma_start3A_10] : memref<512x128xf32, #tpu.memory_space<vmem>> -> memref<128x128xf32, #tpu.memory_space<vmem>>
      %dma_start3A_12 = arith.constant 0 : i32
      %dma_start3A_13 = tpu.memref_slice %arg5[%add3A_9, %dma_start3A_12] : memref<80x128xi32, #tpu.memory_space<vmem>> -> memref<1x128xi32, #tpu.memory_space<vmem>>
      %dma_start3A_14 = tpu.memref_squeeze %dma_start3A_13 : memref<1x128xi32, #tpu.memory_space<vmem>> -> memref<128xi32, #tpu.memory_space<vmem>>
      %dma_start3A_15 = arith.constant 0 : i32
      %dma_start3A_16 = arith.constant 0 : i32
      %dma_start3A_17 = tpu.memref_slice %arg2[%dma_start3A_15, %dma_start3A_16] : memref<10000x128xf32, #tpu.memory_space<hbm>> -> memref<10000x128xf32, #tpu.memory_space<hbm>>
      tpu.enqueue_indirect_dma source(%dma_start3A_17 : memref<10000x128xf32, #tpu.memory_space<hbm>>) target(%dma_start3A_11 : memref<128x128xf32, #tpu.memory_space<vmem>>) offsets(%dma_start3A_14 : memref<128xi32, #tpu.memory_space<vmem>>) semaphore(%arg7 : memref<!tpu.dma_semaphore, #tpu.memory_space<semaphore_mem>>)
      %mul3A_18 = arith.constant 4 : i32
      %mul3A_19 = arith.muli %scan3A_5, %mul3A_18 : i32
      %add3A_20 = arith.constant 1 : i32
      %add3A_21 = arith.addi %mul3A_19, %add3A_20 : i32
      %dma_start3A_22 = arith.constant 128 : i32
      %dma_start3A_23 = arith.constant 0 : i32
      %dma_start3A_24 = tpu.memref_slice %arg6[%dma_start3A_22, %dma_start3A_23] : memref<512x128xf32, #tpu.memory_space<vmem>> -> memref<128x128xf32, #tpu.memory_space<vmem>>
      %dma_start3A_25 = arith.constant 0 : i32
      %dma_start3A_26 = tpu.memref_slice %arg5[%add3A_21, %dma_start3A_25] : memref<80x128xi32, #tpu.memory_space<vmem>> -> memref<1x128xi32, #tpu.memory_space<vmem>>
      %dma_start3A_27 = tpu.memref_squeeze %dma_start3A_26 : memref<1x128xi32, #tpu.memory_space<vmem>> -> memref<128xi32, #tpu.memory_space<vmem>>
      %dma_start3A_28 = arith.constant 0 : i32
      %dma_start3A_29 = arith.constant 0 : i32
      %dma_start3A_30 = tpu.memref_slice %arg2[%dma_start3A_28, %dma_start3A_29] : memref<10000x128xf32, #tpu.memory_space<hbm>> -> memref<10000x128xf32, #tpu.memory_space<hbm>>
      tpu.enqueue_indirect_dma source(%dma_start3A_30 : memref<10000x128xf32, #tpu.memory_space<hbm>>) target(%dma_start3A_24 : memref<128x128xf32, #tpu.memory_space<vmem>>) offsets(%dma_start3A_27 : memref<128xi32, #tpu.memory_space<vmem>>) semaphore(%arg8 : memref<!tpu.dma_semaphore, #tpu.memory_space<semaphore_mem>>)
      %mul3A_31 = arith.constant 4 : i32
      %mul3A_32 = arith.muli %scan3A_5, %mul3A_31 : i32
      %add3A_33 = arith.constant 2 : i32
      %add3A_34 = arith.addi %mul3A_32, %add3A_33 : i32
      %dma_start3A_35 = arith.constant 256 : i32
      %dma_start3A_36 = arith.constant 0 : i32
      %dma_start3A_37 = tpu.memref_slice %arg6[%dma_start3A_35, %dma_start3A_36] : memref<512x128xf32, #tpu.memory_space<vmem>> -> memref<128x128xf32, #tpu.memory_space<vmem>>
      %dma_start3A_38 = arith.constant 0 : i32
      %dma_start3A_39 = tpu.memref_slice %arg5[%add3A_34, %dma_start3A_38] : memref<80x128xi32, #tpu.memory_space<vmem>> -> memref<1x128xi32, #tpu.memory_space<vmem>>
      %dma_start3A_40 = tpu.memref_squeeze %dma_start3A_39 : memref<1x128xi32, #tpu.memory_space<vmem>> -> memref<128xi32, #tpu.memory_space<vmem>>
      %dma_start3A_41 = arith.constant 0 : i32
      %dma_start3A_42 = arith.constant 0 : i32
      %dma_start3A_43 = tpu.memref_slice %arg2[%dma_start3A_41, %dma_start3A_42] : memref<10000x128xf32, #tpu.memory_space<hbm>> -> memref<10000x128xf32, #tpu.memory_space<hbm>>
      tpu.enqueue_indirect_dma source(%dma_start3A_43 : memref<10000x128xf32, #tpu.memory_space<hbm>>) target(%dma_start3A_37 : memref<128x128xf32, #tpu.memory_space<vmem>>) offsets(%dma_start3A_40 : memref<128xi32, #tpu.memory_space<vmem>>) semaphore(%arg9 : memref<!tpu.dma_semaphore, #tpu.memory_space<semaphore_mem>>)
      %mul3A_44 = arith.constant 4 : i32
      %mul3A_45 = arith.muli %scan3A_5, %mul3A_44 : i32
      %add3A_46 = arith.constant 3 : i32
      %add3A_47 = arith.addi %mul3A_45, %add3A_46 : i32
      %dma_start3A_48 = arith.constant 384 : i32
      %dma_start3A_49 = arith.constant 0 : i32
      %dma_start3A_50 = tpu.memref_slice %arg6[%dma_start3A_48, %dma_start3A_49] : memref<512x128xf32, #tpu.memory_space<vmem>> -> memref<128x128xf32, #tpu.memory_space<vmem>>
      %dma_start3A_51 = arith.constant 0 : i32
      %dma_start3A_52 = tpu.memref_slice %arg5[%add3A_47, %dma_start3A_51] : memref<80x128xi32, #tpu.memory_space<vmem>> -> memref<1x128xi32, #tpu.memory_space<vmem>>
      %dma_start3A_53 = tpu.memref_squeeze %dma_start3A_52 : memref<1x128xi32, #tpu.memory_space<vmem>> -> memref<128xi32, #tpu.memory_space<vmem>>
      %dma_start3A_54 = arith.constant 0 : i32
      %dma_start3A_55 = arith.constant 0 : i32
      %dma_start3A_56 = tpu.memref_slice %arg2[%dma_start3A_54, %dma_start3A_55] : memref<10000x128xf32, #tpu.memory_space<hbm>> -> memref<10000x128xf32, #tpu.memory_space<hbm>>
      tpu.enqueue_indirect_dma source(%dma_start3A_56 : memref<10000x128xf32, #tpu.memory_space<hbm>>) target(%dma_start3A_50 : memref<128x128xf32, #tpu.memory_space<vmem>>) offsets(%dma_start3A_53 : memref<128xi32, #tpu.memory_space<vmem>>) semaphore(%arg10 : memref<!tpu.dma_semaphore, #tpu.memory_space<semaphore_mem>>)
      %dma_wait3A = arith.constant 0 : i32
      %dma_wait3A_57 = arith.constant 0 : i32
      %dma_wait3A_58 = tpu.memref_slice %arg6[%dma_wait3A, %dma_wait3A_57] : memref<512x128xf32, #tpu.memory_space<vmem>> -> memref<128x128xf32, #tpu.memory_space<vmem>>
      %dma_wait3A_59 = arith.constant 0 : i32
      %dma_wait3A_60 = tpu.memref_slice %arg5[%add3A_9, %dma_wait3A_59] : memref<80x128xi32, #tpu.memory_space<vmem>> -> memref<1x128xi32, #tpu.memory_space<vmem>>
      %dma_wait3A_61 = tpu.memref_squeeze %dma_wait3A_60 : memref<1x128xi32, #tpu.memory_space<vmem>> -> memref<128xi32, #tpu.memory_space<vmem>>
      %dma_wait3A_62 = arith.constant 0 : i32
      %dma_wait3A_63 = arith.constant 0 : i32
      %dma_wait3A_64 = tpu.memref_slice %arg2[%dma_wait3A_62, %dma_wait3A_63] : memref<10000x128xf32, #tpu.memory_space<hbm>> -> memref<10000x128xf32, #tpu.memory_space<hbm>>
      tpu.wait_indirect_dma semaphore(%arg7 : memref<!tpu.dma_semaphore, #tpu.memory_space<semaphore_mem>>) src(%dma_wait3A_64 : memref<10000x128xf32, #tpu.memory_space<hbm>>) dst(%dma_wait3A_58 : memref<128x128xf32, #tpu.memory_space<vmem>>)
      %dma_wait3A_65 = arith.constant 128 : i32
      %dma_wait3A_66 = arith.constant 0 : i32
      %dma_wait3A_67 = tpu.memref_slice %arg6[%dma_wait3A_65, %dma_wait3A_66] : memref<512x128xf32, #tpu.memory_space<vmem>> -> memref<128x128xf32, #tpu.memory_space<vmem>>
      %dma_wait3A_68 = arith.constant 0 : i32
      %dma_wait3A_69 = tpu.memref_slice %arg5[%add3A_21, %dma_wait3A_68] : memref<80x128xi32, #tpu.memory_space<vmem>> -> memref<1x128xi32, #tpu.memory_space<vmem>>
      %dma_wait3A_70 = tpu.memref_squeeze %dma_wait3A_69 : memref<1x128xi32, #tpu.memory_space<vmem>> -> memref<128xi32, #tpu.memory_space<vmem>>
      %dma_wait3A_71 = arith.constant 0 : i32
      %dma_wait3A_72 = arith.constant 0 : i32
      %dma_wait3A_73 = tpu.memref_slice %arg2[%dma_wait3A_71, %dma_wait3A_72] : memref<10000x128xf32, #tpu.memory_space<hbm>> -> memref<10000x128xf32, #tpu.memory_space<hbm>>
      tpu.wait_indirect_dma semaphore(%arg8 : memref<!tpu.dma_semaphore, #tpu.memory_space<semaphore_mem>>) src(%dma_wait3A_73 : memref<10000x128xf32, #tpu.memory_space<hbm>>) dst(%dma_wait3A_67 : memref<128x128xf32, #tpu.memory_space<vmem>>)
      %dma_wait3A_74 = arith.constant 256 : i32
      %dma_wait3A_75 = arith.constant 0 : i32
      %dma_wait3A_76 = tpu.memref_slice %arg6[%dma_wait3A_74, %dma_wait3A_75] : memref<512x128xf32, #tpu.memory_space<vmem>> -> memref<128x128xf32, #tpu.memory_space<vmem>>
      %dma_wait3A_77 = arith.constant 0 : i32
      %dma_wait3A_78 = tpu.memref_slice %arg5[%add3A_34, %dma_wait3A_77] : memref<80x128xi32, #tpu.memory_space<vmem>> -> memref<1x128xi32, #tpu.memory_space<vmem>>
      %dma_wait3A_79 = tpu.memref_squeeze %dma_wait3A_78 : memref<1x128xi32, #tpu.memory_space<vmem>> -> memref<128xi32, #tpu.memory_space<vmem>>
      %dma_wait3A_80 = arith.constant 0 : i32
      %dma_wait3A_81 = arith.constant 0 : i32
      %dma_wait3A_82 = tpu.memref_slice %arg2[%dma_wait3A_80, %dma_wait3A_81] : memref<10000x128xf32, #tpu.memory_space<hbm>> -> memref<10000x128xf32, #tpu.memory_space<hbm>>
      tpu.wait_indirect_dma semaphore(%arg9 : memref<!tpu.dma_semaphore, #tpu.memory_space<semaphore_mem>>) src(%dma_wait3A_82 : memref<10000x128xf32, #tpu.memory_space<hbm>>) dst(%dma_wait3A_76 : memref<128x128xf32, #tpu.memory_space<vmem>>)
      %dma_wait3A_83 = arith.constant 384 : i32
      %dma_wait3A_84 = arith.constant 0 : i32
      %dma_wait3A_85 = tpu.memref_slice %arg6[%dma_wait3A_83, %dma_wait3A_84] : memref<512x128xf32, #tpu.memory_space<vmem>> -> memref<128x128xf32, #tpu.memory_space<vmem>>
      %dma_wait3A_86 = arith.constant 0 : i32
      %dma_wait3A_87 = tpu.memref_slice %arg5[%add3A_47, %dma_wait3A_86] : memref<80x128xi32, #tpu.memory_space<vmem>> -> memref<1x128xi32, #tpu.memory_space<vmem>>
      %dma_wait3A_88 = tpu.memref_squeeze %dma_wait3A_87 : memref<1x128xi32, #tpu.memory_space<vmem>> -> memref<128xi32, #tpu.memory_space<vmem>>
      %dma_wait3A_89 = arith.constant 0 : i32
      %dma_wait3A_90 = arith.constant 0 : i32
      %dma_wait3A_91 = tpu.memref_slice %arg2[%dma_wait3A_89, %dma_wait3A_90] : memref<10000x128xf32, #tpu.memory_space<hbm>> -> memref<10000x128xf32, #tpu.memory_space<hbm>>
      tpu.wait_indirect_dma semaphore(%arg10 : memref<!tpu.dma_semaphore, #tpu.memory_space<semaphore_mem>>) src(%dma_wait3A_91 : memref<10000x128xf32, #tpu.memory_space<hbm>>) dst(%dma_wait3A_85 : memref<128x128xf32, #tpu.memory_space<vmem>>)
      "tpu.region"() ({
        %run_scoped3A = tpu.sem_alloc : memref<!tpu.dma_semaphore, #tpu.memory_space<semaphore_mem>>
        %dma_start3A_92 = arith.constant 0 : i32
        %dma_start3A_93 = arith.constant 0 : i32
        %dma_start3A_94 = tpu.memref_slice %arg4[%add3A, %scan3A_5, %dma_start3A_92, %dma_start3A_93] : memref<32x20x512x128xf32, #tpu.memory_space<hbm>> -> memref<1x1x512x128xf32, #tpu.memory_space<hbm>>
        %dma_start3A_95 = tpu.memref_squeeze %dma_start3A_94 : memref<1x1x512x128xf32, #tpu.memory_space<hbm>> -> memref<512x128xf32, #tpu.memory_space<hbm>>
        %dma_start3A_96 = arith.constant 0 : i32
        %dma_start3A_97 = arith.constant 0 : i32
        %dma_start3A_98 = tpu.memref_slice %arg4[%add3A, %scan3A_5, %dma_start3A_96, %dma_start3A_97] : memref<32x20x512x128xf32, #tpu.memory_space<hbm>> -> memref<1x1x512x128xf32, #tpu.memory_space<hbm>>
        %dma_start3A_99 = tpu.memref_squeeze %dma_start3A_98 : memref<1x1x512x128xf32, #tpu.memory_space<hbm>> -> memref<512x128xf32, #tpu.memory_space<hbm>>
        tpu.enqueue_dma source(%arg6 : memref<512x128xf32, #tpu.memory_space<vmem>>) target(%dma_start3A_99 : memref<512x128xf32, #tpu.memory_space<hbm>>) target_semaphore(%run_scoped3A : memref<!tpu.dma_semaphore, #tpu.memory_space<semaphore_mem>>)
        %dma_wait3A_100 = arith.constant 0 : i32
        %dma_wait3A_101 = arith.constant 0 : i32
        %dma_wait3A_102 = tpu.memref_slice %arg4[%add3A, %scan3A_5, %dma_wait3A_100, %dma_wait3A_101] : memref<32x20x512x128xf32, #tpu.memory_space<hbm>> -> memref<1x1x512x128xf32, #tpu.memory_space<hbm>>
        %dma_wait3A_103 = tpu.memref_squeeze %dma_wait3A_102 : memref<1x1x512x128xf32, #tpu.memory_space<hbm>> -> memref<512x128xf32, #tpu.memory_space<hbm>>
        %dma_wait3A_104 = arith.constant 0 : i32
        %dma_wait3A_105 = arith.constant 0 : i32
        %dma_wait3A_106 = tpu.memref_slice %arg4[%add3A, %scan3A_5, %dma_wait3A_104, %dma_wait3A_105] : memref<32x20x512x128xf32, #tpu.memory_space<hbm>> -> memref<1x1x512x128xf32, #tpu.memory_space<hbm>>
        %dma_wait3A_107 = tpu.memref_squeeze %dma_wait3A_106 : memref<1x1x512x128xf32, #tpu.memory_space<hbm>> -> memref<512x128xf32, #tpu.memory_space<hbm>>
        tpu.wait_dma2 semaphore(%run_scoped3A : memref<!tpu.dma_semaphore, #tpu.memory_space<semaphore_mem>>) src(%arg6 : memref<512x128xf32, #tpu.memory_space<vmem>>) dst(%dma_wait3A_107 : memref<512x128xf32, #tpu.memory_space<hbm>>)
        tpu.yield
      }) : () -> ()
    }
    %scan3A_4 = arith.constant 20 : i32
    return
  }
}

#map = affine_map<(d0, d1) -> (0, 0, 0, 0)>
#map1 = affine_map<(d0, d1) -> (0, 0, 0)>
#map2 = affine_map<(d0, d1) -> (0, 0)>
module attributes {stable_mosaic.version = 14 : i64} {
  func.func @scatter_k(%arg0: i32, %arg1: i32, %arg2: memref<32x80x128x128xf32, #tpu.memory_space<hbm>>, %arg3: memref<32x80x128xi32, #tpu.memory_space<hbm>>, %arg4: memref<128x128xf32, #tpu.memory_space<hbm>>, %arg5: memref<10240x128xf32, #tpu.memory_space<hbm>>, %arg6: memref<80x128xi32, #tpu.memory_space<vmem>>, %arg7: memref<80x128xi32, #tpu.memory_space<vmem>>, %arg8: memref<2x128x128xf32, #tpu.memory_space<vmem>>, %arg9: memref<128x128xf32, #tpu.memory_space<vmem>>, %arg10: memref<6144x128xf32, #tpu.memory_space<vmem_shared>>, %arg11: memref<!tpu.dma_semaphore, #tpu.memory_space<semaphore_mem>>, %arg12: memref<!tpu.dma_semaphore, #tpu.memory_space<semaphore_mem>>) attributes {dimension_semantics = [#tpu.dimension_semantics<core_parallel>, #tpu.dimension_semantics<subcore_parallel>], iteration_bounds = array<i64: 2, 16>, scalar_prefetch = 0 : i64, scratch_operands = 7 : i64, tpu.core_type = #tpu.core_type<sc_vector_subcore>, window_params = [{transform_indices = #map}, {transform_indices = #map1}, {transform_indices = #map2}, {transform_indices = #map2}]} {
    "tpu.region"() ({
      %run_scoped3A = tpu.sem_alloc : memref<!tpu.dma_semaphore, #tpu.memory_space<semaphore_mem>>
      tpu.enqueue_dma source(%arg4 : memref<128x128xf32, #tpu.memory_space<hbm>>) target(%arg9 : memref<128x128xf32, #tpu.memory_space<vmem>>) target_semaphore(%run_scoped3A : memref<!tpu.dma_semaphore, #tpu.memory_space<semaphore_mem>>)
      tpu.wait_dma2 semaphore(%run_scoped3A : memref<!tpu.dma_semaphore, #tpu.memory_space<semaphore_mem>>) src(%arg4 : memref<128x128xf32, #tpu.memory_space<hbm>>) dst(%arg9 : memref<128x128xf32, #tpu.memory_space<vmem>>)
      tpu.yield
    }) : () -> ()
    %mul3A = arith.constant 384 : i32
    %mul3A_0 = arith.muli %arg1, %mul3A : i32
    %scan3A = arith.constant 0 : i32
    %scan3A_1 = arith.constant 3 : i32
    %scan3A_2 = arith.addi %scan3A, %scan3A_1 : i32
    %scan3A_3 = arith.constant 1 : i32
    scf.for %scan3A_110 = %scan3A to %scan3A_2 step %scan3A_3  : i32 {
      %mul3A_111 = arith.constant 128 : i32
      %mul3A_112 = arith.muli %scan3A_110, %mul3A_111 : i32
      %add3A_113 = arith.addi %mul3A_0, %mul3A_112 : i32
      "tpu.region"() ({
        %run_scoped3A = tpu.sem_alloc : memref<!tpu.dma_semaphore, #tpu.memory_space<semaphore_mem>>
        %dma_start3A_114 = arith.constant 0 : i32
        %dma_start3A_115 = tpu.memref_slice %arg10[%add3A_113, %dma_start3A_114] : memref<6144x128xf32, #tpu.memory_space<vmem_shared>> -> memref<128x128xf32, #tpu.memory_space<vmem_shared>>
        %dma_start3A_116 = arith.constant 0 : i32
        %dma_start3A_117 = tpu.memref_slice %arg10[%add3A_113, %dma_start3A_116] : memref<6144x128xf32, #tpu.memory_space<vmem_shared>> -> memref<128x128xf32, #tpu.memory_space<vmem_shared>>
        tpu.enqueue_dma source(%arg9 : memref<128x128xf32, #tpu.memory_space<vmem>>) target(%dma_start3A_117 : memref<128x128xf32, #tpu.memory_space<vmem_shared>>) target_semaphore(%run_scoped3A : memref<!tpu.dma_semaphore, #tpu.memory_space<semaphore_mem>>)
        %dma_wait3A_118 = arith.constant 0 : i32
        %dma_wait3A_119 = tpu.memref_slice %arg10[%add3A_113, %dma_wait3A_118] : memref<6144x128xf32, #tpu.memory_space<vmem_shared>> -> memref<128x128xf32, #tpu.memory_space<vmem_shared>>
        %dma_wait3A_120 = arith.constant 0 : i32
        %dma_wait3A_121 = tpu.memref_slice %arg10[%add3A_113, %dma_wait3A_120] : memref<6144x128xf32, #tpu.memory_space<vmem_shared>> -> memref<128x128xf32, #tpu.memory_space<vmem_shared>>
        tpu.wait_dma2 semaphore(%run_scoped3A : memref<!tpu.dma_semaphore, #tpu.memory_space<semaphore_mem>>) src(%arg9 : memref<128x128xf32, #tpu.memory_space<vmem>>) dst(%dma_wait3A_121 : memref<128x128xf32, #tpu.memory_space<vmem_shared>>)
        tpu.yield
      }) : () -> ()
    }
    %scan3A_4 = arith.constant 3 : i32
    %barrier3A = arith.constant 0 : index
    tpu.barrier barrier_id(%barrier3A)
    %mul3A_5 = arith.constant 5120 : i32
    %mul3A_6 = arith.muli %arg0, %mul3A_5 : i32
    %mul3A_7 = arith.constant 2 : i32
    %mul3A_8 = arith.muli %mul3A_7, %arg1 : i32
    "tpu.region"() ({
      %run_scoped3A = tpu.sem_alloc : memref<!tpu.dma_semaphore, #tpu.memory_space<semaphore_mem>>
      %dma_start3A_110 = arith.constant 0 : i32
      %dma_start3A_111 = arith.constant 0 : i32
      %dma_start3A_112 = tpu.memref_slice %arg3[%mul3A_8, %dma_start3A_110, %dma_start3A_111] : memref<32x80x128xi32, #tpu.memory_space<hbm>> -> memref<1x80x128xi32, #tpu.memory_space<hbm>>
      %dma_start3A_113 = tpu.memref_squeeze %dma_start3A_112 : memref<1x80x128xi32, #tpu.memory_space<hbm>> -> memref<80x128xi32, #tpu.memory_space<hbm>>
      %dma_start3A_114 = arith.constant 0 : i32
      %dma_start3A_115 = arith.constant 0 : i32
      %dma_start3A_116 = tpu.memref_slice %arg3[%mul3A_8, %dma_start3A_114, %dma_start3A_115] : memref<32x80x128xi32, #tpu.memory_space<hbm>> -> memref<1x80x128xi32, #tpu.memory_space<hbm>>
      %dma_start3A_117 = tpu.memref_squeeze %dma_start3A_116 : memref<1x80x128xi32, #tpu.memory_space<hbm>> -> memref<80x128xi32, #tpu.memory_space<hbm>>
      tpu.enqueue_dma source(%dma_start3A_117 : memref<80x128xi32, #tpu.memory_space<hbm>>) target(%arg6 : memref<80x128xi32, #tpu.memory_space<vmem>>) target_semaphore(%run_scoped3A : memref<!tpu.dma_semaphore, #tpu.memory_space<semaphore_mem>>)
      %dma_wait3A_118 = arith.constant 0 : i32
      %dma_wait3A_119 = arith.constant 0 : i32
      %dma_wait3A_120 = tpu.memref_slice %arg3[%mul3A_8, %dma_wait3A_118, %dma_wait3A_119] : memref<32x80x128xi32, #tpu.memory_space<hbm>> -> memref<1x80x128xi32, #tpu.memory_space<hbm>>
      %dma_wait3A_121 = tpu.memref_squeeze %dma_wait3A_120 : memref<1x80x128xi32, #tpu.memory_space<hbm>> -> memref<80x128xi32, #tpu.memory_space<hbm>>
      %dma_wait3A_122 = arith.constant 0 : i32
      %dma_wait3A_123 = arith.constant 0 : i32
      %dma_wait3A_124 = tpu.memref_slice %arg3[%mul3A_8, %dma_wait3A_122, %dma_wait3A_123] : memref<32x80x128xi32, #tpu.memory_space<hbm>> -> memref<1x80x128xi32, #tpu.memory_space<hbm>>
      %dma_wait3A_125 = tpu.memref_squeeze %dma_wait3A_124 : memref<1x80x128xi32, #tpu.memory_space<hbm>> -> memref<80x128xi32, #tpu.memory_space<hbm>>
      tpu.wait_dma2 semaphore(%run_scoped3A : memref<!tpu.dma_semaphore, #tpu.memory_space<semaphore_mem>>) src(%dma_wait3A_125 : memref<80x128xi32, #tpu.memory_space<hbm>>) dst(%arg6 : memref<80x128xi32, #tpu.memory_space<vmem>>)
      tpu.yield
    }) : () -> ()
    %scan3A_9 = arith.constant 0 : i32
    %scan3A_10 = arith.constant 640 : i32
    %scan3A_11 = arith.addi %scan3A_9, %scan3A_10 : i32
    %scan3A_12 = arith.constant 1 : i32
    scf.for %scan3A_110 = %scan3A_9 to %scan3A_11 step %scan3A_12  : i32 {
      %shift_right_arithmetic3A = arith.constant 3 : i32
      %shift_right_arithmetic3A_111 = arith.shrsi %scan3A_110, %shift_right_arithmetic3A : i32
      %and3A = arith.constant 7 : i32
      %and3A_112 = arith.andi %scan3A_110, %and3A : i32
      %mul3A_113 = arith.constant 16 : i32
      %mul3A_114 = arith.muli %mul3A_113, %and3A_112 : i32
      %get3A = arith.index_cast %shift_right_arithmetic3A_111 : i32 to index
      %get3A_115 = arith.index_cast %mul3A_114 : i32 to index
      %get3A_116 = tpu.vector_load %arg6[%get3A, %get3A_115] {strides = array<i32>} : memref<80x128xi32, #tpu.memory_space<vmem>>, vector<1x16xi32>,
      %get3A_117 = vector.shape_cast %get3A_116 : vector<1x16xi32> to vector<16xi32>
      %sub3A = vector.broadcast %mul3A_6 : i32 to vector<16xi32>
      %sub3A_118 = arith.subi %get3A_117, %sub3A : vector<16xi32>
      %ge3A = arith.constant 0 : i32
      %ge3A_119 = vector.broadcast %ge3A : i32 to vector<16xi32>
      %ge3A_120 = arith.cmpi sge, %sub3A_118, %ge3A_119 : vector<16xi32>
      %lt3A = arith.constant 5120 : i32
      %lt3A_121 = vector.broadcast %lt3A : i32 to vector<16xi32>
      %lt3A_122 = arith.cmpi slt, %sub3A_118, %lt3A_121 : vector<16xi32>
      %and3A_123 = arith.andi %ge3A_120, %lt3A_122 : vector<16xi1>
      %jit3A = arith.constant 6143 : i32
      %broadcast_in_dim3A = vector.broadcast %jit3A : i32 to vector<16xi32>
      %select_n3A = arith.select %and3A_123, %sub3A_118, %broadcast_in_dim3A : vector<16xi1>, vector<16xi32>
      %mul3A_124 = arith.constant 16 : i32
      %mul3A_125 = arith.muli %mul3A_124, %and3A_112 : i32
      %swap3A = arith.index_cast %shift_right_arithmetic3A_111 : i32 to index
      %swap3A_126 = arith.index_cast %mul3A_125 : i32 to index
      %swap3A_127 = tpu.vector_load %arg7[%swap3A, %swap3A_126] {strides = array<i32>} : memref<80x128xi32, #tpu.memory_space<vmem>>, vector<1x16xi32>,
      %swap3A_128 = vector.shape_cast %swap3A_127 : vector<1x16xi32> to vector<16xi32>
      %swap3A_129 = vector.shape_cast %select_n3A : vector<16xi32> to vector<1x16xi32>
      tpu.vector_store %arg7[%swap3A, %swap3A_126], %swap3A_129 {strides = array<i32>} : memref<80x128xi32, #tpu.memory_space<vmem>>, vector<1x16xi32>,
    }
    %scan3A_13 = arith.constant 640 : i32
    %dma_start3A = arith.constant 0 : i32
    %dma_start3A_14 = arith.constant 0 : i32
    %dma_start3A_15 = arith.constant 0 : i32
    %dma_start3A_16 = arith.constant 0 : i32
    %dma_start3A_17 = tpu.memref_slice %arg8[%dma_start3A_14, %dma_start3A_15, %dma_start3A_16] : memref<2x128x128xf32, #tpu.memory_space<vmem>> -> memref<1x128x128xf32, #tpu.memory_space<vmem>>
    %dma_start3A_18 = tpu.memref_squeeze %dma_start3A_17 : memref<1x128x128xf32, #tpu.memory_space<vmem>> -> memref<128x128xf32, #tpu.memory_space<vmem>>
    %dma_start3A_19 = arith.constant 0 : i32
    %dma_start3A_20 = arith.constant 0 : i32
    %dma_start3A_21 = tpu.memref_slice %arg2[%mul3A_8, %dma_start3A, %dma_start3A_19, %dma_start3A_20] : memref<32x80x128x128xf32, #tpu.memory_space<hbm>> -> memref<1x1x128x128xf32, #tpu.memory_space<hbm>>
    %dma_start3A_22 = tpu.memref_squeeze %dma_start3A_21 : memref<1x1x128x128xf32, #tpu.memory_space<hbm>> -> memref<128x128xf32, #tpu.memory_space<hbm>>
    %dma_start3A_23 = arith.constant 0 : i32
    %dma_start3A_24 = arith.constant 0 : i32
    %dma_start3A_25 = tpu.memref_slice %arg8[%dma_start3A_14, %dma_start3A_23, %dma_start3A_24] : memref<2x128x128xf32, #tpu.memory_space<vmem>> -> memref<1x128x128xf32, #tpu.memory_space<vmem>>
    %dma_start3A_26 = tpu.memref_squeeze %dma_start3A_25 : memref<1x128x128xf32, #tpu.memory_space<vmem>> -> memref<128x128xf32, #tpu.memory_space<vmem>>
    %dma_start3A_27 = arith.constant 0 : i32
    %dma_start3A_28 = arith.constant 0 : i32
    %dma_start3A_29 = tpu.memref_slice %arg2[%mul3A_8, %dma_start3A, %dma_start3A_27, %dma_start3A_28] : memref<32x80x128x128xf32, #tpu.memory_space<hbm>> -> memref<1x1x128x128xf32, #tpu.memory_space<hbm>>
    %dma_start3A_30 = tpu.memref_squeeze %dma_start3A_29 : memref<1x1x128x128xf32, #tpu.memory_space<hbm>> -> memref<128x128xf32, #tpu.memory_space<hbm>>
    tpu.enqueue_dma source(%dma_start3A_30 : memref<128x128xf32, #tpu.memory_space<hbm>>) target(%dma_start3A_26 : memref<128x128xf32, #tpu.memory_space<vmem>>) target_semaphore(%arg11 : memref<!tpu.dma_semaphore, #tpu.memory_space<semaphore_mem>>)
    %dma_wait3A = arith.constant 0 : i32
    %dma_wait3A_31 = arith.constant 0 : i32
    %dma_wait3A_32 = arith.constant 0 : i32
    %dma_wait3A_33 = arith.constant 0 : i32
    %dma_wait3A_34 = tpu.memref_slice %arg8[%dma_wait3A_31, %dma_wait3A_32, %dma_wait3A_33] : memref<2x128x128xf32, #tpu.memory_space<vmem>> -> memref<1x128x128xf32, #tpu.memory_space<vmem>>
    %dma_wait3A_35 = tpu.memref_squeeze %dma_wait3A_34 : memref<1x128x128xf32, #tpu.memory_space<vmem>> -> memref<128x128xf32, #tpu.memory_space<vmem>>
    %dma_wait3A_36 = arith.constant 0 : i32
    %dma_wait3A_37 = arith.constant 0 : i32
    %dma_wait3A_38 = tpu.memref_slice %arg2[%mul3A_8, %dma_wait3A, %dma_wait3A_36, %dma_wait3A_37] : memref<32x80x128x128xf32, #tpu.memory_space<hbm>> -> memref<1x1x128x128xf32, #tpu.memory_space<hbm>>
    %dma_wait3A_39 = tpu.memref_squeeze %dma_wait3A_38 : memref<1x1x128x128xf32, #tpu.memory_space<hbm>> -> memref<128x128xf32, #tpu.memory_space<hbm>>
    %dma_wait3A_40 = arith.constant 0 : i32
    %dma_wait3A_41 = arith.constant 0 : i32
    %dma_wait3A_42 = tpu.memref_slice %arg8[%dma_wait3A_31, %dma_wait3A_40, %dma_wait3A_41] : memref<2x128x128xf32, #tpu.memory_space<vmem>> -> memref<1x128x128xf32, #tpu.memory_space<vmem>>
    %dma_wait3A_43 = tpu.memref_squeeze %dma_wait3A_42 : memref<1x128x128xf32, #tpu.memory_space<vmem>> -> memref<128x128xf32, #tpu.memory_space<vmem>>
    %dma_wait3A_44 = arith.constant 0 : i32
    %dma_wait3A_45 = arith.constant 0 : i32
    %dma_wait3A_46 = tpu.memref_slice %arg2[%mul3A_8, %dma_wait3A, %dma_wait3A_44, %dma_wait3A_45] : memref<32x80x128x128xf32, #tpu.memory_space<hbm>> -> memref<1x1x128x128xf32, #tpu.memory_space<hbm>>
    %dma_wait3A_47 = tpu.memref_squeeze %dma_wait3A_46 : memref<1x1x128x128xf32, #tpu.memory_space<hbm>> -> memref<128x128xf32, #tpu.memory_space<hbm>>
    tpu.wait_dma2 semaphore(%arg11 : memref<!tpu.dma_semaphore, #tpu.memory_space<semaphore_mem>>) src(%dma_wait3A_47 : memref<128x128xf32, #tpu.memory_space<hbm>>) dst(%dma_wait3A_43 : memref<128x128xf32, #tpu.memory_space<vmem>>)
    %scan3A_48 = arith.constant 0 : i32
    %scan3A_49 = arith.constant 40 : i32
    %scan3A_50 = arith.addi %scan3A_48, %scan3A_49 : i32
    %scan3A_51 = arith.constant 1 : i32
    scf.for %scan3A_110 = %scan3A_48 to %scan3A_50 step %scan3A_51  : i32 {
      %mul3A_111 = arith.constant 2 : i32
      %mul3A_112 = arith.muli %mul3A_111, %scan3A_110 : i32
      %add3A_113 = arith.constant 0 : i32
      %add3A_114 = arith.addi %mul3A_112, %add3A_113 : i32
      %add3A_115 = arith.constant 1 : i32
      %add3A_116 = arith.addi %add3A_114, %add3A_115 : i32
      %lt3A = arith.constant 80 : i32
      %lt3A_117 = arith.cmpi slt, %add3A_116, %lt3A : i32
      %convert_element_type3A = arith.extui %lt3A_117 : i1 to i32
      %cond3A = arith.constant 0 : i32
      %cond3A_118 = arith.cmpi ne, %convert_element_type3A, %cond3A : i32
      scf.if %cond3A_118 {
        %add3A_145 = arith.constant 1 : i32
        %add3A_146 = arith.addi %add3A_114, %add3A_145 : i32
        %dma_start3A_147 = arith.constant 1 : i32
        %dma_start3A_148 = arith.constant 0 : i32
        %dma_start3A_149 = arith.constant 0 : i32
        %dma_start3A_150 = tpu.memref_slice %arg8[%dma_start3A_147, %dma_start3A_148, %dma_start3A_149] : memref<2x128x128xf32, #tpu.memory_space<vmem>> -> memref<1x128x128xf32, #tpu.memory_space<vmem>>
        %dma_start3A_151 = tpu.memref_squeeze %dma_start3A_150 : memref<1x128x128xf32, #tpu.memory_space<vmem>> -> memref<128x128xf32, #tpu.memory_space<vmem>>
        %dma_start3A_152 = arith.constant 0 : i32
        %dma_start3A_153 = arith.constant 0 : i32
        %dma_start3A_154 = tpu.memref_slice %arg2[%mul3A_8, %add3A_146, %dma_start3A_152, %dma_start3A_153] : memref<32x80x128x128xf32, #tpu.memory_space<hbm>> -> memref<1x1x128x128xf32, #tpu.memory_space<hbm>>
        %dma_start3A_155 = tpu.memref_squeeze %dma_start3A_154 : memref<1x1x128x128xf32, #tpu.memory_space<hbm>> -> memref<128x128xf32, #tpu.memory_space<hbm>>
        %dma_start3A_156 = arith.constant 0 : i32
        %dma_start3A_157 = arith.constant 0 : i32
        %dma_start3A_158 = tpu.memref_slice %arg8[%dma_start3A_147, %dma_start3A_156, %dma_start3A_157] : memref<2x128x128xf32, #tpu.memory_space<vmem>> -> memref<1x128x128xf32, #tpu.memory_space<vmem>>
        %dma_start3A_159 = tpu.memref_squeeze %dma_start3A_158 : memref<1x128x128xf32, #tpu.memory_space<vmem>> -> memref<128x128xf32, #tpu.memory_space<vmem>>
        %dma_start3A_160 = arith.constant 0 : i32
        %dma_start3A_161 = arith.constant 0 : i32
        %dma_start3A_162 = tpu.memref_slice %arg2[%mul3A_8, %add3A_146, %dma_start3A_160, %dma_start3A_161] : memref<32x80x128x128xf32, #tpu.memory_space<hbm>> -> memref<1x1x128x128xf32, #tpu.memory_space<hbm>>
        %dma_start3A_163 = tpu.memref_squeeze %dma_start3A_162 : memref<1x1x128x128xf32, #tpu.memory_space<hbm>> -> memref<128x128xf32, #tpu.memory_space<hbm>>
        tpu.enqueue_dma source(%dma_start3A_163 : memref<128x128xf32, #tpu.memory_space<hbm>>) target(%dma_start3A_159 : memref<128x128xf32, #tpu.memory_space<vmem>>) target_semaphore(%arg12 : memref<!tpu.dma_semaphore, #tpu.memory_space<semaphore_mem>>)
      } else {
      }
      %run_scoped3A = arith.constant 0 : i32
      "tpu.region"() ({
        %run_scoped3A_145 = tpu.sem_alloc : memref<!tpu.dma_semaphore, #tpu.memory_space<semaphore_mem>>
        %dma_start3A_146 = arith.constant 0 : i32
        %dma_start3A_147 = arith.constant 0 : i32
        %dma_start3A_148 = tpu.memref_slice %arg8[%run_scoped3A, %dma_start3A_146, %dma_start3A_147] : memref<2x128x128xf32, #tpu.memory_space<vmem>> -> memref<1x128x128xf32, #tpu.memory_space<vmem>>
        %dma_start3A_149 = tpu.memref_squeeze %dma_start3A_148 : memref<1x128x128xf32, #tpu.memory_space<vmem>> -> memref<128x128xf32, #tpu.memory_space<vmem>>
        %dma_start3A_150 = arith.constant 0 : i32
        %dma_start3A_151 = tpu.memref_slice %arg7[%add3A_114, %dma_start3A_150] : memref<80x128xi32, #tpu.memory_space<vmem>> -> memref<1x128xi32, #tpu.memory_space<vmem>>
        %dma_start3A_152 = tpu.memref_squeeze %dma_start3A_151 : memref<1x128xi32, #tpu.memory_space<vmem>> -> memref<128xi32, #tpu.memory_space<vmem>>
        %dma_start3A_153 = arith.constant 0 : i32
        %dma_start3A_154 = arith.constant 0 : i32
        %dma_start3A_155 = tpu.memref_slice %arg10[%dma_start3A_153, %dma_start3A_154] : memref<6144x128xf32, #tpu.memory_space<vmem_shared>> -> memref<6144x128xf32, #tpu.memory_space<vmem_shared>>
        tpu.enqueue_indirect_dma source(%dma_start3A_149 : memref<128x128xf32, #tpu.memory_space<vmem>>) target(%dma_start3A_155 : memref<6144x128xf32, #tpu.memory_space<vmem_shared>>) offsets(%dma_start3A_152 : memref<128xi32, #tpu.memory_space<vmem>>) semaphore(%run_scoped3A_145 : memref<!tpu.dma_semaphore, #tpu.memory_space<semaphore_mem>>) {add = true}
        %dma_wait3A_156 = arith.constant 0 : i32
        %dma_wait3A_157 = arith.constant 0 : i32
        %dma_wait3A_158 = tpu.memref_slice %arg8[%run_scoped3A, %dma_wait3A_156, %dma_wait3A_157] : memref<2x128x128xf32, #tpu.memory_space<vmem>> -> memref<1x128x128xf32, #tpu.memory_space<vmem>>
        %dma_wait3A_159 = tpu.memref_squeeze %dma_wait3A_158 : memref<1x128x128xf32, #tpu.memory_space<vmem>> -> memref<128x128xf32, #tpu.memory_space<vmem>>
        %dma_wait3A_160 = arith.constant 0 : i32
        %dma_wait3A_161 = tpu.memref_slice %arg7[%add3A_114, %dma_wait3A_160] : memref<80x128xi32, #tpu.memory_space<vmem>> -> memref<1x128xi32, #tpu.memory_space<vmem>>
        %dma_wait3A_162 = tpu.memref_squeeze %dma_wait3A_161 : memref<1x128xi32, #tpu.memory_space<vmem>> -> memref<128xi32, #tpu.memory_space<vmem>>
        %dma_wait3A_163 = arith.constant 0 : i32
        %dma_wait3A_164 = arith.constant 0 : i32
        %dma_wait3A_165 = tpu.memref_slice %arg10[%dma_wait3A_163, %dma_wait3A_164] : memref<6144x128xf32, #tpu.memory_space<vmem_shared>> -> memref<6144x128xf32, #tpu.memory_space<vmem_shared>>
        tpu.wait_indirect_dma semaphore(%run_scoped3A_145 : memref<!tpu.dma_semaphore, #tpu.memory_space<semaphore_mem>>) src(%dma_wait3A_159 : memref<128x128xf32, #tpu.memory_space<vmem>>) dst(%dma_wait3A_165 : memref<6144x128xf32, #tpu.memory_space<vmem_shared>>)
        tpu.yield
      }) : () -> ()
      %add3A_119 = arith.constant 1 : i32
      %add3A_120 = arith.addi %add3A_114, %add3A_119 : i32
      %lt3A_121 = arith.constant 80 : i32
      %lt3A_122 = arith.cmpi slt, %add3A_120, %lt3A_121 : i32
      %convert_element_type3A_123 = arith.extui %lt3A_122 : i1 to i32
      %cond3A_124 = arith.constant 0 : i32
      %cond3A_125 = arith.cmpi ne, %convert_element_type3A_123, %cond3A_124 : i32
      scf.if %cond3A_125 {
        %add3A_145 = arith.constant 1 : i32
        %add3A_146 = arith.addi %add3A_114, %add3A_145 : i32
        %dma_wait3A_147 = arith.constant 1 : i32
        %dma_wait3A_148 = arith.constant 0 : i32
        %dma_wait3A_149 = arith.constant 0 : i32
        %dma_wait3A_150 = tpu.memref_slice %arg8[%dma_wait3A_147, %dma_wait3A_148, %dma_wait3A_149] : memref<2x128x128xf32, #tpu.memory_space<vmem>> -> memref<1x128x128xf32, #tpu.memory_space<vmem>>
        %dma_wait3A_151 = tpu.memref_squeeze %dma_wait3A_150 : memref<1x128x128xf32, #tpu.memory_space<vmem>> -> memref<128x128xf32, #tpu.memory_space<vmem>>
        %dma_wait3A_152 = arith.constant 0 : i32
        %dma_wait3A_153 = arith.constant 0 : i32
        %dma_wait3A_154 = tpu.memref_slice %arg2[%mul3A_8, %add3A_146, %dma_wait3A_152, %dma_wait3A_153] : memref<32x80x128x128xf32, #tpu.memory_space<hbm>> -> memref<1x1x128x128xf32, #tpu.memory_space<hbm>>
        %dma_wait3A_155 = tpu.memref_squeeze %dma_wait3A_154 : memref<1x1x128x128xf32, #tpu.memory_space<hbm>> -> memref<128x128xf32, #tpu.memory_space<hbm>>
        %dma_wait3A_156 = arith.constant 0 : i32
        %dma_wait3A_157 = arith.constant 0 : i32
        %dma_wait3A_158 = tpu.memref_slice %arg8[%dma_wait3A_147, %dma_wait3A_156, %dma_wait3A_157] : memref<2x128x128xf32, #tpu.memory_space<vmem>> -> memref<1x128x128xf32, #tpu.memory_space<vmem>>
        %dma_wait3A_159 = tpu.memref_squeeze %dma_wait3A_158 : memref<1x128x128xf32, #tpu.memory_space<vmem>> -> memref<128x128xf32, #tpu.memory_space<vmem>>
        %dma_wait3A_160 = arith.constant 0 : i32
        %dma_wait3A_161 = arith.constant 0 : i32
        %dma_wait3A_162 = tpu.memref_slice %arg2[%mul3A_8, %add3A_146, %dma_wait3A_160, %dma_wait3A_161] : memref<32x80x128x128xf32, #tpu.memory_space<hbm>> -> memref<1x1x128x128xf32, #tpu.memory_space<hbm>>
        %dma_wait3A_163 = tpu.memref_squeeze %dma_wait3A_162 : memref<1x1x128x128xf32, #tpu.memory_space<hbm>> -> memref<128x128xf32, #tpu.memory_space<hbm>>
        tpu.wait_dma2 semaphore(%arg12 : memref<!tpu.dma_semaphore, #tpu.memory_space<semaphore_mem>>) src(%dma_wait3A_163 : memref<128x128xf32, #tpu.memory_space<hbm>>) dst(%dma_wait3A_159 : memref<128x128xf32, #tpu.memory_space<vmem>>)
      } else {
      }
      %mul3A_126 = arith.constant 2 : i32
      %mul3A_127 = arith.muli %mul3A_126, %scan3A_110 : i32
      %add3A_128 = arith.constant 1 : i32
      %add3A_129 = arith.addi %mul3A_127, %add3A_128 : i32
      %add3A_130 = arith.constant 1 : i32
      %add3A_131 = arith.addi %add3A_129, %add3A_130 : i32
      %lt3A_132 = arith.constant 80 : i32
      %lt3A_133 = arith.cmpi slt, %add3A_131, %lt3A_132 : i32
      %convert_element_type3A_134 = arith.extui %lt3A_133 : i1 to i32
      %cond3A_135 = arith.constant 0 : i32
      %cond3A_136 = arith.cmpi ne, %convert_element_type3A_134, %cond3A_135 : i32
      scf.if %cond3A_136 {
        %add3A_145 = arith.constant 1 : i32
        %add3A_146 = arith.addi %add3A_129, %add3A_145 : i32
        %dma_start3A_147 = arith.constant 0 : i32
        %dma_start3A_148 = arith.constant 0 : i32
        %dma_start3A_149 = arith.constant 0 : i32
        %dma_start3A_150 = tpu.memref_slice %arg8[%dma_start3A_147, %dma_start3A_148, %dma_start3A_149] : memref<2x128x128xf32, #tpu.memory_space<vmem>> -> memref<1x128x128xf32, #tpu.memory_space<vmem>>
        %dma_start3A_151 = tpu.memref_squeeze %dma_start3A_150 : memref<1x128x128xf32, #tpu.memory_space<vmem>> -> memref<128x128xf32, #tpu.memory_space<vmem>>
        %dma_start3A_152 = arith.constant 0 : i32
        %dma_start3A_153 = arith.constant 0 : i32
        %dma_start3A_154 = tpu.memref_slice %arg2[%mul3A_8, %add3A_146, %dma_start3A_152, %dma_start3A_153] : memref<32x80x128x128xf32, #tpu.memory_space<hbm>> -> memref<1x1x128x128xf32, #tpu.memory_space<hbm>>
        %dma_start3A_155 = tpu.memref_squeeze %dma_start3A_154 : memref<1x1x128x128xf32, #tpu.memory_space<hbm>> -> memref<128x128xf32, #tpu.memory_space<hbm>>
        %dma_start3A_156 = arith.constant 0 : i32
        %dma_start3A_157 = arith.constant 0 : i32
        %dma_start3A_158 = tpu.memref_slice %arg8[%dma_start3A_147, %dma_start3A_156, %dma_start3A_157] : memref<2x128x128xf32, #tpu.memory_space<vmem>> -> memref<1x128x128xf32, #tpu.memory_space<vmem>>
        %dma_start3A_159 = tpu.memref_squeeze %dma_start3A_158 : memref<1x128x128xf32, #tpu.memory_space<vmem>> -> memref<128x128xf32, #tpu.memory_space<vmem>>
        %dma_start3A_160 = arith.constant 0 : i32
        %dma_start3A_161 = arith.constant 0 : i32
        %dma_start3A_162 = tpu.memref_slice %arg2[%mul3A_8, %add3A_146, %dma_start3A_160, %dma_start3A_161] : memref<32x80x128x128xf32, #tpu.memory_space<hbm>> -> memref<1x1x128x128xf32, #tpu.memory_space<hbm>>
        %dma_start3A_163 = tpu.memref_squeeze %dma_start3A_162 : memref<1x1x128x128xf32, #tpu.memory_space<hbm>> -> memref<128x128xf32, #tpu.memory_space<hbm>>
        tpu.enqueue_dma source(%dma_start3A_163 : memref<128x128xf32, #tpu.memory_space<hbm>>) target(%dma_start3A_159 : memref<128x128xf32, #tpu.memory_space<vmem>>) target_semaphore(%arg11 : memref<!tpu.dma_semaphore, #tpu.memory_space<semaphore_mem>>)
      } else {
      }
      %run_scoped3A_137 = arith.constant 1 : i32
      "tpu.region"() ({
        %run_scoped3A_145 = tpu.sem_alloc : memref<!tpu.dma_semaphore, #tpu.memory_space<semaphore_mem>>
        %dma_start3A_146 = arith.constant 0 : i32
        %dma_start3A_147 = arith.constant 0 : i32
        %dma_start3A_148 = tpu.memref_slice %arg8[%run_scoped3A_137, %dma_start3A_146, %dma_start3A_147] : memref<2x128x128xf32, #tpu.memory_space<vmem>> -> memref<1x128x128xf32, #tpu.memory_space<vmem>>
        %dma_start3A_149 = tpu.memref_squeeze %dma_start3A_148 : memref<1x128x128xf32, #tpu.memory_space<vmem>> -> memref<128x128xf32, #tpu.memory_space<vmem>>
        %dma_start3A_150 = arith.constant 0 : i32
        %dma_start3A_151 = tpu.memref_slice %arg7[%add3A_129, %dma_start3A_150] : memref<80x128xi32, #tpu.memory_space<vmem>> -> memref<1x128xi32, #tpu.memory_space<vmem>>
        %dma_start3A_152 = tpu.memref_squeeze %dma_start3A_151 : memref<1x128xi32, #tpu.memory_space<vmem>> -> memref<128xi32, #tpu.memory_space<vmem>>
        %dma_start3A_153 = arith.constant 0 : i32
        %dma_start3A_154 = arith.constant 0 : i32
        %dma_start3A_155 = tpu.memref_slice %arg10[%dma_start3A_153, %dma_start3A_154] : memref<6144x128xf32, #tpu.memory_space<vmem_shared>> -> memref<6144x128xf32, #tpu.memory_space<vmem_shared>>
        tpu.enqueue_indirect_dma source(%dma_start3A_149 : memref<128x128xf32, #tpu.memory_space<vmem>>) target(%dma_start3A_155 : memref<6144x128xf32, #tpu.memory_space<vmem_shared>>) offsets(%dma_start3A_152 : memref<128xi32, #tpu.memory_space<vmem>>) semaphore(%run_scoped3A_145 : memref<!tpu.dma_semaphore, #tpu.memory_space<semaphore_mem>>) {add = true}
        %dma_wait3A_156 = arith.constant 0 : i32
        %dma_wait3A_157 = arith.constant 0 : i32
        %dma_wait3A_158 = tpu.memref_slice %arg8[%run_scoped3A_137, %dma_wait3A_156, %dma_wait3A_157] : memref<2x128x128xf32, #tpu.memory_space<vmem>> -> memref<1x128x128xf32, #tpu.memory_space<vmem>>
        %dma_wait3A_159 = tpu.memref_squeeze %dma_wait3A_158 : memref<1x128x128xf32, #tpu.memory_space<vmem>> -> memref<128x128xf32, #tpu.memory_space<vmem>>
        %dma_wait3A_160 = arith.constant 0 : i32
        %dma_wait3A_161 = tpu.memref_slice %arg7[%add3A_129, %dma_wait3A_160] : memref<80x128xi32, #tpu.memory_space<vmem>> -> memref<1x128xi32, #tpu.memory_space<vmem>>
        %dma_wait3A_162 = tpu.memref_squeeze %dma_wait3A_161 : memref<1x128xi32, #tpu.memory_space<vmem>> -> memref<128xi32, #tpu.memory_space<vmem>>
        %dma_wait3A_163 = arith.constant 0 : i32
        %dma_wait3A_164 = arith.constant 0 : i32
        %dma_wait3A_165 = tpu.memref_slice %arg10[%dma_wait3A_163, %dma_wait3A_164] : memref<6144x128xf32, #tpu.memory_space<vmem_shared>> -> memref<6144x128xf32, #tpu.memory_space<vmem_shared>>
        tpu.wait_indirect_dma semaphore(%run_scoped3A_145 : memref<!tpu.dma_semaphore, #tpu.memory_space<semaphore_mem>>) src(%dma_wait3A_159 : memref<128x128xf32, #tpu.memory_space<vmem>>) dst(%dma_wait3A_165 : memref<6144x128xf32, #tpu.memory_space<vmem_shared>>)
        tpu.yield
      }) : () -> ()
      %add3A_138 = arith.constant 1 : i32
      %add3A_139 = arith.addi %add3A_129, %add3A_138 : i32
      %lt3A_140 = arith.constant 80 : i32
      %lt3A_141 = arith.cmpi slt, %add3A_139, %lt3A_140 : i32
      %convert_element_type3A_142 = arith.extui %lt3A_141 : i1 to i32
      %cond3A_143 = arith.constant 0 : i32
      %cond3A_144 = arith.cmpi ne, %convert_element_type3A_142, %cond3A_143 : i32
      scf.if %cond3A_144 {
        %add3A_145 = arith.constant 1 : i32
        %add3A_146 = arith.addi %add3A_129, %add3A_145 : i32
        %dma_wait3A_147 = arith.constant 0 : i32
        %dma_wait3A_148 = arith.constant 0 : i32
        %dma_wait3A_149 = arith.constant 0 : i32
        %dma_wait3A_150 = tpu.memref_slice %arg8[%dma_wait3A_147, %dma_wait3A_148, %dma_wait3A_149] : memref<2x128x128xf32, #tpu.memory_space<vmem>> -> memref<1x128x128xf32, #tpu.memory_space<vmem>>
        %dma_wait3A_151 = tpu.memref_squeeze %dma_wait3A_150 : memref<1x128x128xf32, #tpu.memory_space<vmem>> -> memref<128x128xf32, #tpu.memory_space<vmem>>
        %dma_wait3A_152 = arith.constant 0 : i32
        %dma_wait3A_153 = arith.constant 0 : i32
        %dma_wait3A_154 = tpu.memref_slice %arg2[%mul3A_8, %add3A_146, %dma_wait3A_152, %dma_wait3A_153] : memref<32x80x128x128xf32, #tpu.memory_space<hbm>> -> memref<1x1x128x128xf32, #tpu.memory_space<hbm>>
        %dma_wait3A_155 = tpu.memref_squeeze %dma_wait3A_154 : memref<1x1x128x128xf32, #tpu.memory_space<hbm>> -> memref<128x128xf32, #tpu.memory_space<hbm>>
        %dma_wait3A_156 = arith.constant 0 : i32
        %dma_wait3A_157 = arith.constant 0 : i32
        %dma_wait3A_158 = tpu.memref_slice %arg8[%dma_wait3A_147, %dma_wait3A_156, %dma_wait3A_157] : memref<2x128x128xf32, #tpu.memory_space<vmem>> -> memref<1x128x128xf32, #tpu.memory_space<vmem>>
        %dma_wait3A_159 = tpu.memref_squeeze %dma_wait3A_158 : memref<1x128x128xf32, #tpu.memory_space<vmem>> -> memref<128x128xf32, #tpu.memory_space<vmem>>
        %dma_wait3A_160 = arith.constant 0 : i32
        %dma_wait3A_161 = arith.constant 0 : i32
        %dma_wait3A_162 = tpu.memref_slice %arg2[%mul3A_8, %add3A_146, %dma_wait3A_160, %dma_wait3A_161] : memref<32x80x128x128xf32, #tpu.memory_space<hbm>> -> memref<1x1x128x128xf32, #tpu.memory_space<hbm>>
        %dma_wait3A_163 = tpu.memref_squeeze %dma_wait3A_162 : memref<1x1x128x128xf32, #tpu.memory_space<hbm>> -> memref<128x128xf32, #tpu.memory_space<hbm>>
        tpu.wait_dma2 semaphore(%arg11 : memref<!tpu.dma_semaphore, #tpu.memory_space<semaphore_mem>>) src(%dma_wait3A_163 : memref<128x128xf32, #tpu.memory_space<hbm>>) dst(%dma_wait3A_159 : memref<128x128xf32, #tpu.memory_space<vmem>>)
      } else {
      }
    }
    %scan3A_52 = arith.constant 40 : i32
    %mul3A_53 = arith.constant 2 : i32
    %mul3A_54 = arith.muli %mul3A_53, %arg1 : i32
    %add3A = arith.constant 1 : i32
    %add3A_55 = arith.addi %mul3A_54, %add3A : i32
    "tpu.region"() ({
      %run_scoped3A = tpu.sem_alloc : memref<!tpu.dma_semaphore, #tpu.memory_space<semaphore_mem>>
      %dma_start3A_110 = arith.constant 0 : i32
      %dma_start3A_111 = arith.constant 0 : i32
      %dma_start3A_112 = tpu.memref_slice %arg3[%add3A_55, %dma_start3A_110, %dma_start3A_111] : memref<32x80x128xi32, #tpu.memory_space<hbm>> -> memref<1x80x128xi32, #tpu.memory_space<hbm>>
      %dma_start3A_113 = tpu.memref_squeeze %dma_start3A_112 : memref<1x80x128xi32, #tpu.memory_space<hbm>> -> memref<80x128xi32, #tpu.memory_space<hbm>>
      %dma_start3A_114 = arith.constant 0 : i32
      %dma_start3A_115 = arith.constant 0 : i32
      %dma_start3A_116 = tpu.memref_slice %arg3[%add3A_55, %dma_start3A_114, %dma_start3A_115] : memref<32x80x128xi32, #tpu.memory_space<hbm>> -> memref<1x80x128xi32, #tpu.memory_space<hbm>>
      %dma_start3A_117 = tpu.memref_squeeze %dma_start3A_116 : memref<1x80x128xi32, #tpu.memory_space<hbm>> -> memref<80x128xi32, #tpu.memory_space<hbm>>
      tpu.enqueue_dma source(%dma_start3A_117 : memref<80x128xi32, #tpu.memory_space<hbm>>) target(%arg6 : memref<80x128xi32, #tpu.memory_space<vmem>>) target_semaphore(%run_scoped3A : memref<!tpu.dma_semaphore, #tpu.memory_space<semaphore_mem>>)
      %dma_wait3A_118 = arith.constant 0 : i32
      %dma_wait3A_119 = arith.constant 0 : i32
      %dma_wait3A_120 = tpu.memref_slice %arg3[%add3A_55, %dma_wait3A_118, %dma_wait3A_119] : memref<32x80x128xi32, #tpu.memory_space<hbm>> -> memref<1x80x128xi32, #tpu.memory_space<hbm>>
      %dma_wait3A_121 = tpu.memref_squeeze %dma_wait3A_120 : memref<1x80x128xi32, #tpu.memory_space<hbm>> -> memref<80x128xi32, #tpu.memory_space<hbm>>
      %dma_wait3A_122 = arith.constant 0 : i32
      %dma_wait3A_123 = arith.constant 0 : i32
      %dma_wait3A_124 = tpu.memref_slice %arg3[%add3A_55, %dma_wait3A_122, %dma_wait3A_123] : memref<32x80x128xi32, #tpu.memory_space<hbm>> -> memref<1x80x128xi32, #tpu.memory_space<hbm>>
      %dma_wait3A_125 = tpu.memref_squeeze %dma_wait3A_124 : memref<1x80x128xi32, #tpu.memory_space<hbm>> -> memref<80x128xi32, #tpu.memory_space<hbm>>
      tpu.wait_dma2 semaphore(%run_scoped3A : memref<!tpu.dma_semaphore, #tpu.memory_space<semaphore_mem>>) src(%dma_wait3A_125 : memref<80x128xi32, #tpu.memory_space<hbm>>) dst(%arg6 : memref<80x128xi32, #tpu.memory_space<vmem>>)
      tpu.yield
    }) : () -> ()
    %scan3A_56 = arith.constant 0 : i32
    %scan3A_57 = arith.constant 640 : i32
    %scan3A_58 = arith.addi %scan3A_56, %scan3A_57 : i32
    %scan3A_59 = arith.constant 1 : i32
    scf.for %scan3A_110 = %scan3A_56 to %scan3A_58 step %scan3A_59  : i32 {
      %shift_right_arithmetic3A = arith.constant 3 : i32
      %shift_right_arithmetic3A_111 = arith.shrsi %scan3A_110, %shift_right_arithmetic3A : i32
      %and3A = arith.constant 7 : i32
      %and3A_112 = arith.andi %scan3A_110, %and3A : i32
      %mul3A_113 = arith.constant 16 : i32
      %mul3A_114 = arith.muli %mul3A_113, %and3A_112 : i32
      %get3A = arith.index_cast %shift_right_arithmetic3A_111 : i32 to index
      %get3A_115 = arith.index_cast %mul3A_114 : i32 to index
      %get3A_116 = tpu.vector_load %arg6[%get3A, %get3A_115] {strides = array<i32>} : memref<80x128xi32, #tpu.memory_space<vmem>>, vector<1x16xi32>,
      %get3A_117 = vector.shape_cast %get3A_116 : vector<1x16xi32> to vector<16xi32>
      %sub3A = vector.broadcast %mul3A_6 : i32 to vector<16xi32>
      %sub3A_118 = arith.subi %get3A_117, %sub3A : vector<16xi32>
      %ge3A = arith.constant 0 : i32
      %ge3A_119 = vector.broadcast %ge3A : i32 to vector<16xi32>
      %ge3A_120 = arith.cmpi sge, %sub3A_118, %ge3A_119 : vector<16xi32>
      %lt3A = arith.constant 5120 : i32
      %lt3A_121 = vector.broadcast %lt3A : i32 to vector<16xi32>
      %lt3A_122 = arith.cmpi slt, %sub3A_118, %lt3A_121 : vector<16xi32>
      %and3A_123 = arith.andi %ge3A_120, %lt3A_122 : vector<16xi1>
      %jit3A = arith.constant 6143 : i32
      %broadcast_in_dim3A = vector.broadcast %jit3A : i32 to vector<16xi32>
      %select_n3A = arith.select %and3A_123, %sub3A_118, %broadcast_in_dim3A : vector<16xi1>, vector<16xi32>
      %mul3A_124 = arith.constant 16 : i32
      %mul3A_125 = arith.muli %mul3A_124, %and3A_112 : i32
      %swap3A = arith.index_cast %shift_right_arithmetic3A_111 : i32 to index
      %swap3A_126 = arith.index_cast %mul3A_125 : i32 to index
      %swap3A_127 = tpu.vector_load %arg7[%swap3A, %swap3A_126] {strides = array<i32>} : memref<80x128xi32, #tpu.memory_space<vmem>>, vector<1x16xi32>,
      %swap3A_128 = vector.shape_cast %swap3A_127 : vector<1x16xi32> to vector<16xi32>
      %swap3A_129 = vector.shape_cast %select_n3A : vector<16xi32> to vector<1x16xi32>
      tpu.vector_store %arg7[%swap3A, %swap3A_126], %swap3A_129 {strides = array<i32>} : memref<80x128xi32, #tpu.memory_space<vmem>>, vector<1x16xi32>,
    }
    %scan3A_60 = arith.constant 640 : i32
    %dma_start3A_61 = arith.constant 0 : i32
    %dma_start3A_62 = arith.constant 0 : i32
    %dma_start3A_63 = arith.constant 0 : i32
    %dma_start3A_64 = arith.constant 0 : i32
    %dma_start3A_65 = tpu.memref_slice %arg8[%dma_start3A_62, %dma_start3A_63, %dma_start3A_64] : memref<2x128x128xf32, #tpu.memory_space<vmem>> -> memref<1x128x128xf32, #tpu.memory_space<vmem>>
    %dma_start3A_66 = tpu.memref_squeeze %dma_start3A_65 : memref<1x128x128xf32, #tpu.memory_space<vmem>> -> memref<128x128xf32, #tpu.memory_space<vmem>>
    %dma_start3A_67 = arith.constant 0 : i32
    %dma_start3A_68 = arith.constant 0 : i32
    %dma_start3A_69 = tpu.memref_slice %arg2[%add3A_55, %dma_start3A_61, %dma_start3A_67, %dma_start3A_68] : memref<32x80x128x128xf32, #tpu.memory_space<hbm>> -> memref<1x1x128x128xf32, #tpu.memory_space<hbm>>
    %dma_start3A_70 = tpu.memref_squeeze %dma_start3A_69 : memref<1x1x128x128xf32, #tpu.memory_space<hbm>> -> memref<128x128xf32, #tpu.memory_space<hbm>>
    %dma_start3A_71 = arith.constant 0 : i32
    %dma_start3A_72 = arith.constant 0 : i32
    %dma_start3A_73 = tpu.memref_slice %arg8[%dma_start3A_62, %dma_start3A_71, %dma_start3A_72] : memref<2x128x128xf32, #tpu.memory_space<vmem>> -> memref<1x128x128xf32, #tpu.memory_space<vmem>>
    %dma_start3A_74 = tpu.memref_squeeze %dma_start3A_73 : memref<1x128x128xf32, #tpu.memory_space<vmem>> -> memref<128x128xf32, #tpu.memory_space<vmem>>
    %dma_start3A_75 = arith.constant 0 : i32
    %dma_start3A_76 = arith.constant 0 : i32
    %dma_start3A_77 = tpu.memref_slice %arg2[%add3A_55, %dma_start3A_61, %dma_start3A_75, %dma_start3A_76] : memref<32x80x128x128xf32, #tpu.memory_space<hbm>> -> memref<1x1x128x128xf32, #tpu.memory_space<hbm>>
    %dma_start3A_78 = tpu.memref_squeeze %dma_start3A_77 : memref<1x1x128x128xf32, #tpu.memory_space<hbm>> -> memref<128x128xf32, #tpu.memory_space<hbm>>
    tpu.enqueue_dma source(%dma_start3A_78 : memref<128x128xf32, #tpu.memory_space<hbm>>) target(%dma_start3A_74 : memref<128x128xf32, #tpu.memory_space<vmem>>) target_semaphore(%arg11 : memref<!tpu.dma_semaphore, #tpu.memory_space<semaphore_mem>>)
    %dma_wait3A_79 = arith.constant 0 : i32
    %dma_wait3A_80 = arith.constant 0 : i32
    %dma_wait3A_81 = arith.constant 0 : i32
    %dma_wait3A_82 = arith.constant 0 : i32
    %dma_wait3A_83 = tpu.memref_slice %arg8[%dma_wait3A_80, %dma_wait3A_81, %dma_wait3A_82] : memref<2x128x128xf32, #tpu.memory_space<vmem>> -> memref<1x128x128xf32, #tpu.memory_space<vmem>>
    %dma_wait3A_84 = tpu.memref_squeeze %dma_wait3A_83 : memref<1x128x128xf32, #tpu.memory_space<vmem>> -> memref<128x128xf32, #tpu.memory_space<vmem>>
    %dma_wait3A_85 = arith.constant 0 : i32
    %dma_wait3A_86 = arith.constant 0 : i32
    %dma_wait3A_87 = tpu.memref_slice %arg2[%add3A_55, %dma_wait3A_79, %dma_wait3A_85, %dma_wait3A_86] : memref<32x80x128x128xf32, #tpu.memory_space<hbm>> -> memref<1x1x128x128xf32, #tpu.memory_space<hbm>>
    %dma_wait3A_88 = tpu.memref_squeeze %dma_wait3A_87 : memref<1x1x128x128xf32, #tpu.memory_space<hbm>> -> memref<128x128xf32, #tpu.memory_space<hbm>>
    %dma_wait3A_89 = arith.constant 0 : i32
    %dma_wait3A_90 = arith.constant 0 : i32
    %dma_wait3A_91 = tpu.memref_slice %arg8[%dma_wait3A_80, %dma_wait3A_89, %dma_wait3A_90] : memref<2x128x128xf32, #tpu.memory_space<vmem>> -> memref<1x128x128xf32, #tpu.memory_space<vmem>>
    %dma_wait3A_92 = tpu.memref_squeeze %dma_wait3A_91 : memref<1x128x128xf32, #tpu.memory_space<vmem>> -> memref<128x128xf32, #tpu.memory_space<vmem>>
    %dma_wait3A_93 = arith.constant 0 : i32
    %dma_wait3A_94 = arith.constant 0 : i32
    %dma_wait3A_95 = tpu.memref_slice %arg2[%add3A_55, %dma_wait3A_79, %dma_wait3A_93, %dma_wait3A_94] : memref<32x80x128x128xf32, #tpu.memory_space<hbm>> -> memref<1x1x128x128xf32, #tpu.memory_space<hbm>>
    %dma_wait3A_96 = tpu.memref_squeeze %dma_wait3A_95 : memref<1x1x128x128xf32, #tpu.memory_space<hbm>> -> memref<128x128xf32, #tpu.memory_space<hbm>>
    tpu.wait_dma2 semaphore(%arg11 : memref<!tpu.dma_semaphore, #tpu.memory_space<semaphore_mem>>) src(%dma_wait3A_96 : memref<128x128xf32, #tpu.memory_space<hbm>>) dst(%dma_wait3A_92 : memref<128x128xf32, #tpu.memory_space<vmem>>)
    %scan3A_97 = arith.constant 0 : i32
    %scan3A_98 = arith.constant 40 : i32
    %scan3A_99 = arith.addi %scan3A_97, %scan3A_98 : i32
    %scan3A_100 = arith.constant 1 : i32
    scf.for %scan3A_110 = %scan3A_97 to %scan3A_99 step %scan3A_100  : i32 {
      %mul3A_111 = arith.constant 2 : i32
      %mul3A_112 = arith.muli %mul3A_111, %scan3A_110 : i32
      %add3A_113 = arith.constant 0 : i32
      %add3A_114 = arith.addi %mul3A_112, %add3A_113 : i32
      %add3A_115 = arith.constant 1 : i32
      %add3A_116 = arith.addi %add3A_114, %add3A_115 : i32
      %lt3A = arith.constant 80 : i32
      %lt3A_117 = arith.cmpi slt, %add3A_116, %lt3A : i32
      %convert_element_type3A = arith.extui %lt3A_117 : i1 to i32
      %cond3A = arith.constant 0 : i32
      %cond3A_118 = arith.cmpi ne, %convert_element_type3A, %cond3A : i32
      scf.if %cond3A_118 {
        %add3A_145 = arith.constant 1 : i32
        %add3A_146 = arith.addi %add3A_114, %add3A_145 : i32
        %dma_start3A_147 = arith.constant 1 : i32
        %dma_start3A_148 = arith.constant 0 : i32
        %dma_start3A_149 = arith.constant 0 : i32
        %dma_start3A_150 = tpu.memref_slice %arg8[%dma_start3A_147, %dma_start3A_148, %dma_start3A_149] : memref<2x128x128xf32, #tpu.memory_space<vmem>> -> memref<1x128x128xf32, #tpu.memory_space<vmem>>
        %dma_start3A_151 = tpu.memref_squeeze %dma_start3A_150 : memref<1x128x128xf32, #tpu.memory_space<vmem>> -> memref<128x128xf32, #tpu.memory_space<vmem>>
        %dma_start3A_152 = arith.constant 0 : i32
        %dma_start3A_153 = arith.constant 0 : i32
        %dma_start3A_154 = tpu.memref_slice %arg2[%add3A_55, %add3A_146, %dma_start3A_152, %dma_start3A_153] : memref<32x80x128x128xf32, #tpu.memory_space<hbm>> -> memref<1x1x128x128xf32, #tpu.memory_space<hbm>>
        %dma_start3A_155 = tpu.memref_squeeze %dma_start3A_154 : memref<1x1x128x128xf32, #tpu.memory_space<hbm>> -> memref<128x128xf32, #tpu.memory_space<hbm>>
        %dma_start3A_156 = arith.constant 0 : i32
        %dma_start3A_157 = arith.constant 0 : i32
        %dma_start3A_158 = tpu.memref_slice %arg8[%dma_start3A_147, %dma_start3A_156, %dma_start3A_157] : memref<2x128x128xf32, #tpu.memory_space<vmem>> -> memref<1x128x128xf32, #tpu.memory_space<vmem>>
        %dma_start3A_159 = tpu.memref_squeeze %dma_start3A_158 : memref<1x128x128xf32, #tpu.memory_space<vmem>> -> memref<128x128xf32, #tpu.memory_space<vmem>>
        %dma_start3A_160 = arith.constant 0 : i32
        %dma_start3A_161 = arith.constant 0 : i32
        %dma_start3A_162 = tpu.memref_slice %arg2[%add3A_55, %add3A_146, %dma_start3A_160, %dma_start3A_161] : memref<32x80x128x128xf32, #tpu.memory_space<hbm>> -> memref<1x1x128x128xf32, #tpu.memory_space<hbm>>
        %dma_start3A_163 = tpu.memref_squeeze %dma_start3A_162 : memref<1x1x128x128xf32, #tpu.memory_space<hbm>> -> memref<128x128xf32, #tpu.memory_space<hbm>>
        tpu.enqueue_dma source(%dma_start3A_163 : memref<128x128xf32, #tpu.memory_space<hbm>>) target(%dma_start3A_159 : memref<128x128xf32, #tpu.memory_space<vmem>>) target_semaphore(%arg12 : memref<!tpu.dma_semaphore, #tpu.memory_space<semaphore_mem>>)
      } else {
      }
      %run_scoped3A = arith.constant 0 : i32
      "tpu.region"() ({
        %run_scoped3A_145 = tpu.sem_alloc : memref<!tpu.dma_semaphore, #tpu.memory_space<semaphore_mem>>
        %dma_start3A_146 = arith.constant 0 : i32
        %dma_start3A_147 = arith.constant 0 : i32
        %dma_start3A_148 = tpu.memref_slice %arg8[%run_scoped3A, %dma_start3A_146, %dma_start3A_147] : memref<2x128x128xf32, #tpu.memory_space<vmem>> -> memref<1x128x128xf32, #tpu.memory_space<vmem>>
        %dma_start3A_149 = tpu.memref_squeeze %dma_start3A_148 : memref<1x128x128xf32, #tpu.memory_space<vmem>> -> memref<128x128xf32, #tpu.memory_space<vmem>>
        %dma_start3A_150 = arith.constant 0 : i32
        %dma_start3A_151 = tpu.memref_slice %arg7[%add3A_114, %dma_start3A_150] : memref<80x128xi32, #tpu.memory_space<vmem>> -> memref<1x128xi32, #tpu.memory_space<vmem>>
        %dma_start3A_152 = tpu.memref_squeeze %dma_start3A_151 : memref<1x128xi32, #tpu.memory_space<vmem>> -> memref<128xi32, #tpu.memory_space<vmem>>
        %dma_start3A_153 = arith.constant 0 : i32
        %dma_start3A_154 = arith.constant 0 : i32
        %dma_start3A_155 = tpu.memref_slice %arg10[%dma_start3A_153, %dma_start3A_154] : memref<6144x128xf32, #tpu.memory_space<vmem_shared>> -> memref<6144x128xf32, #tpu.memory_space<vmem_shared>>
        tpu.enqueue_indirect_dma source(%dma_start3A_149 : memref<128x128xf32, #tpu.memory_space<vmem>>) target(%dma_start3A_155 : memref<6144x128xf32, #tpu.memory_space<vmem_shared>>) offsets(%dma_start3A_152 : memref<128xi32, #tpu.memory_space<vmem>>) semaphore(%run_scoped3A_145 : memref<!tpu.dma_semaphore, #tpu.memory_space<semaphore_mem>>) {add = true}
        %dma_wait3A_156 = arith.constant 0 : i32
        %dma_wait3A_157 = arith.constant 0 : i32
        %dma_wait3A_158 = tpu.memref_slice %arg8[%run_scoped3A, %dma_wait3A_156, %dma_wait3A_157] : memref<2x128x128xf32, #tpu.memory_space<vmem>> -> memref<1x128x128xf32, #tpu.memory_space<vmem>>
        %dma_wait3A_159 = tpu.memref_squeeze %dma_wait3A_158 : memref<1x128x128xf32, #tpu.memory_space<vmem>> -> memref<128x128xf32, #tpu.memory_space<vmem>>
        %dma_wait3A_160 = arith.constant 0 : i32
        %dma_wait3A_161 = tpu.memref_slice %arg7[%add3A_114, %dma_wait3A_160] : memref<80x128xi32, #tpu.memory_space<vmem>> -> memref<1x128xi32, #tpu.memory_space<vmem>>
        %dma_wait3A_162 = tpu.memref_squeeze %dma_wait3A_161 : memref<1x128xi32, #tpu.memory_space<vmem>> -> memref<128xi32, #tpu.memory_space<vmem>>
        %dma_wait3A_163 = arith.constant 0 : i32
        %dma_wait3A_164 = arith.constant 0 : i32
        %dma_wait3A_165 = tpu.memref_slice %arg10[%dma_wait3A_163, %dma_wait3A_164] : memref<6144x128xf32, #tpu.memory_space<vmem_shared>> -> memref<6144x128xf32, #tpu.memory_space<vmem_shared>>
        tpu.wait_indirect_dma semaphore(%run_scoped3A_145 : memref<!tpu.dma_semaphore, #tpu.memory_space<semaphore_mem>>) src(%dma_wait3A_159 : memref<128x128xf32, #tpu.memory_space<vmem>>) dst(%dma_wait3A_165 : memref<6144x128xf32, #tpu.memory_space<vmem_shared>>)
        tpu.yield
      }) : () -> ()
      %add3A_119 = arith.constant 1 : i32
      %add3A_120 = arith.addi %add3A_114, %add3A_119 : i32
      %lt3A_121 = arith.constant 80 : i32
      %lt3A_122 = arith.cmpi slt, %add3A_120, %lt3A_121 : i32
      %convert_element_type3A_123 = arith.extui %lt3A_122 : i1 to i32
      %cond3A_124 = arith.constant 0 : i32
      %cond3A_125 = arith.cmpi ne, %convert_element_type3A_123, %cond3A_124 : i32
      scf.if %cond3A_125 {
        %add3A_145 = arith.constant 1 : i32
        %add3A_146 = arith.addi %add3A_114, %add3A_145 : i32
        %dma_wait3A_147 = arith.constant 1 : i32
        %dma_wait3A_148 = arith.constant 0 : i32
        %dma_wait3A_149 = arith.constant 0 : i32
        %dma_wait3A_150 = tpu.memref_slice %arg8[%dma_wait3A_147, %dma_wait3A_148, %dma_wait3A_149] : memref<2x128x128xf32, #tpu.memory_space<vmem>> -> memref<1x128x128xf32, #tpu.memory_space<vmem>>
        %dma_wait3A_151 = tpu.memref_squeeze %dma_wait3A_150 : memref<1x128x128xf32, #tpu.memory_space<vmem>> -> memref<128x128xf32, #tpu.memory_space<vmem>>
        %dma_wait3A_152 = arith.constant 0 : i32
        %dma_wait3A_153 = arith.constant 0 : i32
        %dma_wait3A_154 = tpu.memref_slice %arg2[%add3A_55, %add3A_146, %dma_wait3A_152, %dma_wait3A_153] : memref<32x80x128x128xf32, #tpu.memory_space<hbm>> -> memref<1x1x128x128xf32, #tpu.memory_space<hbm>>
        %dma_wait3A_155 = tpu.memref_squeeze %dma_wait3A_154 : memref<1x1x128x128xf32, #tpu.memory_space<hbm>> -> memref<128x128xf32, #tpu.memory_space<hbm>>
        %dma_wait3A_156 = arith.constant 0 : i32
        %dma_wait3A_157 = arith.constant 0 : i32
        %dma_wait3A_158 = tpu.memref_slice %arg8[%dma_wait3A_147, %dma_wait3A_156, %dma_wait3A_157] : memref<2x128x128xf32, #tpu.memory_space<vmem>> -> memref<1x128x128xf32, #tpu.memory_space<vmem>>
        %dma_wait3A_159 = tpu.memref_squeeze %dma_wait3A_158 : memref<1x128x128xf32, #tpu.memory_space<vmem>> -> memref<128x128xf32, #tpu.memory_space<vmem>>
        %dma_wait3A_160 = arith.constant 0 : i32
        %dma_wait3A_161 = arith.constant 0 : i32
        %dma_wait3A_162 = tpu.memref_slice %arg2[%add3A_55, %add3A_146, %dma_wait3A_160, %dma_wait3A_161] : memref<32x80x128x128xf32, #tpu.memory_space<hbm>> -> memref<1x1x128x128xf32, #tpu.memory_space<hbm>>
        %dma_wait3A_163 = tpu.memref_squeeze %dma_wait3A_162 : memref<1x1x128x128xf32, #tpu.memory_space<hbm>> -> memref<128x128xf32, #tpu.memory_space<hbm>>
        tpu.wait_dma2 semaphore(%arg12 : memref<!tpu.dma_semaphore, #tpu.memory_space<semaphore_mem>>) src(%dma_wait3A_163 : memref<128x128xf32, #tpu.memory_space<hbm>>) dst(%dma_wait3A_159 : memref<128x128xf32, #tpu.memory_space<vmem>>)
      } else {
      }
      %mul3A_126 = arith.constant 2 : i32
      %mul3A_127 = arith.muli %mul3A_126, %scan3A_110 : i32
      %add3A_128 = arith.constant 1 : i32
      %add3A_129 = arith.addi %mul3A_127, %add3A_128 : i32
      %add3A_130 = arith.constant 1 : i32
      %add3A_131 = arith.addi %add3A_129, %add3A_130 : i32
      %lt3A_132 = arith.constant 80 : i32
      %lt3A_133 = arith.cmpi slt, %add3A_131, %lt3A_132 : i32
      %convert_element_type3A_134 = arith.extui %lt3A_133 : i1 to i32
      %cond3A_135 = arith.constant 0 : i32
      %cond3A_136 = arith.cmpi ne, %convert_element_type3A_134, %cond3A_135 : i32
      scf.if %cond3A_136 {
        %add3A_145 = arith.constant 1 : i32
        %add3A_146 = arith.addi %add3A_129, %add3A_145 : i32
        %dma_start3A_147 = arith.constant 0 : i32
        %dma_start3A_148 = arith.constant 0 : i32
        %dma_start3A_149 = arith.constant 0 : i32
        %dma_start3A_150 = tpu.memref_slice %arg8[%dma_start3A_147, %dma_start3A_148, %dma_start3A_149] : memref<2x128x128xf32, #tpu.memory_space<vmem>> -> memref<1x128x128xf32, #tpu.memory_space<vmem>>
        %dma_start3A_151 = tpu.memref_squeeze %dma_start3A_150 : memref<1x128x128xf32, #tpu.memory_space<vmem>> -> memref<128x128xf32, #tpu.memory_space<vmem>>
        %dma_start3A_152 = arith.constant 0 : i32
        %dma_start3A_153 = arith.constant 0 : i32
        %dma_start3A_154 = tpu.memref_slice %arg2[%add3A_55, %add3A_146, %dma_start3A_152, %dma_start3A_153] : memref<32x80x128x128xf32, #tpu.memory_space<hbm>> -> memref<1x1x128x128xf32, #tpu.memory_space<hbm>>
        %dma_start3A_155 = tpu.memref_squeeze %dma_start3A_154 : memref<1x1x128x128xf32, #tpu.memory_space<hbm>> -> memref<128x128xf32, #tpu.memory_space<hbm>>
        %dma_start3A_156 = arith.constant 0 : i32
        %dma_start3A_157 = arith.constant 0 : i32
        %dma_start3A_158 = tpu.memref_slice %arg8[%dma_start3A_147, %dma_start3A_156, %dma_start3A_157] : memref<2x128x128xf32, #tpu.memory_space<vmem>> -> memref<1x128x128xf32, #tpu.memory_space<vmem>>
        %dma_start3A_159 = tpu.memref_squeeze %dma_start3A_158 : memref<1x128x128xf32, #tpu.memory_space<vmem>> -> memref<128x128xf32, #tpu.memory_space<vmem>>
        %dma_start3A_160 = arith.constant 0 : i32
        %dma_start3A_161 = arith.constant 0 : i32
        %dma_start3A_162 = tpu.memref_slice %arg2[%add3A_55, %add3A_146, %dma_start3A_160, %dma_start3A_161] : memref<32x80x128x128xf32, #tpu.memory_space<hbm>> -> memref<1x1x128x128xf32, #tpu.memory_space<hbm>>
        %dma_start3A_163 = tpu.memref_squeeze %dma_start3A_162 : memref<1x1x128x128xf32, #tpu.memory_space<hbm>> -> memref<128x128xf32, #tpu.memory_space<hbm>>
        tpu.enqueue_dma source(%dma_start3A_163 : memref<128x128xf32, #tpu.memory_space<hbm>>) target(%dma_start3A_159 : memref<128x128xf32, #tpu.memory_space<vmem>>) target_semaphore(%arg11 : memref<!tpu.dma_semaphore, #tpu.memory_space<semaphore_mem>>)
      } else {
      }
      %run_scoped3A_137 = arith.constant 1 : i32
      "tpu.region"() ({
        %run_scoped3A_145 = tpu.sem_alloc : memref<!tpu.dma_semaphore, #tpu.memory_space<semaphore_mem>>
        %dma_start3A_146 = arith.constant 0 : i32
        %dma_start3A_147 = arith.constant 0 : i32
        %dma_start3A_148 = tpu.memref_slice %arg8[%run_scoped3A_137, %dma_start3A_146, %dma_start3A_147] : memref<2x128x128xf32, #tpu.memory_space<vmem>> -> memref<1x128x128xf32, #tpu.memory_space<vmem>>
        %dma_start3A_149 = tpu.memref_squeeze %dma_start3A_148 : memref<1x128x128xf32, #tpu.memory_space<vmem>> -> memref<128x128xf32, #tpu.memory_space<vmem>>
        %dma_start3A_150 = arith.constant 0 : i32
        %dma_start3A_151 = tpu.memref_slice %arg7[%add3A_129, %dma_start3A_150] : memref<80x128xi32, #tpu.memory_space<vmem>> -> memref<1x128xi32, #tpu.memory_space<vmem>>
        %dma_start3A_152 = tpu.memref_squeeze %dma_start3A_151 : memref<1x128xi32, #tpu.memory_space<vmem>> -> memref<128xi32, #tpu.memory_space<vmem>>
        %dma_start3A_153 = arith.constant 0 : i32
        %dma_start3A_154 = arith.constant 0 : i32
        %dma_start3A_155 = tpu.memref_slice %arg10[%dma_start3A_153, %dma_start3A_154] : memref<6144x128xf32, #tpu.memory_space<vmem_shared>> -> memref<6144x128xf32, #tpu.memory_space<vmem_shared>>
        tpu.enqueue_indirect_dma source(%dma_start3A_149 : memref<128x128xf32, #tpu.memory_space<vmem>>) target(%dma_start3A_155 : memref<6144x128xf32, #tpu.memory_space<vmem_shared>>) offsets(%dma_start3A_152 : memref<128xi32, #tpu.memory_space<vmem>>) semaphore(%run_scoped3A_145 : memref<!tpu.dma_semaphore, #tpu.memory_space<semaphore_mem>>) {add = true}
        %dma_wait3A_156 = arith.constant 0 : i32
        %dma_wait3A_157 = arith.constant 0 : i32
        %dma_wait3A_158 = tpu.memref_slice %arg8[%run_scoped3A_137, %dma_wait3A_156, %dma_wait3A_157] : memref<2x128x128xf32, #tpu.memory_space<vmem>> -> memref<1x128x128xf32, #tpu.memory_space<vmem>>
        %dma_wait3A_159 = tpu.memref_squeeze %dma_wait3A_158 : memref<1x128x128xf32, #tpu.memory_space<vmem>> -> memref<128x128xf32, #tpu.memory_space<vmem>>
        %dma_wait3A_160 = arith.constant 0 : i32
        %dma_wait3A_161 = tpu.memref_slice %arg7[%add3A_129, %dma_wait3A_160] : memref<80x128xi32, #tpu.memory_space<vmem>> -> memref<1x128xi32, #tpu.memory_space<vmem>>
        %dma_wait3A_162 = tpu.memref_squeeze %dma_wait3A_161 : memref<1x128xi32, #tpu.memory_space<vmem>> -> memref<128xi32, #tpu.memory_space<vmem>>
        %dma_wait3A_163 = arith.constant 0 : i32
        %dma_wait3A_164 = arith.constant 0 : i32
        %dma_wait3A_165 = tpu.memref_slice %arg10[%dma_wait3A_163, %dma_wait3A_164] : memref<6144x128xf32, #tpu.memory_space<vmem_shared>> -> memref<6144x128xf32, #tpu.memory_space<vmem_shared>>
        tpu.wait_indirect_dma semaphore(%run_scoped3A_145 : memref<!tpu.dma_semaphore, #tpu.memory_space<semaphore_mem>>) src(%dma_wait3A_159 : memref<128x128xf32, #tpu.memory_space<vmem>>) dst(%dma_wait3A_165 : memref<6144x128xf32, #tpu.memory_space<vmem_shared>>)
        tpu.yield
      }) : () -> ()
      %add3A_138 = arith.constant 1 : i32
      %add3A_139 = arith.addi %add3A_129, %add3A_138 : i32
      %lt3A_140 = arith.constant 80 : i32
      %lt3A_141 = arith.cmpi slt, %add3A_139, %lt3A_140 : i32
      %convert_element_type3A_142 = arith.extui %lt3A_141 : i1 to i32
      %cond3A_143 = arith.constant 0 : i32
      %cond3A_144 = arith.cmpi ne, %convert_element_type3A_142, %cond3A_143 : i32
      scf.if %cond3A_144 {
        %add3A_145 = arith.constant 1 : i32
        %add3A_146 = arith.addi %add3A_129, %add3A_145 : i32
        %dma_wait3A_147 = arith.constant 0 : i32
        %dma_wait3A_148 = arith.constant 0 : i32
        %dma_wait3A_149 = arith.constant 0 : i32
        %dma_wait3A_150 = tpu.memref_slice %arg8[%dma_wait3A_147, %dma_wait3A_148, %dma_wait3A_149] : memref<2x128x128xf32, #tpu.memory_space<vmem>> -> memref<1x128x128xf32, #tpu.memory_space<vmem>>
        %dma_wait3A_151 = tpu.memref_squeeze %dma_wait3A_150 : memref<1x128x128xf32, #tpu.memory_space<vmem>> -> memref<128x128xf32, #tpu.memory_space<vmem>>
        %dma_wait3A_152 = arith.constant 0 : i32
        %dma_wait3A_153 = arith.constant 0 : i32
        %dma_wait3A_154 = tpu.memref_slice %arg2[%add3A_55, %add3A_146, %dma_wait3A_152, %dma_wait3A_153] : memref<32x80x128x128xf32, #tpu.memory_space<hbm>> -> memref<1x1x128x128xf32, #tpu.memory_space<hbm>>
        %dma_wait3A_155 = tpu.memref_squeeze %dma_wait3A_154 : memref<1x1x128x128xf32, #tpu.memory_space<hbm>> -> memref<128x128xf32, #tpu.memory_space<hbm>>
        %dma_wait3A_156 = arith.constant 0 : i32
        %dma_wait3A_157 = arith.constant 0 : i32
        %dma_wait3A_158 = tpu.memref_slice %arg8[%dma_wait3A_147, %dma_wait3A_156, %dma_wait3A_157] : memref<2x128x128xf32, #tpu.memory_space<vmem>> -> memref<1x128x128xf32, #tpu.memory_space<vmem>>
        %dma_wait3A_159 = tpu.memref_squeeze %dma_wait3A_158 : memref<1x128x128xf32, #tpu.memory_space<vmem>> -> memref<128x128xf32, #tpu.memory_space<vmem>>
        %dma_wait3A_160 = arith.constant 0 : i32
        %dma_wait3A_161 = arith.constant 0 : i32
        %dma_wait3A_162 = tpu.memref_slice %arg2[%add3A_55, %add3A_146, %dma_wait3A_160, %dma_wait3A_161] : memref<32x80x128x128xf32, #tpu.memory_space<hbm>> -> memref<1x1x128x128xf32, #tpu.memory_space<hbm>>
        %dma_wait3A_163 = tpu.memref_squeeze %dma_wait3A_162 : memref<1x1x128x128xf32, #tpu.memory_space<hbm>> -> memref<128x128xf32, #tpu.memory_space<hbm>>
        tpu.wait_dma2 semaphore(%arg11 : memref<!tpu.dma_semaphore, #tpu.memory_space<semaphore_mem>>) src(%dma_wait3A_163 : memref<128x128xf32, #tpu.memory_space<hbm>>) dst(%dma_wait3A_159 : memref<128x128xf32, #tpu.memory_space<vmem>>)
      } else {
      }
    }
    %scan3A_101 = arith.constant 40 : i32
    %barrier3A_102 = arith.constant 0 : index
    tpu.barrier barrier_id(%barrier3A_102)
    %mul3A_103 = arith.constant 320 : i32
    %mul3A_104 = arith.muli %mul3A_103, %arg1 : i32
    %scan3A_105 = arith.constant 0 : i32
    %scan3A_106 = arith.constant 5 : i32
    %scan3A_107 = arith.addi %scan3A_105, %scan3A_106 : i32
    %scan3A_108 = arith.constant 1 : i32
    scf.for %scan3A_110 = %scan3A_105 to %scan3A_107 step %scan3A_108  : i32 {
      %mul3A_111 = arith.constant 64 : i32
      %mul3A_112 = arith.muli %scan3A_110, %mul3A_111 : i32
      %add3A_113 = arith.addi %mul3A_104, %mul3A_112 : i32
      "tpu.region"() ({
        %run_scoped3A = tpu.sem_alloc : memref<!tpu.dma_semaphore, #tpu.memory_space<semaphore_mem>>
        %dma_start3A_118 = arith.constant 0 : i32
        %dma_start3A_119 = arith.constant 0 : i32
        %dma_start3A_120 = tpu.memref_slice %arg9[%dma_start3A_118, %dma_start3A_119] : memref<128x128xf32, #tpu.memory_space<vmem>> -> memref<64x128xf32, #tpu.memory_space<vmem>>
        %dma_start3A_121 = arith.constant 0 : i32
        %dma_start3A_122 = tpu.memref_slice %arg10[%add3A_113, %dma_start3A_121] : memref<6144x128xf32, #tpu.memory_space<vmem_shared>> -> memref<64x128xf32, #tpu.memory_space<vmem_shared>>
        %dma_start3A_123 = arith.constant 0 : i32
        %dma_start3A_124 = arith.constant 0 : i32
        %dma_start3A_125 = tpu.memref_slice %arg9[%dma_start3A_123, %dma_start3A_124] : memref<128x128xf32, #tpu.memory_space<vmem>> -> memref<64x128xf32, #tpu.memory_space<vmem>>
        %dma_start3A_126 = arith.constant 0 : i32
        %dma_start3A_127 = tpu.memref_slice %arg10[%add3A_113, %dma_start3A_126] : memref<6144x128xf32, #tpu.memory_space<vmem_shared>> -> memref<64x128xf32, #tpu.memory_space<vmem_shared>>
        tpu.enqueue_dma source(%dma_start3A_127 : memref<64x128xf32, #tpu.memory_space<vmem_shared>>) target(%dma_start3A_125 : memref<64x128xf32, #tpu.memory_space<vmem>>) target_semaphore(%run_scoped3A : memref<!tpu.dma_semaphore, #tpu.memory_space<semaphore_mem>>)
        %dma_wait3A_128 = arith.constant 0 : i32
        %dma_wait3A_129 = arith.constant 0 : i32
        %dma_wait3A_130 = tpu.memref_slice %arg9[%dma_wait3A_128, %dma_wait3A_129] : memref<128x128xf32, #tpu.memory_space<vmem>> -> memref<64x128xf32, #tpu.memory_space<vmem>>
        %dma_wait3A_131 = arith.constant 0 : i32
        %dma_wait3A_132 = tpu.memref_slice %arg10[%add3A_113, %dma_wait3A_131] : memref<6144x128xf32, #tpu.memory_space<vmem_shared>> -> memref<64x128xf32, #tpu.memory_space<vmem_shared>>
        %dma_wait3A_133 = arith.constant 0 : i32
        %dma_wait3A_134 = arith.constant 0 : i32
        %dma_wait3A_135 = tpu.memref_slice %arg9[%dma_wait3A_133, %dma_wait3A_134] : memref<128x128xf32, #tpu.memory_space<vmem>> -> memref<64x128xf32, #tpu.memory_space<vmem>>
        %dma_wait3A_136 = arith.constant 0 : i32
        %dma_wait3A_137 = tpu.memref_slice %arg10[%add3A_113, %dma_wait3A_136] : memref<6144x128xf32, #tpu.memory_space<vmem_shared>> -> memref<64x128xf32, #tpu.memory_space<vmem_shared>>
        tpu.wait_dma2 semaphore(%run_scoped3A : memref<!tpu.dma_semaphore, #tpu.memory_space<semaphore_mem>>) src(%dma_wait3A_137 : memref<64x128xf32, #tpu.memory_space<vmem_shared>>) dst(%dma_wait3A_135 : memref<64x128xf32, #tpu.memory_space<vmem>>)
        tpu.yield
      }) : () -> ()
      %add3A_114 = arith.addi %mul3A_6, %mul3A_104 : i32
      %mul3A_115 = arith.constant 64 : i32
      %mul3A_116 = arith.muli %scan3A_110, %mul3A_115 : i32
      %add3A_117 = arith.addi %add3A_114, %mul3A_116 : i32
      "tpu.region"() ({
        %run_scoped3A = tpu.sem_alloc : memref<!tpu.dma_semaphore, #tpu.memory_space<semaphore_mem>>
        %dma_start3A_118 = arith.constant 0 : i32
        %dma_start3A_119 = arith.constant 0 : i32
        %dma_start3A_120 = tpu.memref_slice %arg9[%dma_start3A_118, %dma_start3A_119] : memref<128x128xf32, #tpu.memory_space<vmem>> -> memref<64x128xf32, #tpu.memory_space<vmem>>
        %dma_start3A_121 = arith.constant 0 : i32
        %dma_start3A_122 = tpu.memref_slice %arg5[%add3A_117, %dma_start3A_121] : memref<10240x128xf32, #tpu.memory_space<hbm>> -> memref<64x128xf32, #tpu.memory_space<hbm>>
        %dma_start3A_123 = arith.constant 0 : i32
        %dma_start3A_124 = tpu.memref_slice %arg5[%add3A_117, %dma_start3A_123] : memref<10240x128xf32, #tpu.memory_space<hbm>> -> memref<64x128xf32, #tpu.memory_space<hbm>>
        %dma_start3A_125 = arith.constant 0 : i32
        %dma_start3A_126 = arith.constant 0 : i32
        %dma_start3A_127 = tpu.memref_slice %arg9[%dma_start3A_125, %dma_start3A_126] : memref<128x128xf32, #tpu.memory_space<vmem>> -> memref<64x128xf32, #tpu.memory_space<vmem>>
        tpu.enqueue_dma source(%dma_start3A_127 : memref<64x128xf32, #tpu.memory_space<vmem>>) target(%dma_start3A_124 : memref<64x128xf32, #tpu.memory_space<hbm>>) target_semaphore(%run_scoped3A : memref<!tpu.dma_semaphore, #tpu.memory_space<semaphore_mem>>)
        %dma_wait3A_128 = arith.constant 0 : i32
        %dma_wait3A_129 = arith.constant 0 : i32
        %dma_wait3A_130 = tpu.memref_slice %arg9[%dma_wait3A_128, %dma_wait3A_129] : memref<128x128xf32, #tpu.memory_space<vmem>> -> memref<64x128xf32, #tpu.memory_space<vmem>>
        %dma_wait3A_131 = arith.constant 0 : i32
        %dma_wait3A_132 = tpu.memref_slice %arg5[%add3A_117, %dma_wait3A_131] : memref<10240x128xf32, #tpu.memory_space<hbm>> -> memref<64x128xf32, #tpu.memory_space<hbm>>
        %dma_wait3A_133 = arith.constant 0 : i32
        %dma_wait3A_134 = tpu.memref_slice %arg5[%add3A_117, %dma_wait3A_133] : memref<10240x128xf32, #tpu.memory_space<hbm>> -> memref<64x128xf32, #tpu.memory_space<hbm>>
        %dma_wait3A_135 = arith.constant 0 : i32
        %dma_wait3A_136 = arith.constant 0 : i32
        %dma_wait3A_137 = tpu.memref_slice %arg9[%dma_wait3A_135, %dma_wait3A_136] : memref<128x128xf32, #tpu.memory_space<vmem>> -> memref<64x128xf32, #tpu.memory_space<vmem>>
        tpu.wait_dma2 semaphore(%run_scoped3A : memref<!tpu.dma_semaphore, #tpu.memory_space<semaphore_mem>>) src(%dma_wait3A_137 : memref<64x128xf32, #tpu.memory_space<vmem>>) dst(%dma_wait3A_134 : memref<64x128xf32, #tpu.memory_space<hbm>>)
        tpu.yield
      }) : () -> ()
    }
    %scan3A_109 = arith.constant 5 : i32
    return
  }
}

#map = affine_map<(d0, d1) -> (0, 0)>
#map1 = affine_map<(d0, d1) -> (0, 0, 0)>
#map2 = affine_map<(d0, d1) -> (0, 0, 0, 0)>
module attributes {stable_mosaic.version = 14 : i64} {
  func.func @gather_k(%arg0: i32, %arg1: i32, %arg2: memref<10000x128xf32, #tpu.memory_space<hbm>>, %arg3: memref<32x80x128xi32, #tpu.memory_space<hbm>>, %arg4: memref<32x20x512x128xf32, #tpu.memory_space<hbm>>, %arg5: memref<80x128xi32, #tpu.memory_space<vmem>>, %arg6: memref<512x128xf32, #tpu.memory_space<vmem>>, %arg7: memref<!tpu.dma_semaphore, #tpu.memory_space<semaphore_mem>>, %arg8: memref<!tpu.dma_semaphore, #tpu.memory_space<semaphore_mem>>, %arg9: memref<!tpu.dma_semaphore, #tpu.memory_space<semaphore_mem>>, %arg10: memref<!tpu.dma_semaphore, #tpu.memory_space<semaphore_mem>>) attributes {dimension_semantics = [#tpu.dimension_semantics<core_parallel>, #tpu.dimension_semantics<subcore_parallel>], iteration_bounds = array<i64: 2, 16>, scalar_prefetch = 0 : i64, scratch_operands = 6 : i64, tpu.core_type = #tpu.core_type<sc_vector_subcore>, window_params = [{transform_indices = #map}, {transform_indices = #map1}, {transform_indices = #map2}]} {
    %mul3A = arith.constant 16 : i32
    %mul3A_0 = arith.muli %arg0, %mul3A : i32
    %add3A = arith.addi %mul3A_0, %arg1 : i32
    "tpu.region"() ({
      %run_scoped3A = tpu.sem_alloc : memref<!tpu.dma_semaphore, #tpu.memory_space<semaphore_mem>>
      %dma_start3A = arith.constant 0 : i32
      %dma_start3A_5 = arith.constant 0 : i32
      %dma_start3A_6 = tpu.memref_slice %arg3[%add3A, %dma_start3A, %dma_start3A_5] : memref<32x80x128xi32, #tpu.memory_space<hbm>> -> memref<1x80x128xi32, #tpu.memory_space<hbm>>
      %dma_start3A_7 = tpu.memref_squeeze %dma_start3A_6 : memref<1x80x128xi32, #tpu.memory_space<hbm>> -> memref<80x128xi32, #tpu.memory_space<hbm>>
      %dma_start3A_8 = arith.constant 0 : i32
      %dma_start3A_9 = arith.constant 0 : i32
      %dma_start3A_10 = tpu.memref_slice %arg3[%add3A, %dma_start3A_8, %dma_start3A_9] : memref<32x80x128xi32, #tpu.memory_space<hbm>> -> memref<1x80x128xi32, #tpu.memory_space<hbm>>
      %dma_start3A_11 = tpu.memref_squeeze %dma_start3A_10 : memref<1x80x128xi32, #tpu.memory_space<hbm>> -> memref<80x128xi32, #tpu.memory_space<hbm>>
      tpu.enqueue_dma source(%dma_start3A_11 : memref<80x128xi32, #tpu.memory_space<hbm>>) target(%arg5 : memref<80x128xi32, #tpu.memory_space<vmem>>) target_semaphore(%run_scoped3A : memref<!tpu.dma_semaphore, #tpu.memory_space<semaphore_mem>>)
      %dma_wait3A = arith.constant 0 : i32
      %dma_wait3A_12 = arith.constant 0 : i32
      %dma_wait3A_13 = tpu.memref_slice %arg3[%add3A, %dma_wait3A, %dma_wait3A_12] : memref<32x80x128xi32, #tpu.memory_space<hbm>> -> memref<1x80x128xi32, #tpu.memory_space<hbm>>
      %dma_wait3A_14 = tpu.memref_squeeze %dma_wait3A_13 : memref<1x80x128xi32, #tpu.memory_space<hbm>> -> memref<80x128xi32, #tpu.memory_space<hbm>>
      %dma_wait3A_15 = arith.constant 0 : i32
      %dma_wait3A_16 = arith.constant 0 : i32
      %dma_wait3A_17 = tpu.memref_slice %arg3[%add3A, %dma_wait3A_15, %dma_wait3A_16] : memref<32x80x128xi32, #tpu.memory_space<hbm>> -> memref<1x80x128xi32, #tpu.memory_space<hbm>>
      %dma_wait3A_18 = tpu.memref_squeeze %dma_wait3A_17 : memref<1x80x128xi32, #tpu.memory_space<hbm>> -> memref<80x128xi32, #tpu.memory_space<hbm>>
      tpu.wait_dma2 semaphore(%run_scoped3A : memref<!tpu.dma_semaphore, #tpu.memory_space<semaphore_mem>>) src(%dma_wait3A_18 : memref<80x128xi32, #tpu.memory_space<hbm>>) dst(%arg5 : memref<80x128xi32, #tpu.memory_space<vmem>>)
      tpu.yield
    }) : () -> ()
    %scan3A = arith.constant 0 : i32
    %scan3A_1 = arith.constant 20 : i32
    %scan3A_2 = arith.addi %scan3A, %scan3A_1 : i32
    %scan3A_3 = arith.constant 1 : i32
    scf.for %scan3A_5 = %scan3A to %scan3A_2 step %scan3A_3  : i32 {
      %mul3A_6 = arith.constant 4 : i32
      %mul3A_7 = arith.muli %scan3A_5, %mul3A_6 : i32
      %add3A_8 = arith.constant 0 : i32
      %add3A_9 = arith.addi %mul3A_7, %add3A_8 : i32
      %dma_start3A = arith.constant 0 : i32
      %dma_start3A_10 = arith.constant 0 : i32
      %dma_start3A_11 = tpu.memref_slice %arg6[%dma_start3A, %dma_start3A_10] : memref<512x128xf32, #tpu.memory_space<vmem>> -> memref<128x128xf32, #tpu.memory_space<vmem>>
      %dma_start3A_12 = arith.constant 0 : i32
      %dma_start3A_13 = tpu.memref_slice %arg5[%add3A_9, %dma_start3A_12] : memref<80x128xi32, #tpu.memory_space<vmem>> -> memref<1x128xi32, #tpu.memory_space<vmem>>
      %dma_start3A_14 = tpu.memref_squeeze %dma_start3A_13 : memref<1x128xi32, #tpu.memory_space<vmem>> -> memref<128xi32, #tpu.memory_space<vmem>>
      %dma_start3A_15 = arith.constant 0 : i32
      %dma_start3A_16 = arith.constant 0 : i32
      %dma_start3A_17 = tpu.memref_slice %arg2[%dma_start3A_15, %dma_start3A_16] : memref<10000x128xf32, #tpu.memory_space<hbm>> -> memref<10000x128xf32, #tpu.memory_space<hbm>>
      tpu.enqueue_indirect_dma source(%dma_start3A_17 : memref<10000x128xf32, #tpu.memory_space<hbm>>) target(%dma_start3A_11 : memref<128x128xf32, #tpu.memory_space<vmem>>) offsets(%dma_start3A_14 : memref<128xi32, #tpu.memory_space<vmem>>) semaphore(%arg7 : memref<!tpu.dma_semaphore, #tpu.memory_space<semaphore_mem>>)
      %mul3A_18 = arith.constant 4 : i32
      %mul3A_19 = arith.muli %scan3A_5, %mul3A_18 : i32
      %add3A_20 = arith.constant 1 : i32
      %add3A_21 = arith.addi %mul3A_19, %add3A_20 : i32
      %dma_start3A_22 = arith.constant 128 : i32
      %dma_start3A_23 = arith.constant 0 : i32
      %dma_start3A_24 = tpu.memref_slice %arg6[%dma_start3A_22, %dma_start3A_23] : memref<512x128xf32, #tpu.memory_space<vmem>> -> memref<128x128xf32, #tpu.memory_space<vmem>>
      %dma_start3A_25 = arith.constant 0 : i32
      %dma_start3A_26 = tpu.memref_slice %arg5[%add3A_21, %dma_start3A_25] : memref<80x128xi32, #tpu.memory_space<vmem>> -> memref<1x128xi32, #tpu.memory_space<vmem>>
      %dma_start3A_27 = tpu.memref_squeeze %dma_start3A_26 : memref<1x128xi32, #tpu.memory_space<vmem>> -> memref<128xi32, #tpu.memory_space<vmem>>
      %dma_start3A_28 = arith.constant 0 : i32
      %dma_start3A_29 = arith.constant 0 : i32
      %dma_start3A_30 = tpu.memref_slice %arg2[%dma_start3A_28, %dma_start3A_29] : memref<10000x128xf32, #tpu.memory_space<hbm>> -> memref<10000x128xf32, #tpu.memory_space<hbm>>
      tpu.enqueue_indirect_dma source(%dma_start3A_30 : memref<10000x128xf32, #tpu.memory_space<hbm>>) target(%dma_start3A_24 : memref<128x128xf32, #tpu.memory_space<vmem>>) offsets(%dma_start3A_27 : memref<128xi32, #tpu.memory_space<vmem>>) semaphore(%arg8 : memref<!tpu.dma_semaphore, #tpu.memory_space<semaphore_mem>>)
      %mul3A_31 = arith.constant 4 : i32
      %mul3A_32 = arith.muli %scan3A_5, %mul3A_31 : i32
      %add3A_33 = arith.constant 2 : i32
      %add3A_34 = arith.addi %mul3A_32, %add3A_33 : i32
      %dma_start3A_35 = arith.constant 256 : i32
      %dma_start3A_36 = arith.constant 0 : i32
      %dma_start3A_37 = tpu.memref_slice %arg6[%dma_start3A_35, %dma_start3A_36] : memref<512x128xf32, #tpu.memory_space<vmem>> -> memref<128x128xf32, #tpu.memory_space<vmem>>
      %dma_start3A_38 = arith.constant 0 : i32
      %dma_start3A_39 = tpu.memref_slice %arg5[%add3A_34, %dma_start3A_38] : memref<80x128xi32, #tpu.memory_space<vmem>> -> memref<1x128xi32, #tpu.memory_space<vmem>>
      %dma_start3A_40 = tpu.memref_squeeze %dma_start3A_39 : memref<1x128xi32, #tpu.memory_space<vmem>> -> memref<128xi32, #tpu.memory_space<vmem>>
      %dma_start3A_41 = arith.constant 0 : i32
      %dma_start3A_42 = arith.constant 0 : i32
      %dma_start3A_43 = tpu.memref_slice %arg2[%dma_start3A_41, %dma_start3A_42] : memref<10000x128xf32, #tpu.memory_space<hbm>> -> memref<10000x128xf32, #tpu.memory_space<hbm>>
      tpu.enqueue_indirect_dma source(%dma_start3A_43 : memref<10000x128xf32, #tpu.memory_space<hbm>>) target(%dma_start3A_37 : memref<128x128xf32, #tpu.memory_space<vmem>>) offsets(%dma_start3A_40 : memref<128xi32, #tpu.memory_space<vmem>>) semaphore(%arg9 : memref<!tpu.dma_semaphore, #tpu.memory_space<semaphore_mem>>)
      %mul3A_44 = arith.constant 4 : i32
      %mul3A_45 = arith.muli %scan3A_5, %mul3A_44 : i32
      %add3A_46 = arith.constant 3 : i32
      %add3A_47 = arith.addi %mul3A_45, %add3A_46 : i32
      %dma_start3A_48 = arith.constant 384 : i32
      %dma_start3A_49 = arith.constant 0 : i32
      %dma_start3A_50 = tpu.memref_slice %arg6[%dma_start3A_48, %dma_start3A_49] : memref<512x128xf32, #tpu.memory_space<vmem>> -> memref<128x128xf32, #tpu.memory_space<vmem>>
      %dma_start3A_51 = arith.constant 0 : i32
      %dma_start3A_52 = tpu.memref_slice %arg5[%add3A_47, %dma_start3A_51] : memref<80x128xi32, #tpu.memory_space<vmem>> -> memref<1x128xi32, #tpu.memory_space<vmem>>
      %dma_start3A_53 = tpu.memref_squeeze %dma_start3A_52 : memref<1x128xi32, #tpu.memory_space<vmem>> -> memref<128xi32, #tpu.memory_space<vmem>>
      %dma_start3A_54 = arith.constant 0 : i32
      %dma_start3A_55 = arith.constant 0 : i32
      %dma_start3A_56 = tpu.memref_slice %arg2[%dma_start3A_54, %dma_start3A_55] : memref<10000x128xf32, #tpu.memory_space<hbm>> -> memref<10000x128xf32, #tpu.memory_space<hbm>>
      tpu.enqueue_indirect_dma source(%dma_start3A_56 : memref<10000x128xf32, #tpu.memory_space<hbm>>) target(%dma_start3A_50 : memref<128x128xf32, #tpu.memory_space<vmem>>) offsets(%dma_start3A_53 : memref<128xi32, #tpu.memory_space<vmem>>) semaphore(%arg10 : memref<!tpu.dma_semaphore, #tpu.memory_space<semaphore_mem>>)
      %dma_wait3A = arith.constant 0 : i32
      %dma_wait3A_57 = arith.constant 0 : i32
      %dma_wait3A_58 = tpu.memref_slice %arg6[%dma_wait3A, %dma_wait3A_57] : memref<512x128xf32, #tpu.memory_space<vmem>> -> memref<128x128xf32, #tpu.memory_space<vmem>>
      %dma_wait3A_59 = arith.constant 0 : i32
      %dma_wait3A_60 = tpu.memref_slice %arg5[%add3A_9, %dma_wait3A_59] : memref<80x128xi32, #tpu.memory_space<vmem>> -> memref<1x128xi32, #tpu.memory_space<vmem>>
      %dma_wait3A_61 = tpu.memref_squeeze %dma_wait3A_60 : memref<1x128xi32, #tpu.memory_space<vmem>> -> memref<128xi32, #tpu.memory_space<vmem>>
      %dma_wait3A_62 = arith.constant 0 : i32
      %dma_wait3A_63 = arith.constant 0 : i32
      %dma_wait3A_64 = tpu.memref_slice %arg2[%dma_wait3A_62, %dma_wait3A_63] : memref<10000x128xf32, #tpu.memory_space<hbm>> -> memref<10000x128xf32, #tpu.memory_space<hbm>>
      tpu.wait_indirect_dma semaphore(%arg7 : memref<!tpu.dma_semaphore, #tpu.memory_space<semaphore_mem>>) src(%dma_wait3A_64 : memref<10000x128xf32, #tpu.memory_space<hbm>>) dst(%dma_wait3A_58 : memref<128x128xf32, #tpu.memory_space<vmem>>)
      %dma_wait3A_65 = arith.constant 128 : i32
      %dma_wait3A_66 = arith.constant 0 : i32
      %dma_wait3A_67 = tpu.memref_slice %arg6[%dma_wait3A_65, %dma_wait3A_66] : memref<512x128xf32, #tpu.memory_space<vmem>> -> memref<128x128xf32, #tpu.memory_space<vmem>>
      %dma_wait3A_68 = arith.constant 0 : i32
      %dma_wait3A_69 = tpu.memref_slice %arg5[%add3A_21, %dma_wait3A_68] : memref<80x128xi32, #tpu.memory_space<vmem>> -> memref<1x128xi32, #tpu.memory_space<vmem>>
      %dma_wait3A_70 = tpu.memref_squeeze %dma_wait3A_69 : memref<1x128xi32, #tpu.memory_space<vmem>> -> memref<128xi32, #tpu.memory_space<vmem>>
      %dma_wait3A_71 = arith.constant 0 : i32
      %dma_wait3A_72 = arith.constant 0 : i32
      %dma_wait3A_73 = tpu.memref_slice %arg2[%dma_wait3A_71, %dma_wait3A_72] : memref<10000x128xf32, #tpu.memory_space<hbm>> -> memref<10000x128xf32, #tpu.memory_space<hbm>>
      tpu.wait_indirect_dma semaphore(%arg8 : memref<!tpu.dma_semaphore, #tpu.memory_space<semaphore_mem>>) src(%dma_wait3A_73 : memref<10000x128xf32, #tpu.memory_space<hbm>>) dst(%dma_wait3A_67 : memref<128x128xf32, #tpu.memory_space<vmem>>)
      %dma_wait3A_74 = arith.constant 256 : i32
      %dma_wait3A_75 = arith.constant 0 : i32
      %dma_wait3A_76 = tpu.memref_slice %arg6[%dma_wait3A_74, %dma_wait3A_75] : memref<512x128xf32, #tpu.memory_space<vmem>> -> memref<128x128xf32, #tpu.memory_space<vmem>>
      %dma_wait3A_77 = arith.constant 0 : i32
      %dma_wait3A_78 = tpu.memref_slice %arg5[%add3A_34, %dma_wait3A_77] : memref<80x128xi32, #tpu.memory_space<vmem>> -> memref<1x128xi32, #tpu.memory_space<vmem>>
      %dma_wait3A_79 = tpu.memref_squeeze %dma_wait3A_78 : memref<1x128xi32, #tpu.memory_space<vmem>> -> memref<128xi32, #tpu.memory_space<vmem>>
      %dma_wait3A_80 = arith.constant 0 : i32
      %dma_wait3A_81 = arith.constant 0 : i32
      %dma_wait3A_82 = tpu.memref_slice %arg2[%dma_wait3A_80, %dma_wait3A_81] : memref<10000x128xf32, #tpu.memory_space<hbm>> -> memref<10000x128xf32, #tpu.memory_space<hbm>>
      tpu.wait_indirect_dma semaphore(%arg9 : memref<!tpu.dma_semaphore, #tpu.memory_space<semaphore_mem>>) src(%dma_wait3A_82 : memref<10000x128xf32, #tpu.memory_space<hbm>>) dst(%dma_wait3A_76 : memref<128x128xf32, #tpu.memory_space<vmem>>)
      %dma_wait3A_83 = arith.constant 384 : i32
      %dma_wait3A_84 = arith.constant 0 : i32
      %dma_wait3A_85 = tpu.memref_slice %arg6[%dma_wait3A_83, %dma_wait3A_84] : memref<512x128xf32, #tpu.memory_space<vmem>> -> memref<128x128xf32, #tpu.memory_space<vmem>>
      %dma_wait3A_86 = arith.constant 0 : i32
      %dma_wait3A_87 = tpu.memref_slice %arg5[%add3A_47, %dma_wait3A_86] : memref<80x128xi32, #tpu.memory_space<vmem>> -> memref<1x128xi32, #tpu.memory_space<vmem>>
      %dma_wait3A_88 = tpu.memref_squeeze %dma_wait3A_87 : memref<1x128xi32, #tpu.memory_space<vmem>> -> memref<128xi32, #tpu.memory_space<vmem>>
      %dma_wait3A_89 = arith.constant 0 : i32
      %dma_wait3A_90 = arith.constant 0 : i32
      %dma_wait3A_91 = tpu.memref_slice %arg2[%dma_wait3A_89, %dma_wait3A_90] : memref<10000x128xf32, #tpu.memory_space<hbm>> -> memref<10000x128xf32, #tpu.memory_space<hbm>>
      tpu.wait_indirect_dma semaphore(%arg10 : memref<!tpu.dma_semaphore, #tpu.memory_space<semaphore_mem>>) src(%dma_wait3A_91 : memref<10000x128xf32, #tpu.memory_space<hbm>>) dst(%dma_wait3A_85 : memref<128x128xf32, #tpu.memory_space<vmem>>)
      "tpu.region"() ({
        %run_scoped3A = tpu.sem_alloc : memref<!tpu.dma_semaphore, #tpu.memory_space<semaphore_mem>>
        %dma_start3A_92 = arith.constant 0 : i32
        %dma_start3A_93 = arith.constant 0 : i32
        %dma_start3A_94 = tpu.memref_slice %arg4[%add3A, %scan3A_5, %dma_start3A_92, %dma_start3A_93] : memref<32x20x512x128xf32, #tpu.memory_space<hbm>> -> memref<1x1x512x128xf32, #tpu.memory_space<hbm>>
        %dma_start3A_95 = tpu.memref_squeeze %dma_start3A_94 : memref<1x1x512x128xf32, #tpu.memory_space<hbm>> -> memref<512x128xf32, #tpu.memory_space<hbm>>
        %dma_start3A_96 = arith.constant 0 : i32
        %dma_start3A_97 = arith.constant 0 : i32
        %dma_start3A_98 = tpu.memref_slice %arg4[%add3A, %scan3A_5, %dma_start3A_96, %dma_start3A_97] : memref<32x20x512x128xf32, #tpu.memory_space<hbm>> -> memref<1x1x512x128xf32, #tpu.memory_space<hbm>>
        %dma_start3A_99 = tpu.memref_squeeze %dma_start3A_98 : memref<1x1x512x128xf32, #tpu.memory_space<hbm>> -> memref<512x128xf32, #tpu.memory_space<hbm>>
        tpu.enqueue_dma source(%arg6 : memref<512x128xf32, #tpu.memory_space<vmem>>) target(%dma_start3A_99 : memref<512x128xf32, #tpu.memory_space<hbm>>) target_semaphore(%run_scoped3A : memref<!tpu.dma_semaphore, #tpu.memory_space<semaphore_mem>>)
        %dma_wait3A_100 = arith.constant 0 : i32
        %dma_wait3A_101 = arith.constant 0 : i32
        %dma_wait3A_102 = tpu.memref_slice %arg4[%add3A, %scan3A_5, %dma_wait3A_100, %dma_wait3A_101] : memref<32x20x512x128xf32, #tpu.memory_space<hbm>> -> memref<1x1x512x128xf32, #tpu.memory_space<hbm>>
        %dma_wait3A_103 = tpu.memref_squeeze %dma_wait3A_102 : memref<1x1x512x128xf32, #tpu.memory_space<hbm>> -> memref<512x128xf32, #tpu.memory_space<hbm>>
        %dma_wait3A_104 = arith.constant 0 : i32
        %dma_wait3A_105 = arith.constant 0 : i32
        %dma_wait3A_106 = tpu.memref_slice %arg4[%add3A, %scan3A_5, %dma_wait3A_104, %dma_wait3A_105] : memref<32x20x512x128xf32, #tpu.memory_space<hbm>> -> memref<1x1x512x128xf32, #tpu.memory_space<hbm>>
        %dma_wait3A_107 = tpu.memref_squeeze %dma_wait3A_106 : memref<1x1x512x128xf32, #tpu.memory_space<hbm>> -> memref<512x128xf32, #tpu.memory_space<hbm>>
        tpu.wait_dma2 semaphore(%run_scoped3A : memref<!tpu.dma_semaphore, #tpu.memory_space<semaphore_mem>>) src(%arg6 : memref<512x128xf32, #tpu.memory_space<vmem>>) dst(%dma_wait3A_107 : memref<512x128xf32, #tpu.memory_space<hbm>>)
        tpu.yield
      }) : () -> ()
    }
    %scan3A_4 = arith.constant 20 : i32
    return
  }
}

module attributes {stable_mosaic.version = 14 : i64} {
  func.func @_proj_body(%arg0: i32, %arg1: memref<2000x128xf32, #tpu.memory_space<vmem>>, %arg2: memref<2000x128xf32, #tpu.memory_space<vmem>>, %arg3: memref<128x128xf32, #tpu.memory_space<vmem>>, %arg4: memref<128x128xf32, #tpu.memory_space<vmem>>, %arg5: memref<1x128xf32, #tpu.memory_space<vmem>>, %arg6: memref<128x128xf32, #tpu.memory_space<vmem>>, %arg7: memref<1x128xf32, #tpu.memory_space<vmem>>, %arg8: memref<2000x128xf32, #tpu.memory_space<vmem>>, %arg9: memref<2000x128xf32, #tpu.memory_space<vmem>>, %arg10: memref<2000x128xf32, #tpu.memory_space<vmem>>) attributes {dimension_semantics = [#tpu.dimension_semantics<arbitrary>], iteration_bounds = array<i64: 5>, scalar_prefetch = 0 : i64, scratch_operands = 0 : i64, tpu.core_type = #tpu.core_type<tc>, window_params = [{transform_indices = @transform_0, window_bounds = array<i64: 2000, 128>}, {transform_indices = @transform_1, window_bounds = array<i64: 2000, 128>}, {pipeline_mode = #tpu.pipeline_mode<synchronous>, transform_indices = @transform_2, window_bounds = array<i64: 128, 128>}, {pipeline_mode = #tpu.pipeline_mode<synchronous>, transform_indices = @transform_3, window_bounds = array<i64: 128, 128>}, {pipeline_mode = #tpu.pipeline_mode<synchronous>, transform_indices = @transform_4, window_bounds = array<i64: 1, 128>}, {pipeline_mode = #tpu.pipeline_mode<synchronous>, transform_indices = @transform_5, window_bounds = array<i64: 128, 128>}, {pipeline_mode = #tpu.pipeline_mode<synchronous>, transform_indices = @transform_6, window_bounds = array<i64: 1, 128>}, {transform_indices = @transform_7, window_bounds = array<i64: 2000, 128>}, {transform_indices = @transform_8, window_bounds = array<i64: 2000, 128>}, {transform_indices = @transform_9, window_bounds = array<i64: 2000, 128>}]} {
    %get3A = arith.constant 0 : index
    %get3A_0 = arith.constant 0 : index
    %get3A_1 = vector.load %arg1[%get3A, %get3A_0] : memref<2000x128xf32, #tpu.memory_space<vmem>>, vector<2000x128xf32>
    %get3A_2 = arith.constant 0 : index
    %get3A_3 = arith.constant 0 : index
    %get3A_4 = vector.load %arg3[%get3A_2, %get3A_3] : memref<128x128xf32, #tpu.memory_space<vmem>>, vector<128x128xf32>
    %dot_general3A = arith.constant dense<0.000000e+00> : vector<2000x128xf32>
    %dot_general3A_5 = tpu.matmul %get3A_1, %get3A_4, %dot_general3A {dimension_numbers = #tpu.dot_dimension_numbers<[1], [0], [0], [1], [0, 0, 1, 1], [], []>, transpose_lhs_hint = false} : vector<2000x128xf32>, vector<128x128xf32>, vector<2000x128xf32> -> vector<2000x128xf32>
    %swap3A = arith.constant 0 : index
    %swap3A_6 = arith.constant 0 : index
    %swap3A_7 = vector.load %arg8[%swap3A, %swap3A_6] : memref<2000x128xf32, #tpu.memory_space<vmem>>, vector<2000x128xf32>
    tpu.vector_store %arg8[%swap3A, %swap3A_6], %dot_general3A_5 {strides = array<i32>} : memref<2000x128xf32, #tpu.memory_space<vmem>>, vector<2000x128xf32>,
    %get3A_8 = arith.constant 0 : index
    %get3A_9 = arith.constant 0 : index
    %get3A_10 = vector.load %arg2[%get3A_8, %get3A_9] : memref<2000x128xf32, #tpu.memory_space<vmem>>, vector<2000x128xf32>
    %get3A_11 = arith.constant 0 : index
    %get3A_12 = arith.constant 0 : index
    %get3A_13 = vector.load %arg4[%get3A_11, %get3A_12] : memref<128x128xf32, #tpu.memory_space<vmem>>, vector<128x128xf32>
    %dot_general3A_14 = arith.constant dense<0.000000e+00> : vector<2000x128xf32>
    %dot_general3A_15 = tpu.matmul %get3A_10, %get3A_13, %dot_general3A_14 {dimension_numbers = #tpu.dot_dimension_numbers<[1], [0], [0], [1], [0, 0, 1, 1], [], []>, transpose_lhs_hint = false} : vector<2000x128xf32>, vector<128x128xf32>, vector<2000x128xf32> -> vector<2000x128xf32>
    %get3A_16 = arith.constant 0 : index
    %get3A_17 = arith.constant 0 : index
    %get3A_18 = vector.load %arg5[%get3A_16, %get3A_17] : memref<1x128xf32, #tpu.memory_space<vmem>>, vector<1x128xf32>
    %add3A = vector.broadcast %get3A_18 : vector<1x128xf32> to vector<2000x128xf32>
    %add3A_19 = arith.addf %dot_general3A_15, %add3A : vector<2000x128xf32>
    %swap3A_20 = arith.constant 0 : index
    %swap3A_21 = arith.constant 0 : index
    %swap3A_22 = vector.load %arg9[%swap3A_20, %swap3A_21] : memref<2000x128xf32, #tpu.memory_space<vmem>>, vector<2000x128xf32>
    tpu.vector_store %arg9[%swap3A_20, %swap3A_21], %add3A_19 {strides = array<i32>} : memref<2000x128xf32, #tpu.memory_space<vmem>>, vector<2000x128xf32>,
    %get3A_23 = arith.constant 0 : index
    %get3A_24 = arith.constant 0 : index
    %get3A_25 = vector.load %arg2[%get3A_23, %get3A_24] : memref<2000x128xf32, #tpu.memory_space<vmem>>, vector<2000x128xf32>
    %get3A_26 = arith.constant 0 : index
    %get3A_27 = arith.constant 0 : index
    %get3A_28 = vector.load %arg6[%get3A_26, %get3A_27] : memref<128x128xf32, #tpu.memory_space<vmem>>, vector<128x128xf32>
    %dot_general3A_29 = arith.constant dense<0.000000e+00> : vector<2000x128xf32>
    %dot_general3A_30 = tpu.matmul %get3A_25, %get3A_28, %dot_general3A_29 {dimension_numbers = #tpu.dot_dimension_numbers<[1], [0], [0], [1], [0, 0, 1, 1], [], []>, transpose_lhs_hint = false} : vector<2000x128xf32>, vector<128x128xf32>, vector<2000x128xf32> -> vector<2000x128xf32>
    %get3A_31 = arith.constant 0 : index
    %get3A_32 = arith.constant 0 : index
    %get3A_33 = vector.load %arg7[%get3A_31, %get3A_32] : memref<1x128xf32, #tpu.memory_space<vmem>>, vector<1x128xf32>
    %add3A_34 = vector.broadcast %get3A_33 : vector<1x128xf32> to vector<2000x128xf32>
    %add3A_35 = arith.addf %dot_general3A_30, %add3A_34 : vector<2000x128xf32>
    %swap3A_36 = arith.constant 0 : index
    %swap3A_37 = arith.constant 0 : index
    %swap3A_38 = vector.load %arg10[%swap3A_36, %swap3A_37] : memref<2000x128xf32, #tpu.memory_space<vmem>>, vector<2000x128xf32>
    tpu.vector_store %arg10[%swap3A_36, %swap3A_37], %add3A_35 {strides = array<i32>} : memref<2000x128xf32, #tpu.memory_space<vmem>>, vector<2000x128xf32>,
    return
  }
  func.func @transform_0(%arg0: i32) -> (i32, i32) {
    %c0_i32 = arith.constant 0 : i32
    %c0_i32_0 = arith.constant 0 : i32
    return %arg0, %c0_i32 : i32, i32
  }
  func.func @transform_1(%arg0: i32) -> (i32, i32) {
    %c0_i32 = arith.constant 0 : i32
    %c0_i32_0 = arith.constant 0 : i32
    return %arg0, %c0_i32 : i32, i32
  }
  func.func @transform_2(%arg0: i32) -> (i32, i32) {
    %c0_i32 = arith.constant 0 : i32
    %c0_i32_0 = arith.constant 0 : i32
    %c0_i32_1 = arith.constant 0 : i32
    return %c0_i32, %c0_i32_0 : i32, i32
  }
  func.func @transform_3(%arg0: i32) -> (i32, i32) {
    %c0_i32 = arith.constant 0 : i32
    %c0_i32_0 = arith.constant 0 : i32
    %c0_i32_1 = arith.constant 0 : i32
    return %c0_i32, %c0_i32_0 : i32, i32
  }
  func.func @transform_4(%arg0: i32) -> (i32, i32) {
    %c0_i32 = arith.constant 0 : i32
    %c0_i32_0 = arith.constant 0 : i32
    %c0_i32_1 = arith.constant 0 : i32
    return %c0_i32, %c0_i32_0 : i32, i32
  }
  func.func @transform_5(%arg0: i32) -> (i32, i32) {
    %c0_i32 = arith.constant 0 : i32
    %c0_i32_0 = arith.constant 0 : i32
    %c0_i32_1 = arith.constant 0 : i32
    return %c0_i32, %c0_i32_0 : i32, i32
  }
  func.func @transform_6(%arg0: i32) -> (i32, i32) {
    %c0_i32 = arith.constant 0 : i32
    %c0_i32_0 = arith.constant 0 : i32
    %c0_i32_1 = arith.constant 0 : i32
    return %c0_i32, %c0_i32_0 : i32, i32
  }
  func.func @transform_7(%arg0: i32) -> (i32, i32) {
    %c0_i32 = arith.constant 0 : i32
    %c0_i32_0 = arith.constant 0 : i32
    return %arg0, %c0_i32 : i32, i32
  }
  func.func @transform_8(%arg0: i32) -> (i32, i32) {
    %c0_i32 = arith.constant 0 : i32
    %c0_i32_0 = arith.constant 0 : i32
    return %arg0, %c0_i32 : i32, i32
  }
  func.func @transform_9(%arg0: i32) -> (i32, i32) {
    %c0_i32 = arith.constant 0 : i32
    %c0_i32_0 = arith.constant 0 : i32
    return %arg0, %c0_i32 : i32, i32
  }
}

module attributes {stable_mosaic.version = 14 : i64} {
  func.func @_edge_body(%arg0: i32, %arg1: memref<8192x128xf32, #tpu.memory_space<vmem>>, %arg2: memref<8192x128xf32, #tpu.memory_space<vmem>>, %arg3: memref<128x128xf32, #tpu.memory_space<vmem>>, %arg4: memref<1x128xf32, #tpu.memory_space<vmem>>, %arg5: memref<1x128xf32, #tpu.memory_space<vmem>>, %arg6: memref<1x128xf32, #tpu.memory_space<vmem>>, %arg7: memref<128x128xf32, #tpu.memory_space<vmem>>, %arg8: memref<1x128xf32, #tpu.memory_space<vmem>>, %arg9: memref<8192x128xf32, #tpu.memory_space<vmem>>) attributes {dimension_semantics = [#tpu.dimension_semantics<arbitrary>], iteration_bounds = array<i64: 40>, scalar_prefetch = 0 : i64, scratch_operands = 0 : i64, tpu.core_type = #tpu.core_type<tc>, window_params = [{transform_indices = @transform_0, window_bounds = array<i64: 8192, 128>}, {transform_indices = @transform_1, window_bounds = array<i64: 8192, 128>}, {pipeline_mode = #tpu.pipeline_mode<synchronous>, transform_indices = @transform_2, window_bounds = array<i64: 128, 128>}, {pipeline_mode = #tpu.pipeline_mode<synchronous>, transform_indices = @transform_3, window_bounds = array<i64: 1, 128>}, {pipeline_mode = #tpu.pipeline_mode<synchronous>, transform_indices = @transform_4, window_bounds = array<i64: 1, 128>}, {pipeline_mode = #tpu.pipeline_mode<synchronous>, transform_indices = @transform_5, window_bounds = array<i64: 1, 128>}, {pipeline_mode = #tpu.pipeline_mode<synchronous>, transform_indices = @transform_6, window_bounds = array<i64: 128, 128>}, {pipeline_mode = #tpu.pipeline_mode<synchronous>, transform_indices = @transform_7, window_bounds = array<i64: 1, 128>}, {transform_indices = @transform_8, window_bounds = array<i64: 8192, 128>}]} {
    %get3A = arith.constant 0 : index
    %get3A_0 = arith.constant 0 : index
    %get3A_1 = vector.load %arg1[%get3A, %get3A_0] : memref<8192x128xf32, #tpu.memory_space<vmem>>, vector<8192x128xf32>
    %get3A_2 = arith.constant 0 : index
    %get3A_3 = arith.constant 0 : index
    %get3A_4 = vector.load %arg2[%get3A_2, %get3A_3] : memref<8192x128xf32, #tpu.memory_space<vmem>>, vector<8192x128xf32>
    %add3A = arith.addf %get3A_1, %get3A_4 : vector<8192x128xf32>
    %max3A = arith.constant 0.000000e+00 : f32
    %max3A_5 = vector.broadcast %max3A : f32 to vector<8192x128xf32>
    %max3A_6 = arith.maximumf %add3A, %max3A_5 : vector<8192x128xf32>
    %get3A_7 = arith.constant 0 : index
    %get3A_8 = arith.constant 0 : index
    %get3A_9 = vector.load %arg3[%get3A_7, %get3A_8] : memref<128x128xf32, #tpu.memory_space<vmem>>, vector<128x128xf32>
    %dot_general3A = arith.constant dense<0.000000e+00> : vector<8192x128xf32>
    %dot_general3A_10 = tpu.matmul %max3A_6, %get3A_9, %dot_general3A {dimension_numbers = #tpu.dot_dimension_numbers<[1], [0], [0], [1], [0, 0, 1, 1], [], []>, transpose_lhs_hint = false} : vector<8192x128xf32>, vector<128x128xf32>, vector<8192x128xf32> -> vector<8192x128xf32>
    %get3A_11 = arith.constant 0 : index
    %get3A_12 = arith.constant 0 : index
    %get3A_13 = vector.load %arg4[%get3A_11, %get3A_12] : memref<1x128xf32, #tpu.memory_space<vmem>>, vector<1x128xf32>
    %add3A_14 = vector.broadcast %get3A_13 : vector<1x128xf32> to vector<8192x128xf32>
    %add3A_15 = arith.addf %dot_general3A_10, %add3A_14 : vector<8192x128xf32>
    %reduce_sum3A = arith.constant dense<0.000000e+00> : vector<8192xf32>
    %reduce_sum3A_16 = vector.multi_reduction <add>, %add3A_15, %reduce_sum3A [1] : vector<8192x128xf32> to vector<8192xf32>
    %broadcast_in_dim3A = vector.shape_cast %reduce_sum3A_16 : vector<8192xf32> to vector<8192x1xf32>
    %div3A = arith.constant 1.280000e+02 : f32
    %div3A_17 = vector.broadcast %div3A : f32 to vector<8192x1xf32>
    %div3A_18 = arith.divf %broadcast_in_dim3A, %div3A_17 : vector<8192x1xf32>
    %sub3A = vector.broadcast %div3A_18 : vector<8192x1xf32> to vector<8192x128xf32>
    %sub3A_19 = arith.subf %add3A_15, %sub3A : vector<8192x128xf32>
    %mul3A = arith.mulf %sub3A_19, %sub3A_19 : vector<8192x128xf32>
    %reduce_sum3A_20 = arith.constant dense<0.000000e+00> : vector<8192xf32>
    %reduce_sum3A_21 = vector.multi_reduction <add>, %mul3A, %reduce_sum3A_20 [1] : vector<8192x128xf32> to vector<8192xf32>
    %broadcast_in_dim3A_22 = vector.shape_cast %reduce_sum3A_21 : vector<8192xf32> to vector<8192x1xf32>
    %div3A_23 = arith.constant 1.280000e+02 : f32
    %div3A_24 = vector.broadcast %div3A_23 : f32 to vector<8192x1xf32>
    %div3A_25 = arith.divf %broadcast_in_dim3A_22, %div3A_24 : vector<8192x1xf32>
    %add3A_26 = arith.constant 9.99999974E-6 : f32
    %add3A_27 = vector.broadcast %add3A_26 : f32 to vector<8192x1xf32>
    %add3A_28 = arith.addf %div3A_25, %add3A_27 : vector<8192x1xf32>
    %rsqrt3A = math.rsqrt %add3A_28 : vector<8192x1xf32>
    %mul3A_29 = vector.broadcast %rsqrt3A : vector<8192x1xf32> to vector<8192x128xf32>
    %mul3A_30 = arith.mulf %sub3A_19, %mul3A_29 : vector<8192x128xf32>
    %get3A_31 = arith.constant 0 : index
    %get3A_32 = arith.constant 0 : index
    %get3A_33 = vector.load %arg5[%get3A_31, %get3A_32] : memref<1x128xf32, #tpu.memory_space<vmem>>, vector<1x128xf32>
    %mul3A_34 = vector.broadcast %get3A_33 : vector<1x128xf32> to vector<8192x128xf32>
    %mul3A_35 = arith.mulf %mul3A_30, %mul3A_34 : vector<8192x128xf32>
    %get3A_36 = arith.constant 0 : index
    %get3A_37 = arith.constant 0 : index
    %get3A_38 = vector.load %arg6[%get3A_36, %get3A_37] : memref<1x128xf32, #tpu.memory_space<vmem>>, vector<1x128xf32>
    %add3A_39 = vector.broadcast %get3A_38 : vector<1x128xf32> to vector<8192x128xf32>
    %add3A_40 = arith.addf %mul3A_35, %add3A_39 : vector<8192x128xf32>
    %max3A_41 = arith.constant 0.000000e+00 : f32
    %max3A_42 = vector.broadcast %max3A_41 : f32 to vector<8192x128xf32>
    %max3A_43 = arith.maximumf %add3A_40, %max3A_42 : vector<8192x128xf32>
    %get3A_44 = arith.constant 0 : index
    %get3A_45 = arith.constant 0 : index
    %get3A_46 = vector.load %arg7[%get3A_44, %get3A_45] : memref<128x128xf32, #tpu.memory_space<vmem>>, vector<128x128xf32>
    %dot_general3A_47 = arith.constant dense<0.000000e+00> : vector<8192x128xf32>
    %dot_general3A_48 = tpu.matmul %max3A_43, %get3A_46, %dot_general3A_47 {dimension_numbers = #tpu.dot_dimension_numbers<[1], [0], [0], [1], [0, 0, 1, 1], [], []>, transpose_lhs_hint = false} : vector<8192x128xf32>, vector<128x128xf32>, vector<8192x128xf32> -> vector<8192x128xf32>
    %get3A_49 = arith.constant 0 : index
    %get3A_50 = arith.constant 0 : index
    %get3A_51 = vector.load %arg8[%get3A_49, %get3A_50] : memref<1x128xf32, #tpu.memory_space<vmem>>, vector<1x128xf32>
    %add3A_52 = vector.broadcast %get3A_51 : vector<1x128xf32> to vector<8192x128xf32>
    %add3A_53 = arith.addf %dot_general3A_48, %add3A_52 : vector<8192x128xf32>
    %swap3A = arith.constant 0 : index
    %swap3A_54 = arith.constant 0 : index
    %swap3A_55 = vector.load %arg9[%swap3A, %swap3A_54] : memref<8192x128xf32, #tpu.memory_space<vmem>>, vector<8192x128xf32>
    tpu.vector_store %arg9[%swap3A, %swap3A_54], %add3A_53 {strides = array<i32>} : memref<8192x128xf32, #tpu.memory_space<vmem>>, vector<8192x128xf32>,
    return
  }
  func.func @transform_0(%arg0: i32) -> (i32, i32) {
    %c0_i32 = arith.constant 0 : i32
    %c0_i32_0 = arith.constant 0 : i32
    return %arg0, %c0_i32 : i32, i32
  }
  func.func @transform_1(%arg0: i32) -> (i32, i32) {
    %c0_i32 = arith.constant 0 : i32
    %c0_i32_0 = arith.constant 0 : i32
    return %arg0, %c0_i32 : i32, i32
  }
  func.func @transform_2(%arg0: i32) -> (i32, i32) {
    %c0_i32 = arith.constant 0 : i32
    %c0_i32_0 = arith.constant 0 : i32
    %c0_i32_1 = arith.constant 0 : i32
    return %c0_i32, %c0_i32_0 : i32, i32
  }
  func.func @transform_3(%arg0: i32) -> (i32, i32) {
    %c0_i32 = arith.constant 0 : i32
    %c0_i32_0 = arith.constant 0 : i32
    %c0_i32_1 = arith.constant 0 : i32
    return %c0_i32, %c0_i32_0 : i32, i32
  }
  func.func @transform_4(%arg0: i32) -> (i32, i32) {
    %c0_i32 = arith.constant 0 : i32
    %c0_i32_0 = arith.constant 0 : i32
    %c0_i32_1 = arith.constant 0 : i32
    return %c0_i32, %c0_i32_0 : i32, i32
  }
  func.func @transform_5(%arg0: i32) -> (i32, i32) {
    %c0_i32 = arith.constant 0 : i32
    %c0_i32_0 = arith.constant 0 : i32
    %c0_i32_1 = arith.constant 0 : i32
    return %c0_i32, %c0_i32_0 : i32, i32
  }
  func.func @transform_6(%arg0: i32) -> (i32, i32) {
    %c0_i32 = arith.constant 0 : i32
    %c0_i32_0 = arith.constant 0 : i32
    %c0_i32_1 = arith.constant 0 : i32
    return %c0_i32, %c0_i32_0 : i32, i32
  }
  func.func @transform_7(%arg0: i32) -> (i32, i32) {
    %c0_i32 = arith.constant 0 : i32
    %c0_i32_0 = arith.constant 0 : i32
    %c0_i32_1 = arith.constant 0 : i32
    return %c0_i32, %c0_i32_0 : i32, i32
  }
  func.func @transform_8(%arg0: i32) -> (i32, i32) {
    %c0_i32 = arith.constant 0 : i32
    %c0_i32_0 = arith.constant 0 : i32
    return %arg0, %c0_i32 : i32, i32
  }
}

module attributes {stable_mosaic.version = 14 : i64} {
  func.func @_node_body(%arg0: i32, %arg1: memref<2000x128xf32, #tpu.memory_space<vmem>>, %arg2: memref<2000x128xf32, #tpu.memory_space<vmem>>, %arg3: memref<128x128xf32, #tpu.memory_space<vmem>>, %arg4: memref<128x128xf32, #tpu.memory_space<vmem>>, %arg5: memref<1x128xf32, #tpu.memory_space<vmem>>, %arg6: memref<128x128xf32, #tpu.memory_space<vmem>>, %arg7: memref<1x128xf32, #tpu.memory_space<vmem>>, %arg8: memref<1x128xf32, #tpu.memory_space<vmem>>, %arg9: memref<1x128xf32, #tpu.memory_space<vmem>>, %arg10: memref<128x128xf32, #tpu.memory_space<vmem>>, %arg11: memref<1x128xf32, #tpu.memory_space<vmem>>, %arg12: memref<128x128xf32, #tpu.memory_space<vmem>>, %arg13: memref<2000x128xf32, #tpu.memory_space<vmem>>) attributes {dimension_semantics = [#tpu.dimension_semantics<arbitrary>], iteration_bounds = array<i64: 5>, scalar_prefetch = 0 : i64, scratch_operands = 0 : i64, tpu.core_type = #tpu.core_type<tc>, window_params = [{transform_indices = @transform_0, window_bounds = array<i64: 2000, 128>}, {transform_indices = @transform_1, window_bounds = array<i64: 2000, 128>}, {pipeline_mode = #tpu.pipeline_mode<synchronous>, transform_indices = @transform_2, window_bounds = array<i64: 128, 128>}, {pipeline_mode = #tpu.pipeline_mode<synchronous>, transform_indices = @transform_3, window_bounds = array<i64: 128, 128>}, {pipeline_mode = #tpu.pipeline_mode<synchronous>, transform_indices = @transform_4, window_bounds = array<i64: 1, 128>}, {pipeline_mode = #tpu.pipeline_mode<synchronous>, transform_indices = @transform_5, window_bounds = array<i64: 128, 128>}, {pipeline_mode = #tpu.pipeline_mode<synchronous>, transform_indices = @transform_6, window_bounds = array<i64: 1, 128>}, {pipeline_mode = #tpu.pipeline_mode<synchronous>, transform_indices = @transform_7, window_bounds = array<i64: 1, 128>}, {pipeline_mode = #tpu.pipeline_mode<synchronous>, transform_indices = @transform_8, window_bounds = array<i64: 1, 128>}, {pipeline_mode = #tpu.pipeline_mode<synchronous>, transform_indices = @transform_9, window_bounds = array<i64: 128, 128>}, {pipeline_mode = #tpu.pipeline_mode<synchronous>, transform_indices = @transform_10, window_bounds = array<i64: 1, 128>}, {pipeline_mode = #tpu.pipeline_mode<synchronous>, transform_indices = @transform_11, window_bounds = array<i64: 128, 128>}, {transform_indices = @transform_12, window_bounds = array<i64: 2000, 128>}]} {
    %get3A = arith.constant 0 : index
    %get3A_0 = arith.constant 0 : index
    %get3A_1 = vector.load %arg1[%get3A, %get3A_0] : memref<2000x128xf32, #tpu.memory_space<vmem>>, vector<2000x128xf32>
    %get3A_2 = arith.constant 0 : index
    %get3A_3 = arith.constant 0 : index
    %get3A_4 = vector.load %arg2[%get3A_2, %get3A_3] : memref<2000x128xf32, #tpu.memory_space<vmem>>, vector<2000x128xf32>
    %get3A_5 = arith.constant 0 : index
    %get3A_6 = arith.constant 0 : index
    %get3A_7 = vector.load %arg3[%get3A_5, %get3A_6] : memref<128x128xf32, #tpu.memory_space<vmem>>, vector<128x128xf32>
    %dot_general3A = arith.constant dense<0.000000e+00> : vector<2000x128xf32>
    %dot_general3A_8 = tpu.matmul %get3A_4, %get3A_7, %dot_general3A {dimension_numbers = #tpu.dot_dimension_numbers<[1], [0], [0], [1], [0, 0, 1, 1], [], []>, transpose_lhs_hint = false} : vector<2000x128xf32>, vector<128x128xf32>, vector<2000x128xf32> -> vector<2000x128xf32>
    %get3A_9 = arith.constant 0 : index
    %get3A_10 = arith.constant 0 : index
    %get3A_11 = vector.load %arg4[%get3A_9, %get3A_10] : memref<128x128xf32, #tpu.memory_space<vmem>>, vector<128x128xf32>
    %dot_general3A_12 = arith.constant dense<0.000000e+00> : vector<2000x128xf32>
    %dot_general3A_13 = tpu.matmul %get3A_1, %get3A_11, %dot_general3A_12 {dimension_numbers = #tpu.dot_dimension_numbers<[1], [0], [0], [1], [0, 0, 1, 1], [], []>, transpose_lhs_hint = false} : vector<2000x128xf32>, vector<128x128xf32>, vector<2000x128xf32> -> vector<2000x128xf32>
    %add3A = arith.addf %dot_general3A_8, %dot_general3A_13 : vector<2000x128xf32>
    %get3A_14 = arith.constant 0 : index
    %get3A_15 = arith.constant 0 : index
    %get3A_16 = vector.load %arg5[%get3A_14, %get3A_15] : memref<1x128xf32, #tpu.memory_space<vmem>>, vector<1x128xf32>
    %add3A_17 = vector.broadcast %get3A_16 : vector<1x128xf32> to vector<2000x128xf32>
    %add3A_18 = arith.addf %add3A, %add3A_17 : vector<2000x128xf32>
    %max3A = arith.constant 0.000000e+00 : f32
    %max3A_19 = vector.broadcast %max3A : f32 to vector<2000x128xf32>
    %max3A_20 = arith.maximumf %add3A_18, %max3A_19 : vector<2000x128xf32>
    %get3A_21 = arith.constant 0 : index
    %get3A_22 = arith.constant 0 : index
    %get3A_23 = vector.load %arg6[%get3A_21, %get3A_22] : memref<128x128xf32, #tpu.memory_space<vmem>>, vector<128x128xf32>
    %dot_general3A_24 = arith.constant dense<0.000000e+00> : vector<2000x128xf32>
    %dot_general3A_25 = tpu.matmul %max3A_20, %get3A_23, %dot_general3A_24 {dimension_numbers = #tpu.dot_dimension_numbers<[1], [0], [0], [1], [0, 0, 1, 1], [], []>, transpose_lhs_hint = false} : vector<2000x128xf32>, vector<128x128xf32>, vector<2000x128xf32> -> vector<2000x128xf32>
    %get3A_26 = arith.constant 0 : index
    %get3A_27 = arith.constant 0 : index
    %get3A_28 = vector.load %arg7[%get3A_26, %get3A_27] : memref<1x128xf32, #tpu.memory_space<vmem>>, vector<1x128xf32>
    %add3A_29 = vector.broadcast %get3A_28 : vector<1x128xf32> to vector<2000x128xf32>
    %add3A_30 = arith.addf %dot_general3A_25, %add3A_29 : vector<2000x128xf32>
    %reduce_sum3A = arith.constant dense<0.000000e+00> : vector<2000xf32>
    %reduce_sum3A_31 = vector.multi_reduction <add>, %add3A_30, %reduce_sum3A [1] : vector<2000x128xf32> to vector<2000xf32>
    %broadcast_in_dim3A = vector.shape_cast %reduce_sum3A_31 : vector<2000xf32> to vector<2000x1xf32>
    %div3A = arith.constant 1.280000e+02 : f32
    %div3A_32 = vector.broadcast %div3A : f32 to vector<2000x1xf32>
    %div3A_33 = arith.divf %broadcast_in_dim3A, %div3A_32 : vector<2000x1xf32>
    %sub3A = vector.broadcast %div3A_33 : vector<2000x1xf32> to vector<2000x128xf32>
    %sub3A_34 = arith.subf %add3A_30, %sub3A : vector<2000x128xf32>
    %mul3A = arith.mulf %sub3A_34, %sub3A_34 : vector<2000x128xf32>
    %reduce_sum3A_35 = arith.constant dense<0.000000e+00> : vector<2000xf32>
    %reduce_sum3A_36 = vector.multi_reduction <add>, %mul3A, %reduce_sum3A_35 [1] : vector<2000x128xf32> to vector<2000xf32>
    %broadcast_in_dim3A_37 = vector.shape_cast %reduce_sum3A_36 : vector<2000xf32> to vector<2000x1xf32>
    %div3A_38 = arith.constant 1.280000e+02 : f32
    %div3A_39 = vector.broadcast %div3A_38 : f32 to vector<2000x1xf32>
    %div3A_40 = arith.divf %broadcast_in_dim3A_37, %div3A_39 : vector<2000x1xf32>
    %add3A_41 = arith.constant 9.99999974E-6 : f32
    %add3A_42 = vector.broadcast %add3A_41 : f32 to vector<2000x1xf32>
    %add3A_43 = arith.addf %div3A_40, %add3A_42 : vector<2000x1xf32>
    %rsqrt3A = math.rsqrt %add3A_43 : vector<2000x1xf32>
    %mul3A_44 = vector.broadcast %rsqrt3A : vector<2000x1xf32> to vector<2000x128xf32>
    %mul3A_45 = arith.mulf %sub3A_34, %mul3A_44 : vector<2000x128xf32>
    %get3A_46 = arith.constant 0 : index
    %get3A_47 = arith.constant 0 : index
    %get3A_48 = vector.load %arg8[%get3A_46, %get3A_47] : memref<1x128xf32, #tpu.memory_space<vmem>>, vector<1x128xf32>
    %mul3A_49 = vector.broadcast %get3A_48 : vector<1x128xf32> to vector<2000x128xf32>
    %mul3A_50 = arith.mulf %mul3A_45, %mul3A_49 : vector<2000x128xf32>
    %get3A_51 = arith.constant 0 : index
    %get3A_52 = arith.constant 0 : index
    %get3A_53 = vector.load %arg9[%get3A_51, %get3A_52] : memref<1x128xf32, #tpu.memory_space<vmem>>, vector<1x128xf32>
    %add3A_54 = vector.broadcast %get3A_53 : vector<1x128xf32> to vector<2000x128xf32>
    %add3A_55 = arith.addf %mul3A_50, %add3A_54 : vector<2000x128xf32>
    %max3A_56 = arith.constant 0.000000e+00 : f32
    %max3A_57 = vector.broadcast %max3A_56 : f32 to vector<2000x128xf32>
    %max3A_58 = arith.maximumf %add3A_55, %max3A_57 : vector<2000x128xf32>
    %get3A_59 = arith.constant 0 : index
    %get3A_60 = arith.constant 0 : index
    %get3A_61 = vector.load %arg10[%get3A_59, %get3A_60] : memref<128x128xf32, #tpu.memory_space<vmem>>, vector<128x128xf32>
    %dot_general3A_62 = arith.constant dense<0.000000e+00> : vector<2000x128xf32>
    %dot_general3A_63 = tpu.matmul %max3A_58, %get3A_61, %dot_general3A_62 {dimension_numbers = #tpu.dot_dimension_numbers<[1], [0], [0], [1], [0, 0, 1, 1], [], []>, transpose_lhs_hint = false} : vector<2000x128xf32>, vector<128x128xf32>, vector<2000x128xf32> -> vector<2000x128xf32>
    %get3A_64 = arith.constant 0 : index
    %get3A_65 = arith.constant 0 : index
    %get3A_66 = vector.load %arg11[%get3A_64, %get3A_65] : memref<1x128xf32, #tpu.memory_space<vmem>>, vector<1x128xf32>
    %add3A_67 = vector.broadcast %get3A_66 : vector<1x128xf32> to vector<2000x128xf32>
    %add3A_68 = arith.addf %dot_general3A_63, %add3A_67 : vector<2000x128xf32>
    %add3A_69 = arith.addf %add3A_68, %get3A_4 : vector<2000x128xf32>
    %get3A_70 = arith.constant 0 : index
    %get3A_71 = arith.constant 0 : index
    %get3A_72 = vector.load %arg12[%get3A_70, %get3A_71] : memref<128x128xf32, #tpu.memory_space<vmem>>, vector<128x128xf32>
    %dot_general3A_73 = arith.constant dense<0.000000e+00> : vector<2000x128xf32>
    %dot_general3A_74 = tpu.matmul %add3A_69, %get3A_72, %dot_general3A_73 {dimension_numbers = #tpu.dot_dimension_numbers<[1], [0], [0], [1], [0, 0, 1, 1], [], []>, transpose_lhs_hint = false} : vector<2000x128xf32>, vector<128x128xf32>, vector<2000x128xf32> -> vector<2000x128xf32>
    %swap3A = arith.constant 0 : index
    %swap3A_75 = arith.constant 0 : index
    %swap3A_76 = vector.load %arg13[%swap3A, %swap3A_75] : memref<2000x128xf32, #tpu.memory_space<vmem>>, vector<2000x128xf32>
    tpu.vector_store %arg13[%swap3A, %swap3A_75], %dot_general3A_74 {strides = array<i32>} : memref<2000x128xf32, #tpu.memory_space<vmem>>, vector<2000x128xf32>,
    return
  }
  func.func @transform_0(%arg0: i32) -> (i32, i32) {
    %c0_i32 = arith.constant 0 : i32
    %c0_i32_0 = arith.constant 0 : i32
    return %arg0, %c0_i32 : i32, i32
  }
  func.func @transform_1(%arg0: i32) -> (i32, i32) {
    %c0_i32 = arith.constant 0 : i32
    %c0_i32_0 = arith.constant 0 : i32
    return %arg0, %c0_i32 : i32, i32
  }
  func.func @transform_2(%arg0: i32) -> (i32, i32) {
    %c0_i32 = arith.constant 0 : i32
    %c0_i32_0 = arith.constant 0 : i32
    %c0_i32_1 = arith.constant 0 : i32
    return %c0_i32, %c0_i32_0 : i32, i32
  }
  func.func @transform_3(%arg0: i32) -> (i32, i32) {
    %c0_i32 = arith.constant 0 : i32
    %c0_i32_0 = arith.constant 0 : i32
    %c0_i32_1 = arith.constant 0 : i32
    return %c0_i32, %c0_i32_0 : i32, i32
  }
  func.func @transform_4(%arg0: i32) -> (i32, i32) {
    %c0_i32 = arith.constant 0 : i32
    %c0_i32_0 = arith.constant 0 : i32
    %c0_i32_1 = arith.constant 0 : i32
    return %c0_i32, %c0_i32_0 : i32, i32
  }
  func.func @transform_5(%arg0: i32) -> (i32, i32) {
    %c0_i32 = arith.constant 0 : i32
    %c0_i32_0 = arith.constant 0 : i32
    %c0_i32_1 = arith.constant 0 : i32
    return %c0_i32, %c0_i32_0 : i32, i32
  }
  func.func @transform_6(%arg0: i32) -> (i32, i32) {
    %c0_i32 = arith.constant 0 : i32
    %c0_i32_0 = arith.constant 0 : i32
    %c0_i32_1 = arith.constant 0 : i32
    return %c0_i32, %c0_i32_0 : i32, i32
  }
  func.func @transform_7(%arg0: i32) -> (i32, i32) {
    %c0_i32 = arith.constant 0 : i32
    %c0_i32_0 = arith.constant 0 : i32
    %c0_i32_1 = arith.constant 0 : i32
    return %c0_i32, %c0_i32_0 : i32, i32
  }
  func.func @transform_8(%arg0: i32) -> (i32, i32) {
    %c0_i32 = arith.constant 0 : i32
    %c0_i32_0 = arith.constant 0 : i32
    %c0_i32_1 = arith.constant 0 : i32
    return %c0_i32, %c0_i32_0 : i32, i32
  }
  func.func @transform_9(%arg0: i32) -> (i32, i32) {
    %c0_i32 = arith.constant 0 : i32
    %c0_i32_0 = arith.constant 0 : i32
    %c0_i32_1 = arith.constant 0 : i32
    return %c0_i32, %c0_i32_0 : i32, i32
  }
  func.func @transform_10(%arg0: i32) -> (i32, i32) {
    %c0_i32 = arith.constant 0 : i32
    %c0_i32_0 = arith.constant 0 : i32
    %c0_i32_1 = arith.constant 0 : i32
    return %c0_i32, %c0_i32_0 : i32, i32
  }
  func.func @transform_11(%arg0: i32) -> (i32, i32) {
    %c0_i32 = arith.constant 0 : i32
    %c0_i32_0 = arith.constant 0 : i32
    %c0_i32_1 = arith.constant 0 : i32
    return %c0_i32, %c0_i32_0 : i32, i32
  }
  func.func @transform_12(%arg0: i32) -> (i32, i32) {
    %c0_i32 = arith.constant 0 : i32
    %c0_i32_0 = arith.constant 0 : i32
    return %arg0, %c0_i32 : i32, i32
  }
}

module attributes {stable_mosaic.version = 14 : i64} {
  func.func @_pred_body(%arg0: i32, %arg1: memref<8192x128xf32, #tpu.memory_space<vmem>>, %arg2: memref<8192x128xf32, #tpu.memory_space<vmem>>, %arg3: memref<1x128xf32, #tpu.memory_space<vmem>>, %arg4: memref<1x1xf32, #tpu.memory_space<vmem>>, %arg5: memref<8192x1xf32, #tpu.memory_space<vmem>>) attributes {dimension_semantics = [#tpu.dimension_semantics<arbitrary>], iteration_bounds = array<i64: 40>, scalar_prefetch = 0 : i64, scratch_operands = 0 : i64, tpu.core_type = #tpu.core_type<tc>, window_params = [{transform_indices = @transform_0, window_bounds = array<i64: 8192, 128>}, {transform_indices = @transform_1, window_bounds = array<i64: 8192, 128>}, {pipeline_mode = #tpu.pipeline_mode<synchronous>, transform_indices = @transform_2, window_bounds = array<i64: 1, 128>}, {pipeline_mode = #tpu.pipeline_mode<synchronous>, transform_indices = @transform_3, window_bounds = array<i64: 1, 1>}, {transform_indices = @transform_4, window_bounds = array<i64: 8192, 1>}]} {
    %get3A = arith.constant 0 : index
    %get3A_0 = arith.constant 0 : index
    %get3A_1 = vector.load %arg1[%get3A, %get3A_0] : memref<8192x128xf32, #tpu.memory_space<vmem>>, vector<8192x128xf32>
    %get3A_2 = arith.constant 0 : index
    %get3A_3 = arith.constant 0 : index
    %get3A_4 = vector.load %arg2[%get3A_2, %get3A_3] : memref<8192x128xf32, #tpu.memory_space<vmem>>, vector<8192x128xf32>
    %add3A = arith.addf %get3A_1, %get3A_4 : vector<8192x128xf32>
    %max3A = arith.constant 0.000000e+00 : f32
    %max3A_5 = vector.broadcast %max3A : f32 to vector<8192x128xf32>
    %max3A_6 = arith.maximumf %add3A, %max3A_5 : vector<8192x128xf32>
    %get3A_7 = arith.constant 0 : index
    %get3A_8 = arith.constant 0 : index
    %get3A_9 = vector.load %arg3[%get3A_7, %get3A_8] : memref<1x128xf32, #tpu.memory_space<vmem>>, vector<1x128xf32>
    %mul3A = vector.broadcast %get3A_9 : vector<1x128xf32> to vector<8192x128xf32>
    %mul3A_10 = arith.mulf %max3A_6, %mul3A : vector<8192x128xf32>
    %reduce_sum3A = arith.constant dense<0.000000e+00> : vector<8192xf32>
    %reduce_sum3A_11 = vector.multi_reduction <add>, %mul3A_10, %reduce_sum3A [1] : vector<8192x128xf32> to vector<8192xf32>
    %broadcast_in_dim3A = vector.shape_cast %reduce_sum3A_11 : vector<8192xf32> to vector<8192x1xf32>
    %get3A_12 = arith.constant 0 : index
    %get3A_13 = arith.constant 0 : index
    %get3A_14 = vector.load %arg4[%get3A_12, %get3A_13] : memref<1x1xf32, #tpu.memory_space<vmem>>, vector<1x1xf32>
    %add3A_15 = vector.broadcast %get3A_14 : vector<1x1xf32> to vector<8192x1xf32>
    %add3A_16 = arith.addf %broadcast_in_dim3A, %add3A_15 : vector<8192x1xf32>
    %logistic3A = arith.negf %add3A_16 : vector<8192x1xf32>
    %logistic3A_17 = math.exp %logistic3A : vector<8192x1xf32>
    %logistic3A_18 = arith.constant 1.000000e+00 : f32
    %logistic3A_19 = vector.broadcast %logistic3A_18 : f32 to vector<8192x1xf32>
    %logistic3A_20 = arith.addf %logistic3A_19, %logistic3A_17 : vector<8192x1xf32>
    %logistic3A_21 = arith.divf %logistic3A_19, %logistic3A_20 : vector<8192x1xf32>
    %swap3A = arith.constant 0 : index
    %swap3A_22 = arith.constant 0 : index
    %swap3A_23 = vector.load %arg5[%swap3A, %swap3A_22] : memref<8192x1xf32, #tpu.memory_space<vmem>>, vector<8192x1xf32>
    tpu.vector_store %arg5[%swap3A, %swap3A_22], %logistic3A_21 {strides = array<i32>} : memref<8192x1xf32, #tpu.memory_space<vmem>>, vector<8192x1xf32>,
    return
  }
  func.func @transform_0(%arg0: i32) -> (i32, i32) {
    %c0_i32 = arith.constant 0 : i32
    %c0_i32_0 = arith.constant 0 : i32
    return %arg0, %c0_i32 : i32, i32
  }
  func.func @transform_1(%arg0: i32) -> (i32, i32) {
    %c0_i32 = arith.constant 0 : i32
    %c0_i32_0 = arith.constant 0 : i32
    return %arg0, %c0_i32 : i32, i32
  }
  func.func @transform_2(%arg0: i32) -> (i32, i32) {
    %c0_i32 = arith.constant 0 : i32
    %c0_i32_0 = arith.constant 0 : i32
    %c0_i32_1 = arith.constant 0 : i32
    return %c0_i32, %c0_i32_0 : i32, i32
  }
  func.func @transform_3(%arg0: i32) -> (i32, i32) {
    %c0_i32 = arith.constant 0 : i32
    %c0_i32_0 = arith.constant 0 : i32
    %c0_i32_1 = arith.constant 0 : i32
    return %c0_i32, %c0_i32_0 : i32, i32
  }
  func.func @transform_4(%arg0: i32) -> (i32, i32) {
    %c0_i32 = arith.constant 0 : i32
    %c0_i32_0 = arith.constant 0 : i32
    return %arg0, %c0_i32 : i32, i32
  }
}

</mosaic_0001>

<sc_bundles>
// kernel: kernel.11.cloned.1.call-start
scs
__scs_entry_jumppad:
0x0: {  	(pc) =	sbr.rel $0x88, $3  }
0x1: {  	(tag) =	ssettag $0x0;
	lr =	simm.s32 $0x1  }
0x2: {  	[smem:$0x3F8A] =	sst lr;
	_ =	strace $0xD0000000  }
0x3: {  	_ = 	snop  }
0x4: {  	_ = 	snop  }
0x5: {  	_ = 	snop  }
0x6: {  	_ = 	snop  }
0x7: {  	_ = 	snop  }
__scs_overlays_trampoline_lowered:
0x8: {  	[smem:$0x3F99] =	sst s0  }
0x9: {  	[smem:$0x3F9A] =	sst s1  }
0xa: {  	[smem:$0x3F9B] =	sst s2  }
0xb: {  	[smem:$0x3F9C] =	sst s3  }
0xc: {  	[smem:$0x3F9D] =	sst s4  }
0xd: {  	[smem:$0x3F9E] =	sst s5  }
0xe: {  	[smem:$0x3F9F] =	sst s6  }
0xf: {  	[smem:$0x3FA0] =	sst s7  }
0x10: {  	[smem:$0x3FA1] =	sst s8  }
0x11: {  	[smem:$0x3FA2] =	sst s9;
	s0 =	simm.s32 @!p0 $0x0  }
0x12: {  	s1 =	sld [smem:$0x3F88];
	s0 =	simm.s32 @p0 $0x1  }
0x13: {  	[smem:$0x3FA3] =	sst s0;
	s0 =	simm.s32 @!p1 $0x0  }
0x14: {  	s2 =	sld [smem:$0x3F87];
	s0 =	simm.s32 @p1 $0x1  }
0x15: {  	[smem:$0x3FA4] =	sst s0;
	s0 =	simm.s32 @!p2 $0x0  }
0x16: {  	s3 =	sld [smem:$0x3FDB];
	s0 =	simm.s32 @p2 $0x1  }
0x17: {  	s4 =	simm.s32 $0x1BF5;
	[smem:$0x3FA6] =	sst s0  }
0x18: {  	s0 =	sld [smem:$0x3F89];
	_ =	swait.ge [sflag:s4], $0x0  }
0x19: {  	s7 =	sld [smem:$0x3F8A]  }
0x1a: {  	s8 =	sadd.s32 $0xFFFFE003, lr  }
0x1b: {  	s9 =	sadd.s32 $0xFFFFFEF7, lr;
	s5 =	simm.s32 $0xFFFFFFFF;
	p2 =	slt.u32 s8, $0xFFFFF086  }
0x1c: {  	p1 =	slt.u32 s9, $0xF7A;
	s5 =	simm.s32 @!p2 $0x0  }
0x1d: {  	s5 =	simm.s32 @p1 $0x1;
	p0 =	seq.s32 s7, s2  }
0x1e: {  	s7 =	smul.u32 @!p0 $0xF7A, s2;
	p2 =	seq.s32 @!p0 s5, $0x0  }
0x1f: {  	s9 =	smul.u32 $0xF7A, s1;
	s8 =	simm.s32 @!p0 $0x1BF5;
	p2 =	por !p2, p0  }
0x20: {  	[sflag:s8] =	ssyncset.s32 @!p0 $0xFFFFF086;
	s6 =	sadd.s32 @!p0 s3, s7;
	s7 =	simm.s32 @!p0 $0x108  }
0x21: {  	s3 =	sadd.s32 s3, s9;
	s6 =	sadd.s32 @!p0 $0x88, s6;
	s7 =	simm.s32 @p2 $0x1082  }
0x22: {  	[simem:s7], [sflag:s8] =	dma.local @!p0 [hbm:s6], $0xF7A  }
0x23: {  	s9 =	sor.u32 $0xD0000000, s2;
	s6 =	simm.s32 $0x108;
	_ =	swait.ge @!p0 [sflag:s8], $0x0  }
0x24: {  	s3 =	sadd.s32 $0x88, s3;
	s6 =	simm.s32 @!p1 $0x1082;
	[sflag:s4] =	ssyncset.s32 $0xFFFFF086  }
0x25: {  	[simem:s6], [sflag:s4] =	dma.local [hbm:s3], $0xF7A  }
0x26: {  	[smem:$0x3F8A] =	sst s1;
	(tag) =	ssettag s2;
	_ =	strace s9  }
0x27: {  	s1 =	sld [smem:$0x3F9A]  }
0x28: {  	s2 =	sld [smem:$0x3F9B]  }
0x29: {  	s4 =	sld [smem:$0x3F9D]  }
0x2a: {  	p0 =	seq.s32 s5, $0x0;
	s5 =	sld [smem:$0x3F9E]  }
0x2b: {  	s6 =	sld [smem:$0x3F9F]  }
0x2c: {  	s7 =	sld [smem:$0x3FA0]  }
0x2d: {  	s3 =	simm.s32 $0x108;
	s8 =	sld [smem:$0x3FA1]  }
0x2e: {  	s3 =	simm.s32 @!p0 $0x1082;
	s9 =	sld [smem:$0x3FA2]  }
0x2f: {  	lr =	sadd.s32 s0, s3;
	s0 =	sld [smem:$0x3F99]  }
0x30: {  	s3 =	sld [smem:$0x3F9C]  }
0x31: {  	[smem:$0x3FA5] =	sst s10  }
0x32: {  	s10 =	sld [smem:$0x3FA3];
	_ =	sdelay $0x3  }
0x33: {  	p0 =	seq.s32 s10, $0x1;
	s10 =	sld [smem:$0x3FA5];
	_ =	sdelay $0x3  }
0x34: {  	[smem:$0x3FA5] =	sst s10  }
0x35: {  	s10 =	sld [smem:$0x3FA4];
	_ =	sdelay $0x3  }
0x36: {  	p1 =	seq.s32 s10, $0x1;
	s10 =	sld [smem:$0x3FA5];
	_ =	sdelay $0x3  }
0x37: {  	[smem:$0x3FA5] =	sst s10  }
0x38: {  	s10 =	sld [smem:$0x3FA6]  }
0x39: {  	_ = 	snop;
	(pc) =	sbr.ind lr, $3  }
0x3a: {  	_ = 	snop  }
0x3b: {  	_ = 	snop  }
0x3c: {  	p2 =	seq.s32 s10, $0x1;
	s10 =	sld [smem:$0x3FA5]  }
0x3d: {  	_ =	shalt  }
0x3e: {  	_ =	shalt  }
0x3f: {  	_ =	shalt  }
0x40: {  	_ =	shalt  }
0x41: {  	_ =	shalt  }
0x42: {  	_ =	shalt  }
0x43: {  	_ =	shalt  }
0x44: {  	_ =	shalt  }
0x45: {  	_ =	shalt  }
0x46: {  	_ =	shalt  }
0x47: {  	_ =	shalt  }
0x48: {  	_ =	shalt  }
0x49: {  	_ =	shalt  }
0x4a: {  	_ =	shalt  }
0x4b: {  	_ =	shalt  }
0x4c: {  	_ =	shalt  }
0x4d: {  	_ =	shalt  }
0x4e: {  	_ =	shalt  }
0x4f: {  	_ =	shalt  }
0x50: {  	_ =	shalt  }
0x51: {  	_ =	shalt  }
0x52: {  	_ =	shalt  }
0x53: {  	_ =	shalt  }
0x54: {  	_ =	shalt  }
0x55: {  	_ =	shalt  }
0x56: {  	_ =	shalt  }
0x57: {  	_ =	shalt  }
0x58: {  	_ =	shalt  }
0x59: {  	_ =	shalt  }
0x5a: {  	_ =	shalt  }
0x5b: {  	_ =	shalt  }
0x5c: {  	_ =	shalt  }
0x5d: {  	_ =	shalt  }
0x5e: {  	_ =	shalt  }
0x5f: {  	_ =	shalt  }
0x60: {  	_ =	shalt  }
0x61: {  	_ =	shalt  }
0x62: {  	_ =	shalt  }
0x63: {  	_ =	shalt  }
0x64: {  	_ =	shalt  }
0x65: {  	_ =	shalt  }
0x66: {  	_ =	shalt  }
0x67: {  	_ =	shalt  }
0x68: {  	_ =	shalt  }
0x69: {  	_ =	shalt  }
0x6a: {  	_ =	shalt  }
0x6b: {  	_ =	shalt  }
0x6c: {  	_ =	shalt  }
0x6d: {  	_ =	shalt  }
0x6e: {  	_ =	shalt  }
0x6f: {  	_ =	shalt  }
0x70: {  	_ =	shalt  }
0x71: {  	_ =	shalt  }
0x72: {  	_ =	shalt  }
0x73: {  	_ =	shalt  }
0x74: {  	_ =	shalt  }
0x75: {  	_ =	shalt  }
0x76: {  	_ =	shalt  }
0x77: {  	_ =	shalt  }
0x78: {  	_ =	shalt  }
0x79: {  	_ =	shalt  }
0x7a: {  	_ =	shalt  }
0x7b: {  	_ =	shalt  }
0x7c: {  	_ =	shalt  }
0x7d: {  	_ =	shalt  }
0x7e: {  	_ =	shalt  }
0x7f: {  	_ =	shalt  }
0x80: {  	_ =	shalt  }
0x81: {  	_ =	shalt  }
0x82: {  	_ =	shalt  }
0x83: {  	_ =	shalt  }
0x84: {  	_ =	shalt  }
0x85: {  	_ =	shalt  }
0x86: {  	_ =	shalt  }
0x87: {  	_ =	shalt  }
.Lfunc_end0:
.L_simem_size_0:
called_computation_lowered:
.L_overlay_start_0:
0x88: {  	s2 =	sld [smem:$0x3FD9]  }
0x89: {  	s3 =	sld [smem:$0x3FFE];
	_ =	sdelay $0x1  }
0x8a: {  	s1 =	srdreg.scid  }
0x8b: {  	s0 =	sand.u32 $0x1, s1  }
0x8c: {  	s16 =	sshll.u32 s0, $0xA;
	s2 =	sadd.s32 s3, s2  }
0x8d: {  	s2 =	sadd.s32 s2, s16  }
0x8e: {  	[smem:$0x3FB1] =	sst s2  }
0x8f: {  	_ = 	snop  }
0x90: {  	(tm) =	ssettm $0x1  }
0x91: {  	s17 =	sld [smem:$0x3FFB];
	_ =	sdelay $0x3  }
0x92: {  	_ =	strace s17  }
0x93: {  	s2 =	sld [smem:$0x3FFC];
	_ =	sdelay $0x3  }
0x94: {  	_ =	strace s2  }
0x95: {  	s2 =	sld [smem:$0x3FFD];
	_ =	sdelay $0x3  }
0x96: {  	_ =	strace s2  }
0x97: {  	_ =	strace $0x8FFFFFFF  }
0x98: {  	s18 =	sld [smem:$0x3FDB];
	_ =	sdelay $0x1  }
0x99: {  	s19 =	simm.s32 $_scs_section_size  }
0x9a: {  	s4 =	simm.s32 $_size__tile_overlayer_lowered;
	s5 =	simm.s32 $_tile_overlayer_lowered  }
0x9b: {  	s22 =	simm.s32 $0x1BFF;
	s21 =	sshll.u32 s5, $0x1;
	s2 =	sadd.s32 s19, s18  }
0x9c: {  	s6 =	simm.s32 $0x0;
	s20 =	sshll.u32 s4, $0x1;
	s4 =	sadd.s32 s21, s2  }
0x9d: {  	[timem:s6], [sflag:s22] =	dma.local [hbm:s4], s20  }
0x9e: {  	_ =	swait.ge [sflag:s22], s20  }
0x9f: {  	s3 =	ssub.s32 $0x0, s20;
	[sflag:s22] =	ssyncset.done $0x0  }
0xa0: {  	[sflag:s22] =	ssyncadd.s32 s3;
	_ =	sdelay $0x1  }
0xa1: {  	s23 =	simm.s32 $0x1B8B  }
0xa2: {  	_ =	swait.ge [sflag:s23], $0x1  }
0xa3: {  	[sflag:s23] =	ssyncset.done $0x0  }
0xa4: {  	s25 =	simm.s32 $0x1B8E;
	s24 =	sld [smem:$0x3FFE];
	[sflag:s23] =	ssyncadd.s32 $0xFFFFFFFF  }
0xa5: {  	s26 =	simm.s32 $execute0_lowered;
	[smem:$0x3FD2] =	sst s25  }
0xa6: {  	s4 =	sshll.u32 s26, $0x1;
	_ =	strace $0x80000046;
	[dreg:$0x1] =	wrdreg $0xFFFFFFFF  }
0xa7: {  	s28 =	simm.s32 $_size_execute0_lowered;
	s2 =	sadd.s32 s2, s4;
	[dreg:$0x0] =	wrdreg $0x0  }
0xa8: {  	s4 =	sshll.u32 s28, $0x1;
	[dreg:$0x2] =	wrdreg s2  }
0xa9: {  	[dreg:$0x3] =	wrdreg s4  }
0xaa: {  	[dreg:$0x4] =	wrdreg $0xC0  }
0xab: {  	_ =	task [dreg:s6], $0x5FFFF  }
0xac: {  	[dreg:$0x1] =	wrdreg $0xFFFFFFFF  }
0xad: {  	[dreg:$0x0] =	wrdreg $0x60  }
0xae: {  	[dreg:$0x2] =	wrdreg s24  }
0xaf: {  	[dreg:$0x3] =	wrdreg $0x9  }
0xb0: {  	_ =	task.clear_ibuf [dreg:s6], $0x4FFFF;
	_ =	strace $0x90000046  }
0xb1: {  	s29 =	simm.s32 $0x9;
	_ =	strace $0x80000048  }
0xb2: {  	_ =	swait.ge [sflag:s29], $0x1  }
0xb3: {  	[sflag:s29] =	ssyncadd.s32 $0xFFFFFFFF  }
0xb4: {  	_ =	strace $0x90000048  }
0xb5: {  	_ =	sfence  }
0xb6: {  	s30 =	sld [smem:$0x0];
	_ =	sdelay $0x2  }
0xb7: {  	s31 =	sshll.u32 s1, $0xD;
	s1 =	sshrl.u32 s1, $0x2  }
0xb8: {  	s3 =	sand.u32 $0x4000, s31;
	s1 =	sadd.s32 s1, s30  }
0xb9: {  	s0 =	sor.u32 s3, s0;
	s1 =	sshll.u32 s1, $0x11  }
0xba: {  	s0 =	sor.u32 s1, s0  }
0xbb: {  	s0 =	sadd.s32 $0x8F2B, s0  }
0xbc: {  	[sflag:s0] =	ssyncadd.remote.s32 $0x1  }
0xbd: {  	_ =	sfence.sel $0xFFFF  }
0xbe: {  	[dreg:$0x0] =	wrdreg $0xFFFFFFFF;
	(pc) =	sbr.abs _section_cstart, $3  }
0xbf: {  	[dreg:$0x1] =	wrdreg $0xFFFFFFFF  }
0xc0: {  	_ =	task.clear_ibuf [dreg:s6], $0x2FFFF;
	_ =	strace $0x9FFFFFFF  }
0xc1: {  	(tm) =	ssettm $0x7FFFFFFF  }
tec
execute0_lowered:
.L_overlay_start_1:
0x0: {  	(tag) =	ssettag $0x1  }
0x1: {  	s4 =	rddreg [dreg:$0x0];
	s1 =	srdreg.scid  }
0x2: {  	s0 =	rddreg [dreg:$0x1];
	s2 =	simm.s32 $0x0;
	s9 =	simm.s32 $0x2800  }
0x3: {  	s10 =	simm.s32 $0x6800;
	s11 =	simm.s32 $0xA800;
	s12 =	simm.s32 $0xE800  }
0x4: {  	s13 =	simm.s32 $0x1;
	s14 =	simm.s32 $0x2;
	s15 =	simm.s32 $0x3  }
0x5: {  	s16 =	simm.s32 $0x4;
	s17 =	simm.s32 $0x0;
	s3 =	sand.u32 $0x1, s1  }
0x6: {  	s1 =	stileid.u32;
	s5 =	sshll.u32 s3, $0x4;
	s6 =	smul.u32 $0x1400000, s3  }
0x7: {  	[smem:$0x7FF] =	sst s2;
	s7 =	smul.u32 $0x140000, s1;
	s5 =	sor.u32 s1, s5  }
0x8: {  	_ =	strace $0x80000047;
	s8 =	ssub.s32 $0x2, s3;
	s5 =	smul.u32 $0x500, s5  }
0x9: {  	s3 =	sadd.s32 $0x23000, s4;
	s31 =	sshrl.u32 s8, $0x1;
	s6 =	sadd.s32 s7, s6  }
0xa: {  	s7 =	ssub.s32 s8, s31;
	s6 =	sshrl.u32 s6, $0x3;
	s5 =	sadd.s32 s5, s4  }
0xb: {  	s8 =	simm.s32 $0x80;
	s6 =	sadd.s32 s6, s4;
	s4 =	sadd.s32 $0x19000, s5  }
0xc: {  	s5 =	smax.u32 s7, $0x1;
	s6 =	sadd.s32 $0x98600, s6;
	s7 =	simm.s32 $0x5  }
.LBB2_1:
0xd: {  	[tilespmem:s2], [sflag:$0x5] =	stream.linear.gather [hbm4b:s4+s2], $0x2800, $0x38;
	[tilespmem:$0x12800] =	vst v63  }
0xe: {  	_ =	swait.ge [sflag:s7], $0x2800  }
0xf: {  	[sflag:s7] =	ssyncset.done $0x0  }
0x10: {  	s18 =	simm.s32 $0x0;
	[sflag:s7] =	ssyncadd.s32 $0xFFFFD800  }
0x11: {  	[tilespmem:s9], [sflag:$0x1] =	stream.indirect.gather [hbm4b:s3+s8], $0x80, s18, s8, $0xb8;
	[tilespmem:$0x12800] =	vst v63  }
0x12: {  	s28 =	simm.s32 $0x80  }
0x13: {  	[tilespmem:s10], [sflag:$0x2] =	stream.indirect.gather [hbm4b:s3+s8], $0x80, s28, s8, $0xb8;
	[tilespmem:$0x12800] =	vst v63  }
0x14: {  	s29 =	simm.s32 $0x100  }
0x15: {  	[tilespmem:s11], [sflag:$0x3] =	stream.indirect.gather [hbm4b:s3+s8], $0x80, s29, s8, $0xb8;
	[tilespmem:$0x12800] =	vst v63  }
0x16: {  	s30 =	simm.s32 $0x180  }
0x17: {  	[tilespmem:s12], [sflag:$0x4] =	stream.indirect.gather [hbm4b:s3+s8], $0x80, s30, s8, $0xb8;
	[tilespmem:$0x12800] =	vst v63  }
0x18: {  	_ =	swait.ge [sflag:s13], $0x4000  }
0x19: {  	[sflag:s13] =	ssyncset.done $0x0  }
0x1a: {  	[sflag:s13] =	ssyncadd.s32 $0xFFFFC000  }
0x1b: {  	_ =	swait.ge [sflag:s14], $0x4000  }
0x1c: {  	[sflag:s14] =	ssyncset.done $0x0  }
0x1d: {  	[sflag:s14] =	ssyncadd.s32 $0xFFFFC000  }
0x1e: {  	_ =	swait.ge [sflag:s15], $0x4000  }
0x1f: {  	[sflag:s15] =	ssyncset.done $0x0  }
0x20: {  	[sflag:s15] =	ssyncadd.s32 $0xFFFFC000  }
0x21: {  	_ =	swait.ge [sflag:s16], $0x4000  }
0x22: {  	[sflag:s16] =	ssyncset.done $0x0  }
0x23: {  	s31 =	sadd.s32 $0x0, s6;
	[sflag:s16] =	ssyncadd.s32 $0xFFFFC000  }
0x24: {  	[hbm4b:s31+s2] =	stream.linear.scatter [tilespmem:s9], [sflag:$0x5], $0x10000, $0x38;
	[tilespmem:$0x12800] =	vst v63  }
0x25: {  	s20 =	simm.s32 $0x4000;
	_ =	swait.ge [sflag:s7], $0x10000  }
0x26: {  	s19 =	simm.s32 $0x380;
	s18 =	simm.s32 $0x2000;
	[sflag:s7] =	ssyncset.done $0x0  }
.LBB2_2:
0x27: {  	p0 =	sne.s32 s20, $0x26000;
	s21 =	sadd.s32 $0xFFFFFE80, s19;
	[sflag:s7] =	ssyncadd.s32 $0xFFFF0000  }
0x28: {  	[tilespmem:s9], [sflag:$0x1] =	stream.indirect.gather [hbm4b:s3+s8], $0x80, s21, s8, $0xb8;
	[tilespmem:$0x12800] =	vst v63  }
0x29: {  	s22 =	smov.u32 s20;
	s20 =	sadd.s32 $0x2000, s20;
	s21 =	sadd.s32 $0xFFFFFF00, s19  }
0x2a: {  	[tilespmem:s10], [sflag:$0x2] =	stream.indirect.gather [hbm4b:s3+s8], $0x80, s21, s8, $0xb8;
	[tilespmem:$0x12800] =	vst v63  }
0x2b: {  	s21 =	sadd.s32 $0xFFFFFF80, s19  }
0x2c: {  	[tilespmem:s11], [sflag:$0x3] =	stream.indirect.gather [hbm4b:s3+s8], $0x80, s21, s8, $0xb8;
	[tilespmem:$0x12800] =	vst v63  }
0x2d: {  	_ = 	snop  }
0x2e: {  	[tilespmem:s12], [sflag:$0x4] =	stream.indirect.gather [hbm4b:s3+s8], $0x80, s19, s8, $0xb8;
	[tilespmem:$0x12800] =	vst v63  }
0x2f: {  	_ =	swait.ge [sflag:s13], $0x4000  }
0x30: {  	[sflag:s13] =	ssyncset.done $0x0  }
0x31: {  	[sflag:s13] =	ssyncadd.s32 $0xFFFFC000  }
0x32: {  	_ =	swait.ge [sflag:s14], $0x4000  }
0x33: {  	[sflag:s14] =	ssyncset.done $0x0  }
0x34: {  	[sflag:s14] =	ssyncadd.s32 $0xFFFFC000  }
0x35: {  	_ =	swait.ge [sflag:s15], $0x4000  }
0x36: {  	[sflag:s15] =	ssyncset.done $0x0  }
0x37: {  	[sflag:s15] =	ssyncadd.s32 $0xFFFFC000  }
0x38: {  	_ =	swait.ge [sflag:s16], $0x4000  }
.Ltmp0:
0x39: {  	[sflag:s16] =	ssyncset.done $0x0;
	(pc) =	sbr.rel @p0 .LBB2_2-.Ltmp0, $4  }
0x3a: {  	s21 =	sadd.s32 s18, s6;
	s18 =	smov.u32 s22;
	[sflag:s16] =	ssyncadd.s32 $0xFFFFC000  }
0x3b: {  	[hbm4b:s21+s2] =	stream.linear.scatter [tilespmem:s9], [sflag:$0x5], $0x10000, $0x38;
	[tilespmem:$0x12800] =	vst v63  }
0x3c: {  	_ =	swait.ge [sflag:s7], $0x10000  }
0x3d: {  	s19 =	sadd.s32 $0x200, s19;
	[sflag:s7] =	ssyncset.done $0x0  }
0x3e: {  	s20 =	sadd.s32 $0xFFFFFE80, s19;
	[sflag:s7] =	ssyncadd.s32 $0xFFFF0000  }
0x3f: {  	[tilespmem:s9], [sflag:$0x1] =	stream.indirect.gather [hbm4b:s3+s8], $0x80, s20, s8, $0xb8;
	[tilespmem:$0x12800] =	vst v63  }
0x40: {  	s30 =	sadd.s32 $0xFFFFFF00, s19  }
0x41: {  	[tilespmem:s10], [sflag:$0x2] =	stream.indirect.gather [hbm4b:s3+s8], $0x80, s30, s8, $0xb8;
	[tilespmem:$0x12800] =	vst v63  }
0x42: {  	s31 =	sadd.s32 $0xFFFFFF80, s19  }
0x43: {  	[tilespmem:s11], [sflag:$0x3] =	stream.indirect.gather [hbm4b:s3+s8], $0x80, s31, s8, $0xb8;
	[tilespmem:$0x12800] =	vst v63  }
0x44: {  	_ = 	snop  }
0x45: {  	[tilespmem:s12], [sflag:$0x4] =	stream.indirect.gather [hbm4b:s3+s8], $0x80, s19, s8, $0xb8;
	[tilespmem:$0x12800] =	vst v63  }
0x46: {  	_ =	swait.ge [sflag:s13], $0x4000  }
0x47: {  	[sflag:s13] =	ssyncset.done $0x0  }
0x48: {  	[sflag:s13] =	ssyncadd.s32 $0xFFFFC000  }
0x49: {  	_ =	swait.ge [sflag:s14], $0x4000  }
0x4a: {  	[sflag:s14] =	ssyncset.done $0x0  }
0x4b: {  	[sflag:s14] =	ssyncadd.s32 $0xFFFFC000  }
0x4c: {  	_ =	swait.ge [sflag:s15], $0x4000  }
0x4d: {  	[sflag:s15] =	ssyncset.done $0x0  }
0x4e: {  	[sflag:s15] =	ssyncadd.s32 $0xFFFFC000  }
0x4f: {  	s17 =	sadd.s32 $0x1, s17;
	_ =	swait.ge [sflag:s16], $0x4000  }
0x50: {  	p0 =	sne.s32 s17, s5;
	[sflag:s16] =	ssyncset.done $0x0  }
.Ltmp1:
0x51: {  	s18 =	sadd.s32 s18, s6;
	[sflag:s16] =	ssyncadd.s32 $0xFFFFC000;
	(pc) =	sbr.rel @p0 .LBB2_1-.Ltmp1, $4  }
0x52: {  	[hbm4b:s18+s2] =	stream.linear.scatter [tilespmem:s9], [sflag:$0x5], $0x10000, $0x38;
	[tilespmem:$0x12800] =	vst v63  }
0x53: {  	_ =	swait.ge [sflag:s7], $0x10000  }
0x54: {  	[sflag:s7] =	ssyncset.done $0x0  }
0x55: {  	[sflag:s7] =	ssyncadd.s32 $0xFFFF0000  }
0x56: {  	_ =	sfence.sel $0x180000  }
0x57: {  	[bflag:$0x0] =	sbarrier.arrive $0xFFFF  }
0x58: {  	p0 =	sne.s32 s1, $0x0;
	_ =	strace $0x90000047  }
0x59: {  	s0 =	sadd.s32 @!p0 $0x100000, s0;
	[bflag:$0x2] =	sbarrier.arrive $0xFFFF  }
0x5a: {  	[sflag:s0] =	ssyncadd.tile.s32 @!p0 $0x1;
	_ =	shalt  }
.Lfunc_end2:
_tile_overlayer_lowered:
.L_overlay_start_2:
0x5b: {  	(tag) =	ssettag $0x2  }
0x5c: {  	s0 =	rddreg [dreg:$0x0];
	s2 =	stileid.u32  }
0x5d: {  	s1 =	rddreg [dreg:$0x1];
	p0 =	sne.s32 s2, $0x0  }
0x5e: {  	s3 =	rddreg [dreg:$0x2];
	[bflag:$0x3] =	sbarrier.arrive $0xFFFF;
	s2 =	simm.s32 @!p0 $0x1C05  }
0x5f: {  	[timem:s3], [sflag:s2] =	dma.local @!p0 [hbm:s0], s1  }
0x60: {  	s0 =	simm.s32 @!p0 $0x5  }
0x61: {  	_ =	swait.ge @!p0 [sflag:s0], s1  }
0x62: {  	s1 =	ssub.s32 @!p0 $0x0, s1;
	[sflag:s0] =	ssyncset.done @!p0 $0x0  }
0x63: {  	[sflag:s0] =	ssyncadd.s32 @!p0 s1  }
0x64: {  	[bflag:$0x3] =	sbarrier.arrive $0xFFFF  }
0x65: {  	_ =	shalt  }

// kernel: kernel.14.cloned.1.call-start
scs
__scs_entry_jumppad:
0x0: {  	(pc) =	sbr.rel $0x88, $3  }
0x1: {  	(tag) =	ssettag $0x0;
	lr =	simm.s32 $0x1  }
0x2: {  	[smem:$0x3F8A] =	sst lr;
	_ =	strace $0xD0000000  }
0x3: {  	_ = 	snop  }
0x4: {  	_ = 	snop  }
0x5: {  	_ = 	snop  }
0x6: {  	_ = 	snop  }
0x7: {  	_ = 	snop  }
__scs_overlays_trampoline_lowered:
0x8: {  	[smem:$0x3F99] =	sst s0  }
0x9: {  	[smem:$0x3F9A] =	sst s1  }
0xa: {  	[smem:$0x3F9B] =	sst s2  }
0xb: {  	[smem:$0x3F9C] =	sst s3  }
0xc: {  	[smem:$0x3F9D] =	sst s4  }
0xd: {  	[smem:$0x3F9E] =	sst s5  }
0xe: {  	[smem:$0x3F9F] =	sst s6  }
0xf: {  	[smem:$0x3FA0] =	sst s7  }
0x10: {  	[smem:$0x3FA1] =	sst s8  }
0x11: {  	[smem:$0x3FA2] =	sst s9;
	s0 =	simm.s32 @!p0 $0x0  }
0x12: {  	s1 =	sld [smem:$0x3F88];
	s0 =	simm.s32 @p0 $0x1  }
0x13: {  	[smem:$0x3FA3] =	sst s0;
	s0 =	simm.s32 @!p1 $0x0  }
0x14: {  	s2 =	sld [smem:$0x3F87];
	s0 =	simm.s32 @p1 $0x1  }
0x15: {  	[smem:$0x3FA4] =	sst s0;
	s0 =	simm.s32 @!p2 $0x0  }
0x16: {  	s3 =	sld [smem:$0x3FDB];
	s0 =	simm.s32 @p2 $0x1  }
0x17: {  	s4 =	simm.s32 $0x1BF5;
	[smem:$0x3FA6] =	sst s0  }
0x18: {  	s0 =	sld [smem:$0x3F89];
	_ =	swait.ge [sflag:s4], $0x0  }
0x19: {  	s7 =	sld [smem:$0x3F8A]  }
0x1a: {  	s8 =	sadd.s32 $0xFFFFE003, lr  }
0x1b: {  	s9 =	sadd.s32 $0xFFFFFEF7, lr;
	s5 =	simm.s32 $0xFFFFFFFF;
	p2 =	slt.u32 s8, $0xFFFFF086  }
0x1c: {  	p1 =	slt.u32 s9, $0xF7A;
	s5 =	simm.s32 @!p2 $0x0  }
0x1d: {  	s5 =	simm.s32 @p1 $0x1;
	p0 =	seq.s32 s7, s2  }
0x1e: {  	s7 =	smul.u32 @!p0 $0xF7A, s2;
	p2 =	seq.s32 @!p0 s5, $0x0  }
0x1f: {  	s9 =	smul.u32 $0xF7A, s1;
	s8 =	simm.s32 @!p0 $0x1BF5;
	p2 =	por !p2, p0  }
0x20: {  	[sflag:s8] =	ssyncset.s32 @!p0 $0xFFFFF086;
	s6 =	sadd.s32 @!p0 s3, s7;
	s7 =	simm.s32 @!p0 $0x108  }
0x21: {  	s3 =	sadd.s32 s3, s9;
	s6 =	sadd.s32 @!p0 $0x88, s6;
	s7 =	simm.s32 @p2 $0x1082  }
0x22: {  	[simem:s7], [sflag:s8] =	dma.local @!p0 [hbm:s6], $0xF7A  }
0x23: {  	s9 =	sor.u32 $0xD0000000, s2;
	s6 =	simm.s32 $0x108;
	_ =	swait.ge @!p0 [sflag:s8], $0x0  }
0x24: {  	s3 =	sadd.s32 $0x88, s3;
	s6 =	simm.s32 @!p1 $0x1082;
	[sflag:s4] =	ssyncset.s32 $0xFFFFF086  }
0x25: {  	[simem:s6], [sflag:s4] =	dma.local [hbm:s3], $0xF7A  }
0x26: {  	[smem:$0x3F8A] =	sst s1;
	(tag) =	ssettag s2;
	_ =	strace s9  }
0x27: {  	s1 =	sld [smem:$0x3F9A]  }
0x28: {  	s2 =	sld [smem:$0x3F9B]  }
0x29: {  	s4 =	sld [smem:$0x3F9D]  }
0x2a: {  	p0 =	seq.s32 s5, $0x0;
	s5 =	sld [smem:$0x3F9E]  }
0x2b: {  	s6 =	sld [smem:$0x3F9F]  }
0x2c: {  	s7 =	sld [smem:$0x3FA0]  }
0x2d: {  	s3 =	simm.s32 $0x108;
	s8 =	sld [smem:$0x3FA1]  }
0x2e: {  	s3 =	simm.s32 @!p0 $0x1082;
	s9 =	sld [smem:$0x3FA2]  }
0x2f: {  	lr =	sadd.s32 s0, s3;
	s0 =	sld [smem:$0x3F99]  }
0x30: {  	s3 =	sld [smem:$0x3F9C]  }
0x31: {  	[smem:$0x3FA5] =	sst s10  }
0x32: {  	s10 =	sld [smem:$0x3FA3];
	_ =	sdelay $0x3  }
0x33: {  	p0 =	seq.s32 s10, $0x1;
	s10 =	sld [smem:$0x3FA5];
	_ =	sdelay $0x3  }
0x34: {  	[smem:$0x3FA5] =	sst s10  }
0x35: {  	s10 =	sld [smem:$0x3FA4];
	_ =	sdelay $0x3  }
0x36: {  	p1 =	seq.s32 s10, $0x1;
	s10 =	sld [smem:$0x3FA5];
	_ =	sdelay $0x3  }
0x37: {  	[smem:$0x3FA5] =	sst s10  }
0x38: {  	s10 =	sld [smem:$0x3FA6]  }
0x39: {  	_ = 	snop;
	(pc) =	sbr.ind lr, $3  }
0x3a: {  	_ = 	snop  }
0x3b: {  	_ = 	snop  }
0x3c: {  	p2 =	seq.s32 s10, $0x1;
	s10 =	sld [smem:$0x3FA5]  }
0x3d: {  	_ =	shalt  }
0x3e: {  	_ =	shalt  }
0x3f: {  	_ =	shalt  }
0x40: {  	_ =	shalt  }
0x41: {  	_ =	shalt  }
0x42: {  	_ =	shalt  }
0x43: {  	_ =	shalt  }
0x44: {  	_ =	shalt  }
0x45: {  	_ =	shalt  }
0x46: {  	_ =	shalt  }
0x47: {  	_ =	shalt  }
0x48: {  	_ =	shalt  }
0x49: {  	_ =	shalt  }
0x4a: {  	_ =	shalt  }
0x4b: {  	_ =	shalt  }
0x4c: {  	_ =	shalt  }
0x4d: {  	_ =	shalt  }
0x4e: {  	_ =	shalt  }
0x4f: {  	_ =	shalt  }
0x50: {  	_ =	shalt  }
0x51: {  	_ =	shalt  }
0x52: {  	_ =	shalt  }
0x53: {  	_ =	shalt  }
0x54: {  	_ =	shalt  }
0x55: {  	_ =	shalt  }
0x56: {  	_ =	shalt  }
0x57: {  	_ =	shalt  }
0x58: {  	_ =	shalt  }
0x59: {  	_ =	shalt  }
0x5a: {  	_ =	shalt  }
0x5b: {  	_ =	shalt  }
0x5c: {  	_ =	shalt  }
0x5d: {  	_ =	shalt  }
0x5e: {  	_ =	shalt  }
0x5f: {  	_ =	shalt  }
0x60: {  	_ =	shalt  }
0x61: {  	_ =	shalt  }
0x62: {  	_ =	shalt  }
0x63: {  	_ =	shalt  }
0x64: {  	_ =	shalt  }
0x65: {  	_ =	shalt  }
0x66: {  	_ =	shalt  }
0x67: {  	_ =	shalt  }
0x68: {  	_ =	shalt  }
0x69: {  	_ =	shalt  }
0x6a: {  	_ =	shalt  }
0x6b: {  	_ =	shalt  }
0x6c: {  	_ =	shalt  }
0x6d: {  	_ =	shalt  }
0x6e: {  	_ =	shalt  }
0x6f: {  	_ =	shalt  }
0x70: {  	_ =	shalt  }
0x71: {  	_ =	shalt  }
0x72: {  	_ =	shalt  }
0x73: {  	_ =	shalt  }
0x74: {  	_ =	shalt  }
0x75: {  	_ =	shalt  }
0x76: {  	_ =	shalt  }
0x77: {  	_ =	shalt  }
0x78: {  	_ =	shalt  }
0x79: {  	_ =	shalt  }
0x7a: {  	_ =	shalt  }
0x7b: {  	_ =	shalt  }
0x7c: {  	_ =	shalt  }
0x7d: {  	_ =	shalt  }
0x7e: {  	_ =	shalt  }
0x7f: {  	_ =	shalt  }
0x80: {  	_ =	shalt  }
0x81: {  	_ =	shalt  }
0x82: {  	_ =	shalt  }
0x83: {  	_ =	shalt  }
0x84: {  	_ =	shalt  }
0x85: {  	_ =	shalt  }
0x86: {  	_ =	shalt  }
0x87: {  	_ =	shalt  }
.Lfunc_end0:
.L_simem_size_0:
called_computation.1_lowered:
.L_overlay_start_0:
0x88: {  	s2 =	sld [smem:$0x3FD9]  }
0x89: {  	s3 =	sld [smem:$0x3FFE];
	_ =	sdelay $0x1  }
0x8a: {  	s1 =	srdreg.scid  }
0x8b: {  	s0 =	sand.u32 $0x1, s1  }
0x8c: {  	s17 =	sshll.u32 s0, $0xA;
	s2 =	sadd.s32 s3, s2  }
0x8d: {  	s2 =	sadd.s32 s2, s17  }
0x8e: {  	[smem:$0x3FB1] =	sst s2  }
0x8f: {  	_ = 	snop  }
0x90: {  	(tm) =	ssettm $0x1  }
0x91: {  	s18 =	sld [smem:$0x3FFB];
	_ =	sdelay $0x3  }
0x92: {  	_ =	strace s18  }
0x93: {  	s2 =	sld [smem:$0x3FFC];
	_ =	sdelay $0x3  }
0x94: {  	_ =	strace s2  }
0x95: {  	s2 =	sld [smem:$0x3FFD];
	_ =	sdelay $0x3  }
0x96: {  	_ =	strace s2  }
0x97: {  	_ =	strace $0x8FFFFFFF  }
0x98: {  	s19 =	sld [smem:$0x3FDB];
	_ =	sdelay $0x1  }
0x99: {  	s20 =	simm.s32 $_scs_section_size  }
0x9a: {  	s4 =	simm.s32 $_size__tile_overlayer_lowered;
	s5 =	simm.s32 $_tile_overlayer_lowered  }
0x9b: {  	s6 =	simm.s32 $0x1BFF;
	s21 =	sshll.u32 s5, $0x1;
	s3 =	sadd.s32 s20, s19  }
0x9c: {  	s22 =	simm.s32 $0x0;
	s4 =	sshll.u32 s4, $0x1;
	s5 =	sadd.s32 s21, s3  }
0x9d: {  	[timem:s22], [sflag:s6] =	dma.local [hbm:s5], s4  }
0x9e: {  	_ =	swait.ge [sflag:s6], s4  }
0x9f: {  	s4 =	ssub.s32 $0x0, s4;
	[sflag:s6] =	ssyncset.done $0x0  }
0xa0: {  	[sflag:s6] =	ssyncadd.s32 s4;
	_ =	sdelay $0x1  }
0xa1: {  	s23 =	simm.s32 $0x1B8B  }
0xa2: {  	_ =	swait.ge [sflag:s23], $0x1  }
0xa3: {  	[sflag:s23] =	ssyncset.done $0x0  }
0xa4: {  	[sflag:s23] =	ssyncadd.s32 $0xFFFFFFFF  }
0xa5: {  	s4 =	sld [smem:$0x0]  }
0xa6: {  	s5 =	sand.u32 $0xFFFFFFFE, s1  }
0xa7: {  	p0 =	sne.s32 s1, s5  }
0xa8: {  	s5 =	sshll.u32 @p0 s5, $0xE  }
0xa9: {  	s5 =	sadd.s32 @p0 $0x11B8D, s5;
	s6 =	sshll.u32 @p0 s4, $0x11  }
0xaa: {  	s5 =	sor.u32 @p0 s6, s5  }
0xab: {  	[sflag:s5] =	ssyncadd.remote.s32 @p0 $0x1;
	_ =	sdelay $0x1  }
0xac: {  	s5 =	simm.s32 @p0 $0x1B8D  }
0xad: {  	_ =	swait.eq @p0 [sflag:s5], $0x1  }
0xae: {  	[sflag:s5] =	ssyncadd.s32 @p0 $0xFFFFFFFF  }
0xaf: {  	s6 =	sshll.u32 @!p0 s1, $0xE  }
0xb0: {  	s6 =	sor.u32 @!p0 $0x4000, s6;
	s5 =	simm.s32 @!p0 $0x1B8D  }
0xb1: {  	s4 =	sshll.u32 @!p0 s4, $0x11;
	s6 =	sadd.s32 @!p0 $0x11B8D, s6;
	_ =	swait.eq @!p0 [sflag:s5], $0x1  }
0xb2: {  	s4 =	sor.u32 @!p0 s4, s6;
	[sflag:s5] =	ssyncadd.s32 @!p0 $0xFFFFFFFF  }
0xb3: {  	s25 =	simm.s32 $0x1B8E;
	s24 =	sld [smem:$0x3FFE];
	[sflag:s4] =	ssyncadd.remote.s32 @!p0 $0x1  }
0xb4: {  	s26 =	simm.s32 $execute0_lowered;
	[smem:$0x3FD2] =	sst s25  }
0xb5: {  	s5 =	sshll.u32 s26, $0x1;
	_ =	strace $0x80000049;
	[dreg:$0x1] =	wrdreg $0xFFFFFFFF  }
0xb6: {  	s28 =	simm.s32 $_size_execute0_lowered;
	s3 =	sadd.s32 s3, s5;
	[dreg:$0x0] =	wrdreg $0x0  }
0xb7: {  	s5 =	sshll.u32 s28, $0x1;
	[dreg:$0x2] =	wrdreg s3  }
0xb8: {  	[dreg:$0x3] =	wrdreg s5  }
0xb9: {  	[dreg:$0x4] =	wrdreg $0xC0  }
0xba: {  	_ =	task [dreg:s22], $0x5FFFF  }
0xbb: {  	[dreg:$0x1] =	wrdreg $0xFFFFFFFF  }
0xbc: {  	[dreg:$0x0] =	wrdreg $0x60  }
0xbd: {  	[dreg:$0x2] =	wrdreg s24  }
0xbe: {  	[dreg:$0x3] =	wrdreg $0xA  }
0xbf: {  	_ =	task.clear_ibuf [dreg:s22], $0x4FFFF;
	_ =	strace $0x90000049  }
0xc0: {  	s29 =	simm.s32 $0xA;
	_ =	strace $0x8000004B  }
0xc1: {  	_ =	swait.ge [sflag:s29], $0x1  }
0xc2: {  	[sflag:s29] =	ssyncadd.s32 $0xFFFFFFFF  }
0xc3: {  	_ =	strace $0x9000004B  }
0xc4: {  	_ =	sfence  }
0xc5: {  	s30 =	sld [smem:$0x0];
	_ =	sdelay $0x2  }
0xc6: {  	s31 =	sshll.u32 s1, $0xD;
	s1 =	sshrl.u32 s1, $0x2  }
0xc7: {  	s4 =	sand.u32 $0x4000, s31;
	s1 =	sadd.s32 s1, s30  }
0xc8: {  	s0 =	sor.u32 s4, s0;
	s1 =	sshll.u32 s1, $0x11  }
0xc9: {  	s0 =	sor.u32 s1, s0  }
0xca: {  	s0 =	sadd.s32 $0x8F2B, s0  }
0xcb: {  	[sflag:s0] =	ssyncadd.remote.s32 $0x1  }
0xcc: {  	_ =	sfence.sel $0xFFFF  }
0xcd: {  	[dreg:$0x0] =	wrdreg $0xFFFFFFFF;
	(pc) =	sbr.abs _section_cstart, $3  }
0xce: {  	[dreg:$0x1] =	wrdreg $0xFFFFFFFF  }
0xcf: {  	_ =	task.clear_ibuf [dreg:s22], $0x2FFFF;
	_ =	strace $0x9FFFFFFF  }
0xd0: {  	(tm) =	ssettm $0x7FFFFFFF  }
0xd1: {  	_ =	shalt  }
tec
execute0_lowered:
.L_overlay_start_1:
0x0: {  	(tag) =	ssettag $0x1  }
0x1: {  	s4 =	rddreg [dreg:$0x0];
	s1 =	srdreg.scid  }
0x2: {  	s0 =	rddreg [dreg:$0x1];
	s2 =	simm.s32 $0x0;
	s9 =	simm.s32 $0x2800  }
0x3: {  	s10 =	simm.s32 $0x6800;
	s11 =	simm.s32 $0xA800;
	s12 =	simm.s32 $0xE800  }
0x4: {  	s13 =	simm.s32 $0x1;
	s14 =	simm.s32 $0x2;
	s15 =	simm.s32 $0x3  }
0x5: {  	s16 =	simm.s32 $0x4;
	s17 =	simm.s32 $0x0;
	s3 =	sand.u32 $0x1, s1  }
0x6: {  	s1 =	stileid.u32;
	s5 =	sshll.u32 s3, $0x4;
	s6 =	smul.u32 $0x1400000, s3  }
0x7: {  	[smem:$0x7FF] =	sst s2;
	s7 =	smul.u32 $0x140000, s1;
	s5 =	sor.u32 s1, s5  }
0x8: {  	_ =	strace $0x8000004A;
	s8 =	ssub.s32 $0x2, s3;
	s5 =	smul.u32 $0x500, s5  }
0x9: {  	s3 =	sadd.s32 $0x71400, s4;
	s31 =	sshrl.u32 s8, $0x1;
	s6 =	sadd.s32 s7, s6  }
0xa: {  	s7 =	ssub.s32 s8, s31;
	s6 =	sshrl.u32 s6, $0x3;
	s5 =	sadd.s32 s5, s4  }
0xb: {  	s8 =	simm.s32 $0x80;
	s6 =	sadd.s32 s6, s4;
	s4 =	sadd.s32 $0x598600, s5  }
0xc: {  	s5 =	smax.u32 s7, $0x1;
	s6 =	sadd.s32 $0x5A2600, s6;
	s7 =	simm.s32 $0x5  }
.LBB2_1:
0xd: {  	[tilespmem:s2], [sflag:$0x5] =	stream.linear.gather [hbm4b:s4+s2], $0x2800, $0x38;
	[tilespmem:$0x12800] =	vst v63  }
0xe: {  	_ =	swait.ge [sflag:s7], $0x2800  }
0xf: {  	[sflag:s7] =	ssyncset.done $0x0  }
0x10: {  	s18 =	simm.s32 $0x0;
	[sflag:s7] =	ssyncadd.s32 $0xFFFFD800  }
0x11: {  	[tilespmem:s9], [sflag:$0x1] =	stream.indirect.gather [hbm4b:s3+s8], $0x80, s18, s8, $0xb8;
	[tilespmem:$0x12800] =	vst v63  }
0x12: {  	s28 =	simm.s32 $0x80  }
0x13: {  	[tilespmem:s10], [sflag:$0x2] =	stream.indirect.gather [hbm4b:s3+s8], $0x80, s28, s8, $0xb8;
	[tilespmem:$0x12800] =	vst v63  }
0x14: {  	s29 =	simm.s32 $0x100  }
0x15: {  	[tilespmem:s11], [sflag:$0x3] =	stream.indirect.gather [hbm4b:s3+s8], $0x80, s29, s8, $0xb8;
	[tilespmem:$0x12800] =	vst v63  }
0x16: {  	s30 =	simm.s32 $0x180  }
0x17: {  	[tilespmem:s12], [sflag:$0x4] =	stream.indirect.gather [hbm4b:s3+s8], $0x80, s30, s8, $0xb8;
	[tilespmem:$0x12800] =	vst v63  }
0x18: {  	_ =	swait.ge [sflag:s13], $0x4000  }
0x19: {  	[sflag:s13] =	ssyncset.done $0x0  }
0x1a: {  	[sflag:s13] =	ssyncadd.s32 $0xFFFFC000  }
0x1b: {  	_ =	swait.ge [sflag:s14], $0x4000  }
0x1c: {  	[sflag:s14] =	ssyncset.done $0x0  }
0x1d: {  	[sflag:s14] =	ssyncadd.s32 $0xFFFFC000  }
0x1e: {  	_ =	swait.ge [sflag:s15], $0x4000  }
0x1f: {  	[sflag:s15] =	ssyncset.done $0x0  }
0x20: {  	[sflag:s15] =	ssyncadd.s32 $0xFFFFC000  }
0x21: {  	_ =	swait.ge [sflag:s16], $0x4000  }
0x22: {  	[sflag:s16] =	ssyncset.done $0x0  }
0x23: {  	s31 =	sadd.s32 $0x0, s6;
	[sflag:s16] =	ssyncadd.s32 $0xFFFFC000  }
0x24: {  	[hbm4b:s31+s2] =	stream.linear.scatter [tilespmem:s9], [sflag:$0x5], $0x10000, $0x38;
	[tilespmem:$0x12800] =	vst v63  }
0x25: {  	s20 =	simm.s32 $0x4000;
	_ =	swait.ge [sflag:s7], $0x10000  }
0x26: {  	s19 =	simm.s32 $0x380;
	s18 =	simm.s32 $0x2000;
	[sflag:s7] =	ssyncset.done $0x0  }
.LBB2_2:
0x27: {  	p0 =	sne.s32 s20, $0x26000;
	s21 =	sadd.s32 $0xFFFFFE80, s19;
	[sflag:s7] =	ssyncadd.s32 $0xFFFF0000  }
0x28: {  	[tilespmem:s9], [sflag:$0x1] =	stream.indirect.gather [hbm4b:s3+s8], $0x80, s21, s8, $0xb8;
	[tilespmem:$0x12800] =	vst v63  }
0x29: {  	s22 =	smov.u32 s20;
	s20 =	sadd.s32 $0x2000, s20;
	s21 =	sadd.s32 $0xFFFFFF00, s19  }
0x2a: {  	[tilespmem:s10], [sflag:$0x2] =	stream.indirect.gather [hbm4b:s3+s8], $0x80, s21, s8, $0xb8;
	[tilespmem:$0x12800] =	vst v63  }
0x2b: {  	s21 =	sadd.s32 $0xFFFFFF80, s19  }
0x2c: {  	[tilespmem:s11], [sflag:$0x3] =	stream.indirect.gather [hbm4b:s3+s8], $0x80, s21, s8, $0xb8;
	[tilespmem:$0x12800] =	vst v63  }
0x2d: {  	_ = 	snop  }
0x2e: {  	[tilespmem:s12], [sflag:$0x4] =	stream.indirect.gather [hbm4b:s3+s8], $0x80, s19, s8, $0xb8;
	[tilespmem:$0x12800] =	vst v63  }
0x2f: {  	_ =	swait.ge [sflag:s13], $0x4000  }
0x30: {  	[sflag:s13] =	ssyncset.done $0x0  }
0x31: {  	[sflag:s13] =	ssyncadd.s32 $0xFFFFC000  }
0x32: {  	_ =	swait.ge [sflag:s14], $0x4000  }
0x33: {  	[sflag:s14] =	ssyncset.done $0x0  }
0x34: {  	[sflag:s14] =	ssyncadd.s32 $0xFFFFC000  }
0x35: {  	_ =	swait.ge [sflag:s15], $0x4000  }
0x36: {  	[sflag:s15] =	ssyncset.done $0x0  }
0x37: {  	[sflag:s15] =	ssyncadd.s32 $0xFFFFC000  }
0x38: {  	_ =	swait.ge [sflag:s16], $0x4000  }
.Ltmp0:
0x39: {  	[sflag:s16] =	ssyncset.done $0x0;
	(pc) =	sbr.rel @p0 .LBB2_2-.Ltmp0, $4  }
0x3a: {  	s21 =	sadd.s32 s18, s6;
	s18 =	smov.u32 s22;
	[sflag:s16] =	ssyncadd.s32 $0xFFFFC000  }
0x3b: {  	[hbm4b:s21+s2] =	stream.linear.scatter [tilespmem:s9], [sflag:$0x5], $0x10000, $0x38;
	[tilespmem:$0x12800] =	vst v63  }
0x3c: {  	_ =	swait.ge [sflag:s7], $0x10000  }
0x3d: {  	s19 =	sadd.s32 $0x200, s19;
	[sflag:s7] =	ssyncset.done $0x0  }
0x3e: {  	s20 =	sadd.s32 $0xFFFFFE80, s19;
	[sflag:s7] =	ssyncadd.s32 $0xFFFF0000  }
0x3f: {  	[tilespmem:s9], [sflag:$0x1] =	stream.indirect.gather [hbm4b:s3+s8], $0x80, s20, s8, $0xb8;
	[tilespmem:$0x12800] =	vst v63  }
0x40: {  	s30 =	sadd.s32 $0xFFFFFF00, s19  }
0x41: {  	[tilespmem:s10], [sflag:$0x2] =	stream.indirect.gather [hbm4b:s3+s8], $0x80, s30, s8, $0xb8;
	[tilespmem:$0x12800] =	vst v63  }
0x42: {  	s31 =	sadd.s32 $0xFFFFFF80, s19  }
0x43: {  	[tilespmem:s11], [sflag:$0x3] =	stream.indirect.gather [hbm4b:s3+s8], $0x80, s31, s8, $0xb8;
	[tilespmem:$0x12800] =	vst v63  }
0x44: {  	_ = 	snop  }
0x45: {  	[tilespmem:s12], [sflag:$0x4] =	stream.indirect.gather [hbm4b:s3+s8], $0x80, s19, s8, $0xb8;
	[tilespmem:$0x12800] =	vst v63  }
0x46: {  	_ =	swait.ge [sflag:s13], $0x4000  }
0x47: {  	[sflag:s13] =	ssyncset.done $0x0  }
0x48: {  	[sflag:s13] =	ssyncadd.s32 $0xFFFFC000  }
0x49: {  	_ =	swait.ge [sflag:s14], $0x4000  }
0x4a: {  	[sflag:s14] =	ssyncset.done $0x0  }
0x4b: {  	[sflag:s14] =	ssyncadd.s32 $0xFFFFC000  }
0x4c: {  	_ =	swait.ge [sflag:s15], $0x4000  }
0x4d: {  	[sflag:s15] =	ssyncset.done $0x0  }
0x4e: {  	[sflag:s15] =	ssyncadd.s32 $0xFFFFC000  }
0x4f: {  	s17 =	sadd.s32 $0x1, s17;
	_ =	swait.ge [sflag:s16], $0x4000  }
0x50: {  	p0 =	sne.s32 s17, s5;
	[sflag:s16] =	ssyncset.done $0x0  }
.Ltmp1:
0x51: {  	s18 =	sadd.s32 s18, s6;
	[sflag:s16] =	ssyncadd.s32 $0xFFFFC000;
	(pc) =	sbr.rel @p0 .LBB2_1-.Ltmp1, $4  }
0x52: {  	[hbm4b:s18+s2] =	stream.linear.scatter [tilespmem:s9], [sflag:$0x5], $0x10000, $0x38;
	[tilespmem:$0x12800] =	vst v63  }
0x53: {  	_ =	swait.ge [sflag:s7], $0x10000  }
0x54: {  	[sflag:s7] =	ssyncset.done $0x0  }
0x55: {  	[sflag:s7] =	ssyncadd.s32 $0xFFFF0000  }
0x56: {  	_ =	sfence.sel $0x180000  }
0x57: {  	[bflag:$0x0] =	sbarrier.arrive $0xFFFF  }
0x58: {  	p0 =	sne.s32 s1, $0x0;
	_ =	strace $0x9000004A  }
0x59: {  	s0 =	sadd.s32 @!p0 $0x100000, s0;
	[bflag:$0x2] =	sbarrier.arrive $0xFFFF  }
0x5a: {  	[sflag:s0] =	ssyncadd.tile.s32 @!p0 $0x1;
	_ =	shalt  }
.Lfunc_end2:
_tile_overlayer_lowered:
.L_overlay_start_2:
0x5b: {  	(tag) =	ssettag $0x2  }
0x5c: {  	s0 =	rddreg [dreg:$0x0];
	s2 =	stileid.u32  }
0x5d: {  	s1 =	rddreg [dreg:$0x1];
	p0 =	sne.s32 s2, $0x0  }
0x5e: {  	s3 =	rddreg [dreg:$0x2];
	[bflag:$0x3] =	sbarrier.arrive $0xFFFF;
	s2 =	simm.s32 @!p0 $0x1C05  }
0x5f: {  	[timem:s3], [sflag:s2] =	dma.local @!p0 [hbm:s0], s1  }
0x60: {  	s0 =	simm.s32 @!p0 $0x5  }
0x61: {  	_ =	swait.ge @!p0 [sflag:s0], s1  }
0x62: {  	s1 =	ssub.s32 @!p0 $0x0, s1;
	[sflag:s0] =	ssyncset.done @!p0 $0x0  }
0x63: {  	[sflag:s0] =	ssyncadd.s32 @!p0 s1  }
0x64: {  	[bflag:$0x3] =	sbarrier.arrive $0xFFFF  }
0x65: {  	_ =	shalt  }

// kernel: kernel.17.cloned.1.call-start
scs
__scs_entry_jumppad:
0x0: {  	(pc) =	sbr.rel $0x88, $3  }
0x1: {  	(tag) =	ssettag $0x0;
	lr =	simm.s32 $0x1  }
0x2: {  	[smem:$0x3F8A] =	sst lr;
	_ =	strace $0xD0000000  }
0x3: {  	_ = 	snop  }
0x4: {  	_ = 	snop  }
0x5: {  	_ = 	snop  }
0x6: {  	_ = 	snop  }
0x7: {  	_ = 	snop  }
__scs_overlays_trampoline_lowered:
0x8: {  	[smem:$0x3F99] =	sst s0  }
0x9: {  	[smem:$0x3F9A] =	sst s1  }
0xa: {  	[smem:$0x3F9B] =	sst s2  }
0xb: {  	[smem:$0x3F9C] =	sst s3  }
0xc: {  	[smem:$0x3F9D] =	sst s4  }
0xd: {  	[smem:$0x3F9E] =	sst s5  }
0xe: {  	[smem:$0x3F9F] =	sst s6  }
0xf: {  	[smem:$0x3FA0] =	sst s7  }
0x10: {  	[smem:$0x3FA1] =	sst s8  }
0x11: {  	[smem:$0x3FA2] =	sst s9;
	s0 =	simm.s32 @!p0 $0x0  }
0x12: {  	s1 =	sld [smem:$0x3F88];
	s0 =	simm.s32 @p0 $0x1  }
0x13: {  	[smem:$0x3FA3] =	sst s0;
	s0 =	simm.s32 @!p1 $0x0  }
0x14: {  	s2 =	sld [smem:$0x3F87];
	s0 =	simm.s32 @p1 $0x1  }
0x15: {  	[smem:$0x3FA4] =	sst s0;
	s0 =	simm.s32 @!p2 $0x0  }
0x16: {  	s3 =	sld [smem:$0x3FDB];
	s0 =	simm.s32 @p2 $0x1  }
0x17: {  	s4 =	simm.s32 $0x1BF5;
	[smem:$0x3FA6] =	sst s0  }
0x18: {  	s0 =	sld [smem:$0x3F89];
	_ =	swait.ge [sflag:s4], $0x0  }
0x19: {  	s7 =	sld [smem:$0x3F8A]  }
0x1a: {  	s8 =	sadd.s32 $0xFFFFE003, lr  }
0x1b: {  	s9 =	sadd.s32 $0xFFFFFEF7, lr;
	s5 =	simm.s32 $0xFFFFFFFF;
	p2 =	slt.u32 s8, $0xFFFFF086  }
0x1c: {  	p1 =	slt.u32 s9, $0xF7A;
	s5 =	simm.s32 @!p2 $0x0  }
0x1d: {  	s5 =	simm.s32 @p1 $0x1;
	p0 =	seq.s32 s7, s2  }
0x1e: {  	s7 =	smul.u32 @!p0 $0xF7A, s2;
	p2 =	seq.s32 @!p0 s5, $0x0  }
0x1f: {  	s9 =	smul.u32 $0xF7A, s1;
	s8 =	simm.s32 @!p0 $0x1BF5;
	p2 =	por !p2, p0  }
0x20: {  	[sflag:s8] =	ssyncset.s32 @!p0 $0xFFFFF086;
	s6 =	sadd.s32 @!p0 s3, s7;
	s7 =	simm.s32 @!p0 $0x108  }
0x21: {  	s3 =	sadd.s32 s3, s9;
	s6 =	sadd.s32 @!p0 $0x88, s6;
	s7 =	simm.s32 @p2 $0x1082  }
0x22: {  	[simem:s7], [sflag:s8] =	dma.local @!p0 [hbm:s6], $0xF7A  }
0x23: {  	s9 =	sor.u32 $0xD0000000, s2;
	s6 =	simm.s32 $0x108;
	_ =	swait.ge @!p0 [sflag:s8], $0x0  }
0x24: {  	s3 =	sadd.s32 $0x88, s3;
	s6 =	simm.s32 @!p1 $0x1082;
	[sflag:s4] =	ssyncset.s32 $0xFFFFF086  }
0x25: {  	[simem:s6], [sflag:s4] =	dma.local [hbm:s3], $0xF7A  }
0x26: {  	[smem:$0x3F8A] =	sst s1;
	(tag) =	ssettag s2;
	_ =	strace s9  }
0x27: {  	s1 =	sld [smem:$0x3F9A]  }
0x28: {  	s2 =	sld [smem:$0x3F9B]  }
0x29: {  	s4 =	sld [smem:$0x3F9D]  }
0x2a: {  	p0 =	seq.s32 s5, $0x0;
	s5 =	sld [smem:$0x3F9E]  }
0x2b: {  	s6 =	sld [smem:$0x3F9F]  }
0x2c: {  	s7 =	sld [smem:$0x3FA0]  }
0x2d: {  	s3 =	simm.s32 $0x108;
	s8 =	sld [smem:$0x3FA1]  }
0x2e: {  	s3 =	simm.s32 @!p0 $0x1082;
	s9 =	sld [smem:$0x3FA2]  }
0x2f: {  	lr =	sadd.s32 s0, s3;
	s0 =	sld [smem:$0x3F99]  }
0x30: {  	s3 =	sld [smem:$0x3F9C]  }
0x31: {  	[smem:$0x3FA5] =	sst s10  }
0x32: {  	s10 =	sld [smem:$0x3FA3];
	_ =	sdelay $0x3  }
0x33: {  	p0 =	seq.s32 s10, $0x1;
	s10 =	sld [smem:$0x3FA5];
	_ =	sdelay $0x3  }
0x34: {  	[smem:$0x3FA5] =	sst s10  }
0x35: {  	s10 =	sld [smem:$0x3FA4];
	_ =	sdelay $0x3  }
0x36: {  	p1 =	seq.s32 s10, $0x1;
	s10 =	sld [smem:$0x3FA5];
	_ =	sdelay $0x3  }
0x37: {  	[smem:$0x3FA5] =	sst s10  }
0x38: {  	s10 =	sld [smem:$0x3FA6]  }
0x39: {  	_ = 	snop;
	(pc) =	sbr.ind lr, $3  }
0x3a: {  	_ = 	snop  }
0x3b: {  	_ = 	snop  }
0x3c: {  	p2 =	seq.s32 s10, $0x1;
	s10 =	sld [smem:$0x3FA5]  }
0x3d: {  	_ =	shalt  }
0x3e: {  	_ =	shalt  }
0x3f: {  	_ =	shalt  }
0x40: {  	_ =	shalt  }
0x41: {  	_ =	shalt  }
0x42: {  	_ =	shalt  }
0x43: {  	_ =	shalt  }
0x44: {  	_ =	shalt  }
0x45: {  	_ =	shalt  }
0x46: {  	_ =	shalt  }
0x47: {  	_ =	shalt  }
0x48: {  	_ =	shalt  }
0x49: {  	_ =	shalt  }
0x4a: {  	_ =	shalt  }
0x4b: {  	_ =	shalt  }
0x4c: {  	_ =	shalt  }
0x4d: {  	_ =	shalt  }
0x4e: {  	_ =	shalt  }
0x4f: {  	_ =	shalt  }
0x50: {  	_ =	shalt  }
0x51: {  	_ =	shalt  }
0x52: {  	_ =	shalt  }
0x53: {  	_ =	shalt  }
0x54: {  	_ =	shalt  }
0x55: {  	_ =	shalt  }
0x56: {  	_ =	shalt  }
0x57: {  	_ =	shalt  }
0x58: {  	_ =	shalt  }
0x59: {  	_ =	shalt  }
0x5a: {  	_ =	shalt  }
0x5b: {  	_ =	shalt  }
0x5c: {  	_ =	shalt  }
0x5d: {  	_ =	shalt  }
0x5e: {  	_ =	shalt  }
0x5f: {  	_ =	shalt  }
0x60: {  	_ =	shalt  }
0x61: {  	_ =	shalt  }
0x62: {  	_ =	shalt  }
0x63: {  	_ =	shalt  }
0x64: {  	_ =	shalt  }
0x65: {  	_ =	shalt  }
0x66: {  	_ =	shalt  }
0x67: {  	_ =	shalt  }
0x68: {  	_ =	shalt  }
0x69: {  	_ =	shalt  }
0x6a: {  	_ =	shalt  }
0x6b: {  	_ =	shalt  }
0x6c: {  	_ =	shalt  }
0x6d: {  	_ =	shalt  }
0x6e: {  	_ =	shalt  }
0x6f: {  	_ =	shalt  }
0x70: {  	_ =	shalt  }
0x71: {  	_ =	shalt  }
0x72: {  	_ =	shalt  }
0x73: {  	_ =	shalt  }
0x74: {  	_ =	shalt  }
0x75: {  	_ =	shalt  }
0x76: {  	_ =	shalt  }
0x77: {  	_ =	shalt  }
0x78: {  	_ =	shalt  }
0x79: {  	_ =	shalt  }
0x7a: {  	_ =	shalt  }
0x7b: {  	_ =	shalt  }
0x7c: {  	_ =	shalt  }
0x7d: {  	_ =	shalt  }
0x7e: {  	_ =	shalt  }
0x7f: {  	_ =	shalt  }
0x80: {  	_ =	shalt  }
0x81: {  	_ =	shalt  }
0x82: {  	_ =	shalt  }
0x83: {  	_ =	shalt  }
0x84: {  	_ =	shalt  }
0x85: {  	_ =	shalt  }
0x86: {  	_ =	shalt  }
0x87: {  	_ =	shalt  }
.Lfunc_end0:
.L_simem_size_0:
called_computation.2_lowered:
.L_overlay_start_0:
0x88: {  	s2 =	sld [smem:$0x3FD9]  }
0x89: {  	s3 =	sld [smem:$0x3FFE];
	_ =	sdelay $0x1  }
0x8a: {  	s1 =	srdreg.scid  }
0x8b: {  	s0 =	sand.u32 $0x1, s1  }
0x8c: {  	s17 =	sshll.u32 s0, $0xA;
	s2 =	sadd.s32 s3, s2  }
0x8d: {  	s2 =	sadd.s32 s2, s17  }
0x8e: {  	[smem:$0x3FB1] =	sst s2  }
0x8f: {  	_ = 	snop  }
0x90: {  	(tm) =	ssettm $0x1  }
0x91: {  	s18 =	sld [smem:$0x3FFB];
	_ =	sdelay $0x3  }
0x92: {  	_ =	strace s18  }
0x93: {  	s2 =	sld [smem:$0x3FFC];
	_ =	sdelay $0x3  }
0x94: {  	_ =	strace s2  }
0x95: {  	s2 =	sld [smem:$0x3FFD];
	_ =	sdelay $0x3  }
0x96: {  	_ =	strace s2  }
0x97: {  	_ =	strace $0x8FFFFFFF  }
0x98: {  	s19 =	sld [smem:$0x3FDB];
	_ =	sdelay $0x1  }
0x99: {  	s20 =	simm.s32 $_scs_section_size  }
0x9a: {  	s4 =	simm.s32 $_size__tile_overlayer_lowered;
	s5 =	simm.s32 $_tile_overlayer_lowered  }
0x9b: {  	s6 =	simm.s32 $0x1BFF;
	s21 =	sshll.u32 s5, $0x1;
	s3 =	sadd.s32 s20, s19  }
0x9c: {  	s22 =	simm.s32 $0x0;
	s4 =	sshll.u32 s4, $0x1;
	s5 =	sadd.s32 s21, s3  }
0x9d: {  	[timem:s22], [sflag:s6] =	dma.local [hbm:s5], s4  }
0x9e: {  	_ =	swait.ge [sflag:s6], s4  }
0x9f: {  	s4 =	ssub.s32 $0x0, s4;
	[sflag:s6] =	ssyncset.done $0x0  }
0xa0: {  	[sflag:s6] =	ssyncadd.s32 s4;
	_ =	sdelay $0x1  }
0xa1: {  	s23 =	simm.s32 $0x1B8B  }
0xa2: {  	_ =	swait.ge [sflag:s23], $0x1  }
0xa3: {  	[sflag:s23] =	ssyncset.done $0x0  }
0xa4: {  	[sflag:s23] =	ssyncadd.s32 $0xFFFFFFFF  }
0xa5: {  	s4 =	sld [smem:$0x0]  }
0xa6: {  	s5 =	sand.u32 $0xFFFFFFFE, s1  }
0xa7: {  	p0 =	sne.s32 s1, s5  }
0xa8: {  	s5 =	sshll.u32 @p0 s5, $0xE  }
0xa9: {  	s5 =	sadd.s32 @p0 $0x11B8D, s5;
	s6 =	sshll.u32 @p0 s4, $0x11  }
0xaa: {  	s5 =	sor.u32 @p0 s6, s5  }
0xab: {  	[sflag:s5] =	ssyncadd.remote.s32 @p0 $0x1;
	_ =	sdelay $0x1  }
0xac: {  	s5 =	simm.s32 @p0 $0x1B8D  }
0xad: {  	_ =	swait.eq @p0 [sflag:s5], $0x1  }
0xae: {  	[sflag:s5] =	ssyncadd.s32 @p0 $0xFFFFFFFF  }
0xaf: {  	s6 =	sshll.u32 @!p0 s1, $0xE  }
0xb0: {  	s6 =	sor.u32 @!p0 $0x4000, s6;
	s5 =	simm.s32 @!p0 $0x1B8D  }
0xb1: {  	s4 =	sshll.u32 @!p0 s4, $0x11;
	s6 =	sadd.s32 @!p0 $0x11B8D, s6;
	_ =	swait.eq @!p0 [sflag:s5], $0x1  }
0xb2: {  	s4 =	sor.u32 @!p0 s4, s6;
	[sflag:s5] =	ssyncadd.s32 @!p0 $0xFFFFFFFF  }
0xb3: {  	s25 =	simm.s32 $0x1B8E;
	s24 =	sld [smem:$0x3FFE];
	[sflag:s4] =	ssyncadd.remote.s32 @!p0 $0x1  }
0xb4: {  	s26 =	simm.s32 $execute0_lowered;
	[smem:$0x3FD2] =	sst s25  }
0xb5: {  	s5 =	sshll.u32 s26, $0x1;
	_ =	strace $0x8000004F;
	[dreg:$0x1] =	wrdreg $0xFFFFFFFF  }
0xb6: {  	s28 =	simm.s32 $_size_execute0_lowered;
	s3 =	sadd.s32 s3, s5;
	[dreg:$0x0] =	wrdreg $0x0  }
0xb7: {  	s5 =	sshll.u32 s28, $0x1;
	[dreg:$0x2] =	wrdreg s3  }
0xb8: {  	[dreg:$0x3] =	wrdreg s5  }
0xb9: {  	[dreg:$0x4] =	wrdreg $0xC0  }
0xba: {  	_ =	task [dreg:s22], $0x5FFFF  }
0xbb: {  	[dreg:$0x1] =	wrdreg $0xFFFFFFFF  }
0xbc: {  	[dreg:$0x0] =	wrdreg $0x60  }
0xbd: {  	[dreg:$0x2] =	wrdreg s24  }
0xbe: {  	[dreg:$0x3] =	wrdreg $0x9  }
0xbf: {  	_ =	task.clear_ibuf [dreg:s22], $0x4FFFF;
	_ =	strace $0x9000004F  }
0xc0: {  	s29 =	simm.s32 $0x9;
	_ =	strace $0x80000051  }
0xc1: {  	_ =	swait.ge [sflag:s29], $0x1  }
0xc2: {  	[sflag:s29] =	ssyncadd.s32 $0xFFFFFFFF  }
0xc3: {  	_ =	strace $0x90000051  }
0xc4: {  	_ =	sfence  }
0xc5: {  	s30 =	sld [smem:$0x0];
	_ =	sdelay $0x2  }
0xc6: {  	s31 =	sshll.u32 s1, $0xD;
	s1 =	sshrl.u32 s1, $0x2  }
0xc7: {  	s4 =	sand.u32 $0x4000, s31;
	s1 =	sadd.s32 s1, s30  }
0xc8: {  	s0 =	sor.u32 s4, s0;
	s1 =	sshll.u32 s1, $0x11  }
0xc9: {  	s0 =	sor.u32 s1, s0  }
0xca: {  	s0 =	sadd.s32 $0x8F2B, s0  }
0xcb: {  	[sflag:s0] =	ssyncadd.remote.s32 $0x1  }
0xcc: {  	_ =	sfence.sel $0xFFFF  }
0xcd: {  	[dreg:$0x0] =	wrdreg $0xFFFFFFFF;
	(pc) =	sbr.abs _section_cstart, $3  }
0xce: {  	[dreg:$0x1] =	wrdreg $0xFFFFFFFF  }
0xcf: {  	_ =	task.clear_ibuf [dreg:s22], $0x2FFFF;
	_ =	strace $0x9FFFFFFF  }
0xd0: {  	(tm) =	ssettm $0x7FFFFFFF  }
0xd1: {  	_ =	shalt  }
tec
execute0_lowered:
.L_overlay_start_1:
0x0: {  	(tag) =	ssettag $0x1  }
0x1: {  	s4 =	rddreg [dreg:$0x0];
	s1 =	srdreg.scid  }
0x2: {  	s0 =	rddreg [dreg:$0x1];
	s2 =	simm.s32 $0x0;
	s9 =	simm.s32 $0x2800  }
0x3: {  	s10 =	simm.s32 $0x6800;
	s11 =	simm.s32 $0xA800;
	s12 =	simm.s32 $0xE800  }
0x4: {  	s13 =	simm.s32 $0x1;
	s14 =	simm.s32 $0x2;
	s15 =	simm.s32 $0x3  }
0x5: {  	s16 =	simm.s32 $0x4;
	s17 =	simm.s32 $0x0;
	s3 =	sand.u32 $0x1, s1  }
0x6: {  	s1 =	stileid.u32;
	s5 =	sshll.u32 s3, $0x4;
	s6 =	smul.u32 $0x1400000, s3  }
0x7: {  	[smem:$0x7FF] =	sst s2;
	s7 =	smul.u32 $0x140000, s1;
	s5 =	sor.u32 s1, s5  }
0x8: {  	_ =	strace $0x80000050;
	s8 =	ssub.s32 $0x2, s3;
	s5 =	smul.u32 $0x500, s5  }
0x9: {  	s3 =	sadd.s32 $0x4A200, s4;
	s31 =	sshrl.u32 s8, $0x1;
	s6 =	sadd.s32 s7, s6  }
0xa: {  	s7 =	ssub.s32 s8, s31;
	s6 =	sshrl.u32 s6, $0x3;
	s5 =	sadd.s32 s5, s4  }
0xb: {  	s8 =	simm.s32 $0x80;
	s6 =	sadd.s32 s6, s4;
	s4 =	sadd.s32 $0x598600, s5  }
0xc: {  	s5 =	smax.u32 s7, $0x1;
	s6 =	sadd.s32 $0x71400, s6;
	s7 =	simm.s32 $0x5  }
.LBB2_1:
0xd: {  	[tilespmem:s2], [sflag:$0x5] =	stream.linear.gather [hbm4b:s4+s2], $0x2800, $0x38;
	[tilespmem:$0x12800] =	vst v63  }
0xe: {  	_ =	swait.ge [sflag:s7], $0x2800  }
0xf: {  	[sflag:s7] =	ssyncset.done $0x0  }
0x10: {  	s18 =	simm.s32 $0x0;
	[sflag:s7] =	ssyncadd.s32 $0xFFFFD800  }
0x11: {  	[tilespmem:s9], [sflag:$0x1] =	stream.indirect.gather [hbm4b:s3+s8], $0x80, s18, s8, $0xb8;
	[tilespmem:$0x12800] =	vst v63  }
0x12: {  	s28 =	simm.s32 $0x80  }
0x13: {  	[tilespmem:s10], [sflag:$0x2] =	stream.indirect.gather [hbm4b:s3+s8], $0x80, s28, s8, $0xb8;
	[tilespmem:$0x12800] =	vst v63  }
0x14: {  	s29 =	simm.s32 $0x100  }
0x15: {  	[tilespmem:s11], [sflag:$0x3] =	stream.indirect.gather [hbm4b:s3+s8], $0x80, s29, s8, $0xb8;
	[tilespmem:$0x12800] =	vst v63  }
0x16: {  	s30 =	simm.s32 $0x180  }
0x17: {  	[tilespmem:s12], [sflag:$0x4] =	stream.indirect.gather [hbm4b:s3+s8], $0x80, s30, s8, $0xb8;
	[tilespmem:$0x12800] =	vst v63  }
0x18: {  	_ =	swait.ge [sflag:s13], $0x4000  }
0x19: {  	[sflag:s13] =	ssyncset.done $0x0  }
0x1a: {  	[sflag:s13] =	ssyncadd.s32 $0xFFFFC000  }
0x1b: {  	_ =	swait.ge [sflag:s14], $0x4000  }
0x1c: {  	[sflag:s14] =	ssyncset.done $0x0  }
0x1d: {  	[sflag:s14] =	ssyncadd.s32 $0xFFFFC000  }
0x1e: {  	_ =	swait.ge [sflag:s15], $0x4000  }
0x1f: {  	[sflag:s15] =	ssyncset.done $0x0  }
0x20: {  	[sflag:s15] =	ssyncadd.s32 $0xFFFFC000  }
0x21: {  	_ =	swait.ge [sflag:s16], $0x4000  }
0x22: {  	[sflag:s16] =	ssyncset.done $0x0  }
0x23: {  	s31 =	sadd.s32 $0x0, s6;
	[sflag:s16] =	ssyncadd.s32 $0xFFFFC000  }
0x24: {  	[hbm4b:s31+s2] =	stream.linear.scatter [tilespmem:s9], [sflag:$0x5], $0x10000, $0x38;
	[tilespmem:$0x12800] =	vst v63  }
0x25: {  	s20 =	simm.s32 $0x4000;
	_ =	swait.ge [sflag:s7], $0x10000  }
0x26: {  	s19 =	simm.s32 $0x380;
	s18 =	simm.s32 $0x2000;
	[sflag:s7] =	ssyncset.done $0x0  }
.LBB2_2:
0x27: {  	p0 =	sne.s32 s20, $0x26000;
	s21 =	sadd.s32 $0xFFFFFE80, s19;
	[sflag:s7] =	ssyncadd.s32 $0xFFFF0000  }
0x28: {  	[tilespmem:s9], [sflag:$0x1] =	stream.indirect.gather [hbm4b:s3+s8], $0x80, s21, s8, $0xb8;
	[tilespmem:$0x12800] =	vst v63  }
0x29: {  	s22 =	smov.u32 s20;
	s20 =	sadd.s32 $0x2000, s20;
	s21 =	sadd.s32 $0xFFFFFF00, s19  }
0x2a: {  	[tilespmem:s10], [sflag:$0x2] =	stream.indirect.gather [hbm4b:s3+s8], $0x80, s21, s8, $0xb8;
	[tilespmem:$0x12800] =	vst v63  }
0x2b: {  	s21 =	sadd.s32 $0xFFFFFF80, s19  }
0x2c: {  	[tilespmem:s11], [sflag:$0x3] =	stream.indirect.gather [hbm4b:s3+s8], $0x80, s21, s8, $0xb8;
	[tilespmem:$0x12800] =	vst v63  }
0x2d: {  	_ = 	snop  }
0x2e: {  	[tilespmem:s12], [sflag:$0x4] =	stream.indirect.gather [hbm4b:s3+s8], $0x80, s19, s8, $0xb8;
	[tilespmem:$0x12800] =	vst v63  }
0x2f: {  	_ =	swait.ge [sflag:s13], $0x4000  }
0x30: {  	[sflag:s13] =	ssyncset.done $0x0  }
0x31: {  	[sflag:s13] =	ssyncadd.s32 $0xFFFFC000  }
0x32: {  	_ =	swait.ge [sflag:s14], $0x4000  }
0x33: {  	[sflag:s14] =	ssyncset.done $0x0  }
0x34: {  	[sflag:s14] =	ssyncadd.s32 $0xFFFFC000  }
0x35: {  	_ =	swait.ge [sflag:s15], $0x4000  }
0x36: {  	[sflag:s15] =	ssyncset.done $0x0  }
0x37: {  	[sflag:s15] =	ssyncadd.s32 $0xFFFFC000  }
0x38: {  	_ =	swait.ge [sflag:s16], $0x4000  }
.Ltmp0:
0x39: {  	[sflag:s16] =	ssyncset.done $0x0;
	(pc) =	sbr.rel @p0 .LBB2_2-.Ltmp0, $4  }
0x3a: {  	s21 =	sadd.s32 s18, s6;
	s18 =	smov.u32 s22;
	[sflag:s16] =	ssyncadd.s32 $0xFFFFC000  }
0x3b: {  	[hbm4b:s21+s2] =	stream.linear.scatter [tilespmem:s9], [sflag:$0x5], $0x10000, $0x38;
	[tilespmem:$0x12800] =	vst v63  }
0x3c: {  	_ =	swait.ge [sflag:s7], $0x10000  }
0x3d: {  	s19 =	sadd.s32 $0x200, s19;
	[sflag:s7] =	ssyncset.done $0x0  }
0x3e: {  	s20 =	sadd.s32 $0xFFFFFE80, s19;
	[sflag:s7] =	ssyncadd.s32 $0xFFFF0000  }
0x3f: {  	[tilespmem:s9], [sflag:$0x1] =	stream.indirect.gather [hbm4b:s3+s8], $0x80, s20, s8, $0xb8;
	[tilespmem:$0x12800] =	vst v63  }
0x40: {  	s30 =	sadd.s32 $0xFFFFFF00, s19  }
0x41: {  	[tilespmem:s10], [sflag:$0x2] =	stream.indirect.gather [hbm4b:s3+s8], $0x80, s30, s8, $0xb8;
	[tilespmem:$0x12800] =	vst v63  }
0x42: {  	s31 =	sadd.s32 $0xFFFFFF80, s19  }
0x43: {  	[tilespmem:s11], [sflag:$0x3] =	stream.indirect.gather [hbm4b:s3+s8], $0x80, s31, s8, $0xb8;
	[tilespmem:$0x12800] =	vst v63  }
0x44: {  	_ = 	snop  }
0x45: {  	[tilespmem:s12], [sflag:$0x4] =	stream.indirect.gather [hbm4b:s3+s8], $0x80, s19, s8, $0xb8;
	[tilespmem:$0x12800] =	vst v63  }
0x46: {  	_ =	swait.ge [sflag:s13], $0x4000  }
0x47: {  	[sflag:s13] =	ssyncset.done $0x0  }
0x48: {  	[sflag:s13] =	ssyncadd.s32 $0xFFFFC000  }
0x49: {  	_ =	swait.ge [sflag:s14], $0x4000  }
0x4a: {  	[sflag:s14] =	ssyncset.done $0x0  }
0x4b: {  	[sflag:s14] =	ssyncadd.s32 $0xFFFFC000  }
0x4c: {  	_ =	swait.ge [sflag:s15], $0x4000  }
0x4d: {  	[sflag:s15] =	ssyncset.done $0x0  }
0x4e: {  	[sflag:s15] =	ssyncadd.s32 $0xFFFFC000  }
0x4f: {  	s17 =	sadd.s32 $0x1, s17;
	_ =	swait.ge [sflag:s16], $0x4000  }
0x50: {  	p0 =	sne.s32 s17, s5;
	[sflag:s16] =	ssyncset.done $0x0  }
.Ltmp1:
0x51: {  	s18 =	sadd.s32 s18, s6;
	[sflag:s16] =	ssyncadd.s32 $0xFFFFC000;
	(pc) =	sbr.rel @p0 .LBB2_1-.Ltmp1, $4  }
0x52: {  	[hbm4b:s18+s2] =	stream.linear.scatter [tilespmem:s9], [sflag:$0x5], $0x10000, $0x38;
	[tilespmem:$0x12800] =	vst v63  }
0x53: {  	_ =	swait.ge [sflag:s7], $0x10000  }
0x54: {  	[sflag:s7] =	ssyncset.done $0x0  }
0x55: {  	[sflag:s7] =	ssyncadd.s32 $0xFFFF0000  }
0x56: {  	_ =	sfence.sel $0x180000  }
0x57: {  	[bflag:$0x0] =	sbarrier.arrive $0xFFFF  }
0x58: {  	p0 =	sne.s32 s1, $0x0;
	_ =	strace $0x90000050  }
0x59: {  	s0 =	sadd.s32 @!p0 $0x100000, s0;
	[bflag:$0x2] =	sbarrier.arrive $0xFFFF  }
0x5a: {  	[sflag:s0] =	ssyncadd.tile.s32 @!p0 $0x1;
	_ =	shalt  }
.Lfunc_end2:
_tile_overlayer_lowered:
.L_overlay_start_2:
0x5b: {  	(tag) =	ssettag $0x2  }
0x5c: {  	s0 =	rddreg [dreg:$0x0];
	s2 =	stileid.u32  }
0x5d: {  	s1 =	rddreg [dreg:$0x1];
	p0 =	sne.s32 s2, $0x0  }
0x5e: {  	s3 =	rddreg [dreg:$0x2];
	[bflag:$0x3] =	sbarrier.arrive $0xFFFF;
	s2 =	simm.s32 @!p0 $0x1C05  }
0x5f: {  	[timem:s3], [sflag:s2] =	dma.local @!p0 [hbm:s0], s1  }
0x60: {  	s0 =	simm.s32 @!p0 $0x5  }
0x61: {  	_ =	swait.ge @!p0 [sflag:s0], s1  }
0x62: {  	s1 =	ssub.s32 @!p0 $0x0, s1;
	[sflag:s0] =	ssyncset.done @!p0 $0x0  }
0x63: {  	[sflag:s0] =	ssyncadd.s32 @!p0 s1  }
0x64: {  	[bflag:$0x3] =	sbarrier.arrive $0xFFFF  }
0x65: {  	_ =	shalt  }

// kernel: kernel.20.cloned.1.call-start
scs
__scs_entry_jumppad:
0x0: {  	(pc) =	sbr.rel $0x88, $3  }
0x1: {  	(tag) =	ssettag $0x0;
	lr =	simm.s32 $0x1  }
0x2: {  	[smem:$0x3F8A] =	sst lr;
	_ =	strace $0xD0000000  }
0x3: {  	_ = 	snop  }
0x4: {  	_ = 	snop  }
0x5: {  	_ = 	snop  }
0x6: {  	_ = 	snop  }
0x7: {  	_ = 	snop  }
__scs_overlays_trampoline_lowered:
0x8: {  	[smem:$0x3F99] =	sst s0  }
0x9: {  	[smem:$0x3F9A] =	sst s1  }
0xa: {  	[smem:$0x3F9B] =	sst s2  }
0xb: {  	[smem:$0x3F9C] =	sst s3  }
0xc: {  	[smem:$0x3F9D] =	sst s4  }
0xd: {  	[smem:$0x3F9E] =	sst s5  }
0xe: {  	[smem:$0x3F9F] =	sst s6  }
0xf: {  	[smem:$0x3FA0] =	sst s7  }
0x10: {  	[smem:$0x3FA1] =	sst s8  }
0x11: {  	[smem:$0x3FA2] =	sst s9;
	s0 =	simm.s32 @!p0 $0x0  }
0x12: {  	s1 =	sld [smem:$0x3F88];
	s0 =	simm.s32 @p0 $0x1  }
0x13: {  	[smem:$0x3FA3] =	sst s0;
	s0 =	simm.s32 @!p1 $0x0  }
0x14: {  	s2 =	sld [smem:$0x3F87];
	s0 =	simm.s32 @p1 $0x1  }
0x15: {  	[smem:$0x3FA4] =	sst s0;
	s0 =	simm.s32 @!p2 $0x0  }
0x16: {  	s3 =	sld [smem:$0x3FDB];
	s0 =	simm.s32 @p2 $0x1  }
0x17: {  	s4 =	simm.s32 $0x1BF5;
	[smem:$0x3FA6] =	sst s0  }
0x18: {  	s0 =	sld [smem:$0x3F89];
	_ =	swait.ge [sflag:s4], $0x0  }
0x19: {  	s7 =	sld [smem:$0x3F8A]  }
0x1a: {  	s8 =	sadd.s32 $0xFFFFE003, lr  }
0x1b: {  	s9 =	sadd.s32 $0xFFFFFEF7, lr;
	s5 =	simm.s32 $0xFFFFFFFF;
	p2 =	slt.u32 s8, $0xFFFFF086  }
0x1c: {  	p1 =	slt.u32 s9, $0xF7A;
	s5 =	simm.s32 @!p2 $0x0  }
0x1d: {  	s5 =	simm.s32 @p1 $0x1;
	p0 =	seq.s32 s7, s2  }
0x1e: {  	s7 =	smul.u32 @!p0 $0xF7A, s2;
	p2 =	seq.s32 @!p0 s5, $0x0  }
0x1f: {  	s9 =	smul.u32 $0xF7A, s1;
	s8 =	simm.s32 @!p0 $0x1BF5;
	p2 =	por !p2, p0  }
0x20: {  	[sflag:s8] =	ssyncset.s32 @!p0 $0xFFFFF086;
	s6 =	sadd.s32 @!p0 s3, s7;
	s7 =	simm.s32 @!p0 $0x108  }
0x21: {  	s3 =	sadd.s32 s3, s9;
	s6 =	sadd.s32 @!p0 $0x88, s6;
	s7 =	simm.s32 @p2 $0x1082  }
0x22: {  	[simem:s7], [sflag:s8] =	dma.local @!p0 [hbm:s6], $0xF7A  }
0x23: {  	s9 =	sor.u32 $0xD0000000, s2;
	s6 =	simm.s32 $0x108;
	_ =	swait.ge @!p0 [sflag:s8], $0x0  }
0x24: {  	s3 =	sadd.s32 $0x88, s3;
	s6 =	simm.s32 @!p1 $0x1082;
	[sflag:s4] =	ssyncset.s32 $0xFFFFF086  }
0x25: {  	[simem:s6], [sflag:s4] =	dma.local [hbm:s3], $0xF7A  }
0x26: {  	[smem:$0x3F8A] =	sst s1;
	(tag) =	ssettag s2;
	_ =	strace s9  }
0x27: {  	s1 =	sld [smem:$0x3F9A]  }
0x28: {  	s2 =	sld [smem:$0x3F9B]  }
0x29: {  	s4 =	sld [smem:$0x3F9D]  }
0x2a: {  	p0 =	seq.s32 s5, $0x0;
	s5 =	sld [smem:$0x3F9E]  }
0x2b: {  	s6 =	sld [smem:$0x3F9F]  }
0x2c: {  	s7 =	sld [smem:$0x3FA0]  }
0x2d: {  	s3 =	simm.s32 $0x108;
	s8 =	sld [smem:$0x3FA1]  }
0x2e: {  	s3 =	simm.s32 @!p0 $0x1082;
	s9 =	sld [smem:$0x3FA2]  }
0x2f: {  	lr =	sadd.s32 s0, s3;
	s0 =	sld [smem:$0x3F99]  }
0x30: {  	s3 =	sld [smem:$0x3F9C]  }
0x31: {  	[smem:$0x3FA5] =	sst s10  }
0x32: {  	s10 =	sld [smem:$0x3FA3];
	_ =	sdelay $0x3  }
0x33: {  	p0 =	seq.s32 s10, $0x1;
	s10 =	sld [smem:$0x3FA5];
	_ =	sdelay $0x3  }
0x34: {  	[smem:$0x3FA5] =	sst s10  }
0x35: {  	s10 =	sld [smem:$0x3FA4];
	_ =	sdelay $0x3  }
0x36: {  	p1 =	seq.s32 s10, $0x1;
	s10 =	sld [smem:$0x3FA5];
	_ =	sdelay $0x3  }
0x37: {  	[smem:$0x3FA5] =	sst s10  }
0x38: {  	s10 =	sld [smem:$0x3FA6]  }
0x39: {  	_ = 	snop;
	(pc) =	sbr.ind lr, $3  }
0x3a: {  	_ = 	snop  }
0x3b: {  	_ = 	snop  }
0x3c: {  	p2 =	seq.s32 s10, $0x1;
	s10 =	sld [smem:$0x3FA5]  }
0x3d: {  	_ =	shalt  }
0x3e: {  	_ =	shalt  }
0x3f: {  	_ =	shalt  }
0x40: {  	_ =	shalt  }
0x41: {  	_ =	shalt  }
0x42: {  	_ =	shalt  }
0x43: {  	_ =	shalt  }
0x44: {  	_ =	shalt  }
0x45: {  	_ =	shalt  }
0x46: {  	_ =	shalt  }
0x47: {  	_ =	shalt  }
0x48: {  	_ =	shalt  }
0x49: {  	_ =	shalt  }
0x4a: {  	_ =	shalt  }
0x4b: {  	_ =	shalt  }
0x4c: {  	_ =	shalt  }
0x4d: {  	_ =	shalt  }
0x4e: {  	_ =	shalt  }
0x4f: {  	_ =	shalt  }
0x50: {  	_ =	shalt  }
0x51: {  	_ =	shalt  }
0x52: {  	_ =	shalt  }
0x53: {  	_ =	shalt  }
0x54: {  	_ =	shalt  }
0x55: {  	_ =	shalt  }
0x56: {  	_ =	shalt  }
0x57: {  	_ =	shalt  }
0x58: {  	_ =	shalt  }
0x59: {  	_ =	shalt  }
0x5a: {  	_ =	shalt  }
0x5b: {  	_ =	shalt  }
0x5c: {  	_ =	shalt  }
0x5d: {  	_ =	shalt  }
0x5e: {  	_ =	shalt  }
0x5f: {  	_ =	shalt  }
0x60: {  	_ =	shalt  }
0x61: {  	_ =	shalt  }
0x62: {  	_ =	shalt  }
0x63: {  	_ =	shalt  }
0x64: {  	_ =	shalt  }
0x65: {  	_ =	shalt  }
0x66: {  	_ =	shalt  }
0x67: {  	_ =	shalt  }
0x68: {  	_ =	shalt  }
0x69: {  	_ =	shalt  }
0x6a: {  	_ =	shalt  }
0x6b: {  	_ =	shalt  }
0x6c: {  	_ =	shalt  }
0x6d: {  	_ =	shalt  }
0x6e: {  	_ =	shalt  }
0x6f: {  	_ =	shalt  }
0x70: {  	_ =	shalt  }
0x71: {  	_ =	shalt  }
0x72: {  	_ =	shalt  }
0x73: {  	_ =	shalt  }
0x74: {  	_ =	shalt  }
0x75: {  	_ =	shalt  }
0x76: {  	_ =	shalt  }
0x77: {  	_ =	shalt  }
0x78: {  	_ =	shalt  }
0x79: {  	_ =	shalt  }
0x7a: {  	_ =	shalt  }
0x7b: {  	_ =	shalt  }
0x7c: {  	_ =	shalt  }
0x7d: {  	_ =	shalt  }
0x7e: {  	_ =	shalt  }
0x7f: {  	_ =	shalt  }
0x80: {  	_ =	shalt  }
0x81: {  	_ =	shalt  }
0x82: {  	_ =	shalt  }
0x83: {  	_ =	shalt  }
0x84: {  	_ =	shalt  }
0x85: {  	_ =	shalt  }
0x86: {  	_ =	shalt  }
0x87: {  	_ =	shalt  }
.Lfunc_end0:
.L_simem_size_0:
called_computation.3_lowered:
.L_overlay_start_0:
0x88: {  	s2 =	sld [smem:$0x3FD9]  }
0x89: {  	s3 =	sld [smem:$0x3FFE];
	_ =	sdelay $0x1  }
0x8a: {  	s1 =	srdreg.scid  }
0x8b: {  	s0 =	sand.u32 $0x1, s1  }
0x8c: {  	s16 =	sshll.u32 s0, $0xA;
	s2 =	sadd.s32 s3, s2  }
0x8d: {  	s2 =	sadd.s32 s2, s16  }
0x8e: {  	[smem:$0x3FB1] =	sst s2  }
0x8f: {  	_ = 	snop  }
0x90: {  	(tm) =	ssettm $0x1  }
0x91: {  	s17 =	sld [smem:$0x3FFB];
	_ =	sdelay $0x3  }
0x92: {  	_ =	strace s17  }
0x93: {  	s2 =	sld [smem:$0x3FFC];
	_ =	sdelay $0x3  }
0x94: {  	_ =	strace s2  }
0x95: {  	s2 =	sld [smem:$0x3FFD];
	_ =	sdelay $0x3  }
0x96: {  	_ =	strace s2  }
0x97: {  	_ =	strace $0x8FFFFFFF  }
0x98: {  	s18 =	sld [smem:$0x3FDB];
	_ =	sdelay $0x1  }
0x99: {  	s19 =	simm.s32 $_scs_section_size  }
0x9a: {  	s4 =	simm.s32 $_size__tile_overlayer_lowered;
	s5 =	simm.s32 $_tile_overlayer_lowered  }
0x9b: {  	s22 =	simm.s32 $0x1BFF;
	s21 =	sshll.u32 s5, $0x1;
	s2 =	sadd.s32 s19, s18  }
0x9c: {  	s6 =	simm.s32 $0x0;
	s20 =	sshll.u32 s4, $0x1;
	s4 =	sadd.s32 s21, s2  }
0x9d: {  	[timem:s6], [sflag:s22] =	dma.local [hbm:s4], s20  }
0x9e: {  	_ =	swait.ge [sflag:s22], s20  }
0x9f: {  	s3 =	ssub.s32 $0x0, s20;
	[sflag:s22] =	ssyncset.done $0x0  }
0xa0: {  	[sflag:s22] =	ssyncadd.s32 s3;
	_ =	sdelay $0x1  }
0xa1: {  	s23 =	simm.s32 $0x1B8B  }
0xa2: {  	_ =	swait.ge [sflag:s23], $0x1  }
0xa3: {  	[sflag:s23] =	ssyncset.done $0x0  }
0xa4: {  	s25 =	simm.s32 $0x1B8E;
	s24 =	sld [smem:$0x3FFE];
	[sflag:s23] =	ssyncadd.s32 $0xFFFFFFFF  }
0xa5: {  	s26 =	simm.s32 $execute0_lowered;
	[smem:$0x3FD2] =	sst s25  }
0xa6: {  	s4 =	sshll.u32 s26, $0x1;
	_ =	strace $0x8000004C;
	[dreg:$0x1] =	wrdreg $0xFFFFFFFF  }
0xa7: {  	s28 =	simm.s32 $_size_execute0_lowered;
	s2 =	sadd.s32 s2, s4;
	[dreg:$0x0] =	wrdreg $0x0  }
0xa8: {  	s4 =	sshll.u32 s28, $0x1;
	[dreg:$0x2] =	wrdreg s2  }
0xa9: {  	[dreg:$0x3] =	wrdreg s4  }
0xaa: {  	[dreg:$0x4] =	wrdreg $0xC0  }
0xab: {  	_ =	task [dreg:s6], $0x5FFFF  }
0xac: {  	[dreg:$0x1] =	wrdreg $0xFFFFFFFF  }
0xad: {  	[dreg:$0x0] =	wrdreg $0x60  }
0xae: {  	[dreg:$0x2] =	wrdreg s24  }
0xaf: {  	[dreg:$0x3] =	wrdreg $0x110000  }
0xb0: {  	[dreg:$0x4] =	wrdreg $0xA  }
0xb1: {  	_ =	task.clear_ibuf [dreg:s6], $0x5FFFF;
	_ =	strace $0x9000004C  }
0xb2: {  	s29 =	simm.s32 $0xA;
	_ =	strace $0x8000004E  }
0xb3: {  	_ =	swait.ge [sflag:s29], $0x1  }
0xb4: {  	[sflag:s29] =	ssyncadd.s32 $0xFFFFFFFF  }
0xb5: {  	_ =	strace $0x9000004E  }
0xb6: {  	_ =	sfence  }
0xb7: {  	s30 =	sld [smem:$0x0];
	_ =	sdelay $0x2  }
0xb8: {  	s31 =	sshll.u32 s1, $0xD;
	s1 =	sshrl.u32 s1, $0x2  }
0xb9: {  	s3 =	sand.u32 $0x4000, s31;
	s1 =	sadd.s32 s1, s30  }
0xba: {  	s0 =	sor.u32 s3, s0;
	s1 =	sshll.u32 s1, $0x11  }
0xbb: {  	s0 =	sor.u32 s1, s0  }
0xbc: {  	s0 =	sadd.s32 $0x8F2B, s0  }
0xbd: {  	[sflag:s0] =	ssyncadd.remote.s32 $0x1  }
0xbe: {  	_ =	sfence.sel $0xFFFF  }
0xbf: {  	[dreg:$0x0] =	wrdreg $0xFFFFFFFF;
	(pc) =	sbr.abs _section_cstart, $3  }
0xc0: {  	[dreg:$0x1] =	wrdreg $0xFFFFFFFF  }
0xc1: {  	_ =	task.clear_ibuf [dreg:s6], $0x2FFFF;
	_ =	strace $0x9FFFFFFF  }
0xc2: {  	(tm) =	ssettm $0x7FFFFFFF  }
0xc3: {  	_ =	shalt  }
tec
execute0_lowered:
.L_overlay_start_1:
0x0: {  	(tag) =	ssettag $0x1  }
0x1: {  	s0 =	rddreg [dreg:$0x0];
	s14 =	stileid.u32  }
0x2: {  	s1 =	rddreg [dreg:$0x1];
	s4 =	smul.u32 $0x140, s14  }
0x3: {  	s3 =	simm.s32 $0x0;
	s2 =	srdreg.scid;
	s5 =	smul.u32 $0x30000, s14  }
0x4: {  	s28 =	simm.s32 $0xD000;
	s29 =	simm.s32 $0x3;
	s17 =	smul.u32 $0xA00, s14  }
0x5: {  	s30 =	simm.s32 $0x5000;
	s31 =	simm.s32 $0x1;
	s10 =	smul.u32 $0x280000, s14  }
0x6: {  	[smem:$0x7FF] =	sst s3;
	s2 =	sand.u32 $0x1, s2;
	s19 =	smul.u32 $0x28000, s14  }
0x7: {  	s8 =	sadd.s32 $0xAA2600, s0;
	s9 =	sadd.s32 $0xF000, s0;
	s26 =	smul.u32 $0x50000, s14  }
0x8: {  	s7 =	sadd.s32 $0x5200, s0;
	s11 =	sshllo.u32 s14, $0x1;
	s6 =	smul.u32 $0x1400, s2  }
0x9: {  	_ =	strace $0x8000004D;
	[dreg:$0x3] =	wrdreg s7;
	s13 =	smul.u32 $0x500, s11  }
0xa: {  	s2 =	ssub.s32 $0x2, s2;
	s18 =	smul.u32 $0x140000, s11;
	s11 =	simm.s32 $0x0  }
0xb: {  	s12 =	sshrl.u32 s2, $0x1;
	s5 =	sshrl.u32 s5, $0x2;
	s10 =	sshrl.u32 s10, $0x3  }
0xc: {  	s7 =	sadd.s32 s9, s17;
	s20 =	sshrl.u32 s19, $0x2;
	s4 =	sadd.s32 s4, s6  }
0xd: {  	s2 =	ssub.s32 s2, s12;
	s5 =	sadd.s32 s5, s1;
	[dreg:$0x4] =	wrdreg s7  }
0xe: {  	s7 =	sadd.s32 s8, s10;
	s9 =	sadd.s32 s9, s13;
	s10 =	sadd.s32 s20, s1  }
0xf: {  	v0 =	vmov s6;
	s6 =	simm.s32 $0x4F00;
	[dreg:$0x5] =	wrdreg s9;
	s2 =	smax.u32 s2, $0x1  }
0x10: {  	s4 =	sshll.u32 s4, $0x4;
	s22 =	sadd.s32 $0x4000, s5;
	[dreg:$0x6] =	wrdreg s2  }
0x11: {  	s23 =	sadd.s32 $0x8000, s5;
	s24 =	sadd.s32 $0x27800, s7;
	[dreg:$0x8] =	wrdreg s22  }
0x12: {  	s17 =	sadd.s32 $0x2000, s10;
	s19 =	sadd.s32 $0x4000, s10;
	[dreg:$0x9] =	wrdreg s23  }
0x13: {  	s0 =	sadd.s32 s4, s0;
	s4 =	sshrl.u32 s18, $0x3;
	[dreg:$0xa] =	wrdreg s24  }
0x14: {  	s2 =	sadd.s32 s26, s8;
	s26 =	sadd.s32 $0x8000, s10;
	s25 =	sadd.s32 $0x5A2600, s0  }
0x15: {  	s9 =	sadd.s32 s8, s4;
	s18 =	sadd.s32 $0x5A2A00, s0;
	s20 =	sadd.s32 $0x5A2E00, s0  }
0x16: {  	s22 =	sadd.s32 $0x5A3600, s0;
	s23 =	sadd.s32 $0x1000, s2;
	s24 =	sadd.s32 $0x29000, s2  }
0x17: {  	s2 =	simm.s32 $0x80;
	s4 =	simm.s32 $0x2;
	s8 =	simm.s32 $0x4F80  }
0x18: {  	s21 =	sadd.s32 $0x27800, s9;
	[dreg:$0xb] =	wrdreg s25;
	s25 =	sadd.s32 $0x6000, s10  }
0x19: {  	[dreg:$0x7] =	wrdreg s21;
	s21 =	sadd.s32 $0x5A3200, s0;
	s0 =	simm.s32 $0x9000  }
.LBB2_1:
0x1a: {  	s12 =	rddreg [dreg:$0x3]  }
0x1b: {  	[tilespmem:s28], [sflag:$0x3] =	stream.linear.gather [hbm4b:s12+s3], $0x4000, $0x38;
	[tilespmem:$0x1D000] =	vst v63  }
0x1c: {  	_ =	swait.ge [sflag:s29], $0x4000  }
0x1d: {  	[sflag:s29] =	ssyncset.done $0x0  }
0x1e: {  	[sflag:s29] =	ssyncadd.s32 $0xFFFFC000  }
0x1f: {  	[spmem:s5] =	stream.linear.scatter [tilespmem:s28], [sflag:$0x3], $0x4000, $0x38;
	[tilespmem:$0x1D000] =	vst v63  }
0x20: {  	_ =	swait.ge [sflag:s29], $0x4000  }
0x21: {  	[sflag:s29] =	ssyncset.done $0x0  }
0x22: {  	s14 =	rddreg [dreg:$0x8];
	[sflag:s29] =	ssyncadd.s32 $0xFFFFC000  }
0x23: {  	[spmem:s14] =	stream.linear.scatter [tilespmem:s28], [sflag:$0x3], $0x4000, $0x38;
	[tilespmem:$0x1D000] =	vst v63  }
0x24: {  	_ =	swait.ge [sflag:s29], $0x4000  }
0x25: {  	[sflag:s29] =	ssyncset.done $0x0  }
0x26: {  	s15 =	rddreg [dreg:$0x9];
	[sflag:s29] =	ssyncadd.s32 $0xFFFFC000  }
0x27: {  	[spmem:s15] =	stream.linear.scatter [tilespmem:s28], [sflag:$0x3], $0x4000, $0x38;
	[tilespmem:$0x1D000] =	vst v63  }
0x28: {  	_ =	swait.ge [sflag:s29], $0x4000  }
0x29: {  	[sflag:s29] =	ssyncset.done $0x0  }
0x2a: {  	[sflag:s29] =	ssyncadd.s32 $0xFFFFC000  }
0x2b: {  	[bflag:$0x0] =	sbarrier.arrive $0xFFFF  }
0x2c: {  	s16 =	rddreg [dreg:$0x4]  }
0x2d: {  	[tilespmem:s3], [sflag:$0x3] =	stream.linear.gather [hbm4b:s16+s3], $0x2800, $0x38;
	[tilespmem:$0x1D000] =	vst v63  }
0x2e: {  	_ =	swait.ge [sflag:s29], $0x2800  }
0x2f: {  	[sflag:s29] =	ssyncset.done $0x0  }
0x30: {  	s12 =	simm.s32 $0x0;
	[sflag:s29] =	ssyncadd.s32 $0xFFFFD800  }
0x31: {  	s13 =	simm.s32 $0x40;
	v1 =	vld [tilespmem:s12+$0x0]  }
.LBB2_2:
0x32: {  	_ =	sdelay $0x1  }
0x33: {  	p0 =	sne.s32 s13, $0x9FC0  }
.Ltmp0:
0x34: {  	_ = 	snop;
	(pc) =	sbr.rel @p0 .LBB2_2-.Ltmp0, $4  }
0x35: {  	v2 =	vsub.s32 v1, v0  }
0x36: {  	vm0 =	vlt.u32 v2, $0x1400  }
0x37: {  	s14 =	sshra.s32 s13, $0x2;
	v2 =	vnsel vm0, $0x17FF, v2  }
0x38: {  	s13 =	sadd.s32 $0x40, s13;
	v1 =	vld [tilespmem:s14+$0x0];
	[tilespmem:s12+$0x2800] =	vst v2;
	s12 =	smov.u32 s14  }
0x39: {  	_ =	sdelay $0x3  }
0x3a: {  	v1 =	vsub.s32 v1, v0  }
0x3b: {  	vm0 =	vlt.u32 v1, $0x1400  }
0x3c: {  	v1 =	vnsel vm0, $0x17FF, v1  }
0x3d: {  	s13 =	simm.s32 $0x0;
	[tilespmem:s12+$0x2800] =	vst v1  }
0x3e: {  	[tilespmem:s30], [sflag:$0x1] =	stream.linear.gather [hbm4b:s7+s13], $0x4000, $0x38;
	[tilespmem:$0x1D000] =	vst v63  }
0x3f: {  	_ =	swait.ge [sflag:s31], $0x4000  }
0x40: {  	[sflag:s31] =	ssyncset.done $0x0  }
0x41: {  	s14 =	sadd.s32 $0xFFFFF800, s23;
	[sflag:s31] =	ssyncadd.s32 $0xFFFFC000  }
0x42: {  	[tilespmem:s0], [sflag:$0x2] =	stream.linear.gather [hbm4b:s14+s3], $0x4000, $0x38;
	[tilespmem:$0x1D000] =	vst v63  }
0x43: {  	s15 =	simm.s32 $0x2800  }
0x44: {  	[spmem:s1] =	stream.indirect.scatter.add.f32 [tilespmem:s30], [sflag:$0x3], $0x80, s15, s2, $0xb8;
	[tilespmem:$0x1D000] =	vst v63  }
0x45: {  	_ =	swait.ge [sflag:s29], $0x4000  }
0x46: {  	[sflag:s29] =	ssyncset.done $0x0  }
0x47: {  	[sflag:s29] =	ssyncadd.s32 $0xFFFFC000  }
0x48: {  	_ =	swait.ge [sflag:s4], $0x4000  }
0x49: {  	[sflag:s4] =	ssyncset.done $0x0  }
0x4a: {  	[sflag:s4] =	ssyncadd.s32 $0xFFFFC000  }
0x4b: {  	[tilespmem:s30], [sflag:$0x1] =	stream.linear.gather [hbm4b:s23+s3], $0x4000, $0x38;
	[tilespmem:$0x1D000] =	vst v63  }
0x4c: {  	s16 =	simm.s32 $0x2880  }
0x4d: {  	[spmem:s1] =	stream.indirect.scatter.add.f32 [tilespmem:s0], [sflag:$0x3], $0x80, s16, s2, $0xb8;
	[tilespmem:$0x1D000] =	vst v63  }
0x4e: {  	_ =	swait.ge [sflag:s29], $0x4000  }
0x4f: {  	[sflag:s29] =	ssyncset.done $0x0  }
0x50: {  	[sflag:s29] =	ssyncadd.s32 $0xFFFFC000  }
0x51: {  	s12 =	sadd.s32 $0x1000, s23;
	_ =	swait.ge [sflag:s31], $0x4000  }
0x52: {  	s13 =	simm.s32 $0x400;
	s14 =	simm.s32 $0x800;
	[sflag:s31] =	ssyncset.done $0x0  }
.LBB2_4:
0x53: {  	s15 =	sadd.s32 $0xFFFFF800, s12  }
0x54: {  	s16 =	sshra.s32 s13, $0x2;
	[sflag:s31] =	ssyncadd.s32 $0xFFFFC000;
	s13 =	smov.u32 s14  }
0x55: {  	[tilespmem:s0], [sflag:$0x2] =	stream.linear.gather [hbm4b:s15+s3], $0x4000, $0x38;
	[tilespmem:$0x1D000] =	vst v63  }
0x56: {  	p0 =	sne.s32 s14, $0x9800;
	s14 =	sadd.s32 $0x400, s14;
	s15 =	sadd.s32 $0x2800, s16  }
0x57: {  	[spmem:s1] =	stream.indirect.scatter.add.f32 [tilespmem:s30], [sflag:$0x3], $0x80, s15, s2, $0xb8;
	[tilespmem:$0x1D000] =	vst v63  }
0x58: {  	_ =	swait.ge [sflag:s29], $0x4000  }
0x59: {  	[sflag:s29] =	ssyncset.done $0x0  }
0x5a: {  	[sflag:s29] =	ssyncadd.s32 $0xFFFFC000  }
0x5b: {  	_ =	swait.ge [sflag:s4], $0x4000  }
0x5c: {  	[sflag:s4] =	ssyncset.done $0x0  }
0x5d: {  	[sflag:s4] =	ssyncadd.s32 $0xFFFFC000  }
0x5e: {  	[tilespmem:s30], [sflag:$0x1] =	stream.linear.gather [hbm4b:s12+s3], $0x4000, $0x38;
	[tilespmem:$0x1D000] =	vst v63  }
0x5f: {  	s15 =	sadd.s32 $0x2880, s16  }
0x60: {  	[spmem:s1] =	stream.indirect.scatter.add.f32 [tilespmem:s0], [sflag:$0x3], $0x80, s15, s2, $0xb8;
	[tilespmem:$0x1D000] =	vst v63  }
.Ltmp1:
0x61: {  	_ =	swait.ge [sflag:s29], $0x4000;
	(pc) =	sbr.rel @p0 .LBB2_4-.Ltmp1, $4  }
0x62: {  	[sflag:s29] =	ssyncset.done $0x0  }
0x63: {  	[sflag:s29] =	ssyncadd.s32 $0xFFFFC000  }
0x64: {  	_ =	swait.ge [sflag:s31], $0x4000  }
0x65: {  	s12 =	sadd.s32 $0x1000, s12;
	[sflag:s31] =	ssyncset.done $0x0  }
0x66: {  	s14 =	sadd.s32 $0xFFFFF800, s12;
	s13 =	sshra.s32 s13, $0x2;
	[sflag:s31] =	ssyncadd.s32 $0xFFFFC000  }
0x67: {  	[tilespmem:s0], [sflag:$0x2] =	stream.linear.gather [hbm4b:s14+s3], $0x4000, $0x38;
	[tilespmem:$0x1D000] =	vst v63  }
0x68: {  	s16 =	sadd.s32 $0x2800, s13  }
0x69: {  	[spmem:s1] =	stream.indirect.scatter.add.f32 [tilespmem:s30], [sflag:$0x3], $0x80, s16, s2, $0xb8;
	[tilespmem:$0x1D000] =	vst v63  }
0x6a: {  	_ =	swait.ge [sflag:s29], $0x4000  }
0x6b: {  	[sflag:s29] =	ssyncset.done $0x0  }
0x6c: {  	[sflag:s29] =	ssyncadd.s32 $0xFFFFC000  }
0x6d: {  	_ =	swait.ge [sflag:s4], $0x4000  }
0x6e: {  	[sflag:s4] =	ssyncset.done $0x0  }
0x6f: {  	[sflag:s4] =	ssyncadd.s32 $0xFFFFC000  }
0x70: {  	[tilespmem:s30], [sflag:$0x1] =	stream.linear.gather [hbm4b:s12+s3], $0x4000, $0x38;
	[tilespmem:$0x1D000] =	vst v63  }
0x71: {  	s13 =	sadd.s32 $0x2880, s13  }
0x72: {  	[spmem:s1] =	stream.indirect.scatter.add.f32 [tilespmem:s0], [sflag:$0x3], $0x80, s13, s2, $0xb8;
	[tilespmem:$0x1D000] =	vst v63  }
0x73: {  	_ =	swait.ge [sflag:s29], $0x4000  }
0x74: {  	[sflag:s29] =	ssyncset.done $0x0  }
0x75: {  	[sflag:s29] =	ssyncadd.s32 $0xFFFFC000  }
0x76: {  	_ =	swait.ge [sflag:s31], $0x4000  }
0x77: {  	[sflag:s31] =	ssyncset.done $0x0  }
0x78: {  	s14 =	simm.s32 $0x0;
	s15 =	rddreg [dreg:$0xa];
	[sflag:s31] =	ssyncadd.s32 $0xFFFFC000  }
0x79: {  	[tilespmem:s0], [sflag:$0x2] =	stream.linear.gather [hbm4b:s15+s14], $0x4000, $0x38;
	[tilespmem:$0x1D000] =	vst v63  }
0x7a: {  	_ = 	snop  }
0x7b: {  	[spmem:s1] =	stream.indirect.scatter.add.f32 [tilespmem:s30], [sflag:$0x3], $0x80, s6, s2, $0xb8;
	[tilespmem:$0x1D000] =	vst v63  }
0x7c: {  	_ =	swait.ge [sflag:s29], $0x4000  }
0x7d: {  	[sflag:s29] =	ssyncset.done $0x0  }
0x7e: {  	[sflag:s29] =	ssyncadd.s32 $0xFFFFC000  }
0x7f: {  	_ =	swait.ge [sflag:s4], $0x4000  }
0x80: {  	[sflag:s4] =	ssyncset.done $0x0  }
0x81: {  	[sflag:s4] =	ssyncadd.s32 $0xFFFFC000  }
0x82: {  	[spmem:s1] =	stream.indirect.scatter.add.f32 [tilespmem:s0], [sflag:$0x3], $0x80, s8, s2, $0xb8;
	[tilespmem:$0x1D000] =	vst v63  }
0x83: {  	_ =	swait.ge [sflag:s29], $0x4000  }
0x84: {  	[sflag:s29] =	ssyncset.done $0x0  }
0x85: {  	s16 =	rddreg [dreg:$0x5];
	[sflag:s29] =	ssyncadd.s32 $0xFFFFC000  }
0x86: {  	[tilespmem:s14], [sflag:$0x3] =	stream.linear.gather [hbm4b:s16+s14], $0x2800, $0x38;
	[tilespmem:$0x1D000] =	vst v63  }
0x87: {  	_ =	swait.ge [sflag:s29], $0x2800  }
0x88: {  	[sflag:s29] =	ssyncset.done $0x0  }
0x89: {  	s12 =	simm.s32 $0x0;
	[sflag:s29] =	ssyncadd.s32 $0xFFFFD800  }
0x8a: {  	s13 =	simm.s32 $0x40;
	v1 =	vld [tilespmem:s12+$0x0]  }
.LBB2_6:
0x8b: {  	_ =	sdelay $0x1  }
0x8c: {  	p0 =	sne.s32 s13, $0x9FC0  }
.Ltmp2:
0x8d: {  	_ = 	snop;
	(pc) =	sbr.rel @p0 .LBB2_6-.Ltmp2, $4  }
0x8e: {  	v2 =	vsub.s32 v1, v0  }
0x8f: {  	vm0 =	vlt.u32 v2, $0x1400  }
0x90: {  	s14 =	sshra.s32 s13, $0x2;
	v2 =	vnsel vm0, $0x17FF, v2  }
0x91: {  	s13 =	sadd.s32 $0x40, s13;
	v1 =	vld [tilespmem:s14+$0x0];
	[tilespmem:s12+$0x2800] =	vst v2;
	s12 =	smov.u32 s14  }
0x92: {  	_ =	sdelay $0x3  }
0x93: {  	v1 =	vsub.s32 v1, v0  }
0x94: {  	vm0 =	vlt.u32 v1, $0x1400  }
0x95: {  	v1 =	vnsel vm0, $0x17FF, v1  }
0x96: {  	s13 =	simm.s32 $0x0;
	[tilespmem:s12+$0x2800] =	vst v1  }
0x97: {  	[tilespmem:s30], [sflag:$0x1] =	stream.linear.gather [hbm4b:s9+s13], $0x4000, $0x38;
	[tilespmem:$0x1D000] =	vst v63  }
0x98: {  	_ =	swait.ge [sflag:s31], $0x4000  }
0x99: {  	[sflag:s31] =	ssyncset.done $0x0  }
0x9a: {  	s14 =	sadd.s32 $0xFFFFF800, s24;
	[sflag:s31] =	ssyncadd.s32 $0xFFFFC000  }
0x9b: {  	[tilespmem:s0], [sflag:$0x2] =	stream.linear.gather [hbm4b:s14+s3], $0x4000, $0x38;
	[tilespmem:$0x1D000] =	vst v63  }
0x9c: {  	s15 =	simm.s32 $0x2800  }
0x9d: {  	[spmem:s1] =	stream.indirect.scatter.add.f32 [tilespmem:s30], [sflag:$0x3], $0x80, s15, s2, $0xb8;
	[tilespmem:$0x1D000] =	vst v63  }
0x9e: {  	_ =	swait.ge [sflag:s29], $0x4000  }
0x9f: {  	[sflag:s29] =	ssyncset.done $0x0  }
0xa0: {  	[sflag:s29] =	ssyncadd.s32 $0xFFFFC000  }
0xa1: {  	_ =	swait.ge [sflag:s4], $0x4000  }
0xa2: {  	[sflag:s4] =	ssyncset.done $0x0  }
0xa3: {  	[sflag:s4] =	ssyncadd.s32 $0xFFFFC000  }
0xa4: {  	[tilespmem:s30], [sflag:$0x1] =	stream.linear.gather [hbm4b:s24+s3], $0x4000, $0x38;
	[tilespmem:$0x1D000] =	vst v63  }
0xa5: {  	s16 =	simm.s32 $0x2880  }
0xa6: {  	[spmem:s1] =	stream.indirect.scatter.add.f32 [tilespmem:s0], [sflag:$0x3], $0x80, s16, s2, $0xb8;
	[tilespmem:$0x1D000] =	vst v63  }
0xa7: {  	_ =	swait.ge [sflag:s29], $0x4000  }
0xa8: {  	[sflag:s29] =	ssyncset.done $0x0  }
0xa9: {  	[sflag:s29] =	ssyncadd.s32 $0xFFFFC000  }
0xaa: {  	s12 =	sadd.s32 $0x1000, s24;
	_ =	swait.ge [sflag:s31], $0x4000  }
0xab: {  	s13 =	simm.s32 $0x400;
	s14 =	simm.s32 $0x800;
	[sflag:s31] =	ssyncset.done $0x0  }
.LBB2_8:
0xac: {  	s15 =	sadd.s32 $0xFFFFF800, s12  }
0xad: {  	s16 =	sshra.s32 s13, $0x2;
	[sflag:s31] =	ssyncadd.s32 $0xFFFFC000;
	s13 =	smov.u32 s14  }
0xae: {  	[tilespmem:s0], [sflag:$0x2] =	stream.linear.gather [hbm4b:s15+s3], $0x4000, $0x38;
	[tilespmem:$0x1D000] =	vst v63  }
0xaf: {  	p0 =	sne.s32 s14, $0x9800;
	s14 =	sadd.s32 $0x400, s14;
	s15 =	sadd.s32 $0x2800, s16  }
0xb0: {  	[spmem:s1] =	stream.indirect.scatter.add.f32 [tilespmem:s30], [sflag:$0x3], $0x80, s15, s2, $0xb8;
	[tilespmem:$0x1D000] =	vst v63  }
0xb1: {  	_ =	swait.ge [sflag:s29], $0x4000  }
0xb2: {  	[sflag:s29] =	ssyncset.done $0x0  }
0xb3: {  	[sflag:s29] =	ssyncadd.s32 $0xFFFFC000  }
0xb4: {  	_ =	swait.ge [sflag:s4], $0x4000  }
0xb5: {  	[sflag:s4] =	ssyncset.done $0x0  }
0xb6: {  	[sflag:s4] =	ssyncadd.s32 $0xFFFFC000  }
0xb7: {  	[tilespmem:s30], [sflag:$0x1] =	stream.linear.gather [hbm4b:s12+s3], $0x4000, $0x38;
	[tilespmem:$0x1D000] =	vst v63  }
0xb8: {  	s15 =	sadd.s32 $0x2880, s16  }
0xb9: {  	[spmem:s1] =	stream.indirect.scatter.add.f32 [tilespmem:s0], [sflag:$0x3], $0x80, s15, s2, $0xb8;
	[tilespmem:$0x1D000] =	vst v63  }
.Ltmp3:
0xba: {  	_ =	swait.ge [sflag:s29], $0x4000;
	(pc) =	sbr.rel @p0 .LBB2_8-.Ltmp3, $4  }
0xbb: {  	[sflag:s29] =	ssyncset.done $0x0  }
0xbc: {  	[sflag:s29] =	ssyncadd.s32 $0xFFFFC000  }
0xbd: {  	_ =	swait.ge [sflag:s31], $0x4000  }
0xbe: {  	s12 =	sadd.s32 $0x1000, s12;
	[sflag:s31] =	ssyncset.done $0x0  }
0xbf: {  	s14 =	sadd.s32 $0xFFFFF800, s12;
	s13 =	sshra.s32 s13, $0x2;
	[sflag:s31] =	ssyncadd.s32 $0xFFFFC000  }
0xc0: {  	[tilespmem:s0], [sflag:$0x2] =	stream.linear.gather [hbm4b:s14+s3], $0x4000, $0x38;
	[tilespmem:$0x1D000] =	vst v63  }
0xc1: {  	s16 =	sadd.s32 $0x2800, s13  }
0xc2: {  	[spmem:s1] =	stream.indirect.scatter.add.f32 [tilespmem:s30], [sflag:$0x3], $0x80, s16, s2, $0xb8;
	[tilespmem:$0x1D000] =	vst v63  }
0xc3: {  	_ =	swait.ge [sflag:s29], $0x4000  }
0xc4: {  	[sflag:s29] =	ssyncset.done $0x0  }
0xc5: {  	[sflag:s29] =	ssyncadd.s32 $0xFFFFC000  }
0xc6: {  	_ =	swait.ge [sflag:s4], $0x4000  }
0xc7: {  	[sflag:s4] =	ssyncset.done $0x0  }
0xc8: {  	[sflag:s4] =	ssyncadd.s32 $0xFFFFC000  }
0xc9: {  	[tilespmem:s30], [sflag:$0x1] =	stream.linear.gather [hbm4b:s12+s3], $0x4000, $0x38;
	[tilespmem:$0x1D000] =	vst v63  }
0xca: {  	s13 =	sadd.s32 $0x2880, s13  }
0xcb: {  	[spmem:s1] =	stream.indirect.scatter.add.f32 [tilespmem:s0], [sflag:$0x3], $0x80, s13, s2, $0xb8;
	[tilespmem:$0x1D000] =	vst v63  }
0xcc: {  	_ =	swait.ge [sflag:s29], $0x4000  }
0xcd: {  	[sflag:s29] =	ssyncset.done $0x0  }
0xce: {  	[sflag:s29] =	ssyncadd.s32 $0xFFFFC000  }
0xcf: {  	_ =	swait.ge [sflag:s31], $0x4000  }
0xd0: {  	[sflag:s31] =	ssyncset.done $0x0  }
0xd1: {  	s14 =	rddreg [dreg:$0x7];
	[sflag:s31] =	ssyncadd.s32 $0xFFFFC000  }
0xd2: {  	[tilespmem:s0], [sflag:$0x2] =	stream.linear.gather [hbm4b:s14+s3], $0x4000, $0x38;
	[tilespmem:$0x1D000] =	vst v63  }
0xd3: {  	_ = 	snop  }
0xd4: {  	[spmem:s1] =	stream.indirect.scatter.add.f32 [tilespmem:s30], [sflag:$0x3], $0x80, s6, s2, $0xb8;
	[tilespmem:$0x1D000] =	vst v63  }
0xd5: {  	_ =	swait.ge [sflag:s29], $0x4000  }
0xd6: {  	[sflag:s29] =	ssyncset.done $0x0  }
0xd7: {  	[sflag:s29] =	ssyncadd.s32 $0xFFFFC000  }
0xd8: {  	_ =	swait.ge [sflag:s4], $0x4000  }
0xd9: {  	[sflag:s4] =	ssyncset.done $0x0  }
0xda: {  	[sflag:s4] =	ssyncadd.s32 $0xFFFFC000  }
0xdb: {  	[spmem:s1] =	stream.indirect.scatter.add.f32 [tilespmem:s0], [sflag:$0x3], $0x80, s8, s2, $0xb8;
	[tilespmem:$0x1D000] =	vst v63  }
0xdc: {  	_ =	swait.ge [sflag:s29], $0x4000  }
0xdd: {  	[sflag:s29] =	ssyncset.done $0x0  }
0xde: {  	[sflag:s29] =	ssyncadd.s32 $0xFFFFC000  }
0xdf: {  	[bflag:$0x0] =	sbarrier.arrive $0xFFFF  }
0xe0: {  	[tilespmem:s28], [sflag:$0x3] =	stream.linear.gather [spmem:s10], $0x2000, $0x38;
	[tilespmem:$0x1D000] =	vst v63  }
0xe1: {  	_ =	swait.ge [sflag:s29], $0x2000  }
0xe2: {  	[sflag:s29] =	ssyncset.done $0x0  }
0xe3: {  	s15 =	rddreg [dreg:$0xb];
	[sflag:s29] =	ssyncadd.s32 $0xFFFFE000  }
0xe4: {  	[hbm4b:s15+s3] =	stream.linear.scatter [tilespmem:s28], [sflag:$0x3], $0x2000, $0x38;
	[tilespmem:$0x1D000] =	vst v63  }
0xe5: {  	_ =	swait.ge [sflag:s29], $0x2000  }
0xe6: {  	[sflag:s29] =	ssyncset.done $0x0  }
0xe7: {  	[sflag:s29] =	ssyncadd.s32 $0xFFFFE000  }
0xe8: {  	[tilespmem:s28], [sflag:$0x3] =	stream.linear.gather [spmem:s17], $0x2000, $0x38;
	[tilespmem:$0x1D000] =	vst v63  }
0xe9: {  	_ =	swait.ge [sflag:s29], $0x2000  }
0xea: {  	[sflag:s29] =	ssyncset.done $0x0  }
0xeb: {  	[sflag:s29] =	ssyncadd.s32 $0xFFFFE000  }
0xec: {  	[hbm4b:s18+s3] =	stream.linear.scatter [tilespmem:s28], [sflag:$0x3], $0x2000, $0x38;
	[tilespmem:$0x1D000] =	vst v63  }
0xed: {  	_ =	swait.ge [sflag:s29], $0x2000  }
0xee: {  	[sflag:s29] =	ssyncset.done $0x0  }
0xef: {  	[sflag:s29] =	ssyncadd.s32 $0xFFFFE000  }
0xf0: {  	[tilespmem:s28], [sflag:$0x3] =	stream.linear.gather [spmem:s19], $0x2000, $0x38;
	[tilespmem:$0x1D000] =	vst v63  }
0xf1: {  	_ =	swait.ge [sflag:s29], $0x2000  }
0xf2: {  	[sflag:s29] =	ssyncset.done $0x0  }
0xf3: {  	[sflag:s29] =	ssyncadd.s32 $0xFFFFE000  }
0xf4: {  	[hbm4b:s20+s3] =	stream.linear.scatter [tilespmem:s28], [sflag:$0x3], $0x2000, $0x38;
	[tilespmem:$0x1D000] =	vst v63  }
0xf5: {  	_ =	swait.ge [sflag:s29], $0x2000  }
0xf6: {  	[sflag:s29] =	ssyncset.done $0x0  }
0xf7: {  	[sflag:s29] =	ssyncadd.s32 $0xFFFFE000  }
0xf8: {  	[tilespmem:s28], [sflag:$0x3] =	stream.linear.gather [spmem:s25], $0x2000, $0x38;
	[tilespmem:$0x1D000] =	vst v63  }
0xf9: {  	_ =	swait.ge [sflag:s29], $0x2000  }
0xfa: {  	[sflag:s29] =	ssyncset.done $0x0  }
0xfb: {  	[sflag:s29] =	ssyncadd.s32 $0xFFFFE000  }
0xfc: {  	[hbm4b:s21+s3] =	stream.linear.scatter [tilespmem:s28], [sflag:$0x3], $0x2000, $0x38;
	[tilespmem:$0x1D000] =	vst v63  }
0xfd: {  	_ =	swait.ge [sflag:s29], $0x2000  }
0xfe: {  	[sflag:s29] =	ssyncset.done $0x0  }
0xff: {  	[sflag:s29] =	ssyncadd.s32 $0xFFFFE000  }
0x100: {  	[tilespmem:s28], [sflag:$0x3] =	stream.linear.gather [spmem:s26], $0x2000, $0x38;
	[tilespmem:$0x1D000] =	vst v63  }
0x101: {  	_ =	swait.ge [sflag:s29], $0x2000  }
0x102: {  	[sflag:s29] =	ssyncset.done $0x0  }
0x103: {  	[sflag:s29] =	ssyncadd.s32 $0xFFFFE000  }
0x104: {  	[hbm4b:s22+s3] =	stream.linear.scatter [tilespmem:s28], [sflag:$0x3], $0x2000, $0x38;
	[tilespmem:$0x1D000] =	vst v63  }
0x105: {  	_ =	swait.ge [sflag:s29], $0x2000  }
0x106: {  	s11 =	sadd.s32 $0x1, s11;
	s16 =	rddreg [dreg:$0x6]  }
0x107: {  	p0 =	sne.s32 s11, s16  }
.Ltmp4:
0x108: {  	_ = 	snop;
	(pc) =	sbr.rel @p0 .LBB2_1-.Ltmp4, $3  }
0x109: {  	_ =	sdelay $0x1  }
0x10a: {  	[sflag:s29] =	ssyncset.done $0x0  }
0x10b: {  	[sflag:s29] =	ssyncadd.s32 $0xFFFFE000  }
0x10c: {  	_ =	sfence.sel $0x180000  }
0x10d: {  	[bflag:$0x0] =	sbarrier.arrive $0xFFFF  }
0x10e: {  	_ =	strace $0x9000004D  }
0x10f: {  	s0 =	stileid.u32;
	[bflag:$0x2] =	sbarrier.arrive $0xFFFF  }
0x110: {  	p0 =	sne.s32 s0, $0x0;
	s0 =	rddreg [dreg:$0x2]  }
0x111: {  	s0 =	sadd.s32 @!p0 $0x100000, s0  }
0x112: {  	[sflag:s0] =	ssyncadd.tile.s32 @!p0 $0x1;
	_ =	shalt  }
.Lfunc_end2:
_tile_overlayer_lowered:
.L_overlay_start_2:
0x113: {  	(tag) =	ssettag $0x2  }
0x114: {  	s0 =	rddreg [dreg:$0x0];
	s2 =	stileid.u32  }
0x115: {  	s1 =	rddreg [dreg:$0x1];
	p0 =	sne.s32 s2, $0x0  }
0x116: {  	s3 =	rddreg [dreg:$0x2];
	[bflag:$0x3] =	sbarrier.arrive $0xFFFF;
	s2 =	simm.s32 @!p0 $0x1C03  }
0x117: {  	[timem:s3], [sflag:s2] =	dma.local @!p0 [hbm:s0], s1  }
0x118: {  	s0 =	simm.s32 @!p0 $0x3  }
0x119: {  	_ =	swait.ge @!p0 [sflag:s0], s1  }
0x11a: {  	s1 =	ssub.s32 @!p0 $0x0, s1;
	[sflag:s0] =	ssyncset.done @!p0 $0x0  }
0x11b: {  	[sflag:s0] =	ssyncadd.s32 @!p0 s1  }
0x11c: {  	[bflag:$0x3] =	sbarrier.arrive $0xFFFF  }
0x11d: {  	_ =	shalt  }

// kernel: kernel.23.cloned.1.call-start
scs
__scs_entry_jumppad:
0x0: {  	(pc) =	sbr.rel $0x88, $3  }
0x1: {  	(tag) =	ssettag $0x0;
	lr =	simm.s32 $0x1  }
0x2: {  	[smem:$0x3F8A] =	sst lr;
	_ =	strace $0xD0000000  }
0x3: {  	_ = 	snop  }
0x4: {  	_ = 	snop  }
0x5: {  	_ = 	snop  }
0x6: {  	_ = 	snop  }
0x7: {  	_ = 	snop  }
__scs_overlays_trampoline_lowered:
0x8: {  	[smem:$0x3F99] =	sst s0  }
0x9: {  	[smem:$0x3F9A] =	sst s1  }
0xa: {  	[smem:$0x3F9B] =	sst s2  }
0xb: {  	[smem:$0x3F9C] =	sst s3  }
0xc: {  	[smem:$0x3F9D] =	sst s4  }
0xd: {  	[smem:$0x3F9E] =	sst s5  }
0xe: {  	[smem:$0x3F9F] =	sst s6  }
0xf: {  	[smem:$0x3FA0] =	sst s7  }
0x10: {  	[smem:$0x3FA1] =	sst s8  }
0x11: {  	[smem:$0x3FA2] =	sst s9;
	s0 =	simm.s32 @!p0 $0x0  }
0x12: {  	s1 =	sld [smem:$0x3F88];
	s0 =	simm.s32 @p0 $0x1  }
0x13: {  	[smem:$0x3FA3] =	sst s0;
	s0 =	simm.s32 @!p1 $0x0  }
0x14: {  	s2 =	sld [smem:$0x3F87];
	s0 =	simm.s32 @p1 $0x1  }
0x15: {  	[smem:$0x3FA4] =	sst s0;
	s0 =	simm.s32 @!p2 $0x0  }
0x16: {  	s3 =	sld [smem:$0x3FDB];
	s0 =	simm.s32 @p2 $0x1  }
0x17: {  	s4 =	simm.s32 $0x1BF5;
	[smem:$0x3FA6] =	sst s0  }
0x18: {  	s0 =	sld [smem:$0x3F89];
	_ =	swait.ge [sflag:s4], $0x0  }
0x19: {  	s7 =	sld [smem:$0x3F8A]  }
0x1a: {  	s8 =	sadd.s32 $0xFFFFE003, lr  }
0x1b: {  	s9 =	sadd.s32 $0xFFFFFEF7, lr;
	s5 =	simm.s32 $0xFFFFFFFF;
	p2 =	slt.u32 s8, $0xFFFFF086  }
0x1c: {  	p1 =	slt.u32 s9, $0xF7A;
	s5 =	simm.s32 @!p2 $0x0  }
0x1d: {  	s5 =	simm.s32 @p1 $0x1;
	p0 =	seq.s32 s7, s2  }
0x1e: {  	s7 =	smul.u32 @!p0 $0xF7A, s2;
	p2 =	seq.s32 @!p0 s5, $0x0  }
0x1f: {  	s9 =	smul.u32 $0xF7A, s1;
	s8 =	simm.s32 @!p0 $0x1BF5;
	p2 =	por !p2, p0  }
0x20: {  	[sflag:s8] =	ssyncset.s32 @!p0 $0xFFFFF086;
	s6 =	sadd.s32 @!p0 s3, s7;
	s7 =	simm.s32 @!p0 $0x108  }
0x21: {  	s3 =	sadd.s32 s3, s9;
	s6 =	sadd.s32 @!p0 $0x88, s6;
	s7 =	simm.s32 @p2 $0x1082  }
0x22: {  	[simem:s7], [sflag:s8] =	dma.local @!p0 [hbm:s6], $0xF7A  }
0x23: {  	s9 =	sor.u32 $0xD0000000, s2;
	s6 =	simm.s32 $0x108;
	_ =	swait.ge @!p0 [sflag:s8], $0x0  }
0x24: {  	s3 =	sadd.s32 $0x88, s3;
	s6 =	simm.s32 @!p1 $0x1082;
	[sflag:s4] =	ssyncset.s32 $0xFFFFF086  }
0x25: {  	[simem:s6], [sflag:s4] =	dma.local [hbm:s3], $0xF7A  }
0x26: {  	[smem:$0x3F8A] =	sst s1;
	(tag) =	ssettag s2;
	_ =	strace s9  }
0x27: {  	s1 =	sld [smem:$0x3F9A]  }
0x28: {  	s2 =	sld [smem:$0x3F9B]  }
0x29: {  	s4 =	sld [smem:$0x3F9D]  }
0x2a: {  	p0 =	seq.s32 s5, $0x0;
	s5 =	sld [smem:$0x3F9E]  }
0x2b: {  	s6 =	sld [smem:$0x3F9F]  }
0x2c: {  	s7 =	sld [smem:$0x3FA0]  }
0x2d: {  	s3 =	simm.s32 $0x108;
	s8 =	sld [smem:$0x3FA1]  }
0x2e: {  	s3 =	simm.s32 @!p0 $0x1082;
	s9 =	sld [smem:$0x3FA2]  }
0x2f: {  	lr =	sadd.s32 s0, s3;
	s0 =	sld [smem:$0x3F99]  }
0x30: {  	s3 =	sld [smem:$0x3F9C]  }
0x31: {  	[smem:$0x3FA5] =	sst s10  }
0x32: {  	s10 =	sld [smem:$0x3FA3];
	_ =	sdelay $0x3  }
0x33: {  	p0 =	seq.s32 s10, $0x1;
	s10 =	sld [smem:$0x3FA5];
	_ =	sdelay $0x3  }
0x34: {  	[smem:$0x3FA5] =	sst s10  }
0x35: {  	s10 =	sld [smem:$0x3FA4];
	_ =	sdelay $0x3  }
0x36: {  	p1 =	seq.s32 s10, $0x1;
	s10 =	sld [smem:$0x3FA5];
	_ =	sdelay $0x3  }
0x37: {  	[smem:$0x3FA5] =	sst s10  }
0x38: {  	s10 =	sld [smem:$0x3FA6]  }
0x39: {  	_ = 	snop;
	(pc) =	sbr.ind lr, $3  }
0x3a: {  	_ = 	snop  }
0x3b: {  	_ = 	snop  }
0x3c: {  	p2 =	seq.s32 s10, $0x1;
	s10 =	sld [smem:$0x3FA5]  }
0x3d: {  	_ =	shalt  }
0x3e: {  	_ =	shalt  }
0x3f: {  	_ =	shalt  }
0x40: {  	_ =	shalt  }
0x41: {  	_ =	shalt  }
0x42: {  	_ =	shalt  }
0x43: {  	_ =	shalt  }
0x44: {  	_ =	shalt  }
0x45: {  	_ =	shalt  }
0x46: {  	_ =	shalt  }
0x47: {  	_ =	shalt  }
0x48: {  	_ =	shalt  }
0x49: {  	_ =	shalt  }
0x4a: {  	_ =	shalt  }
0x4b: {  	_ =	shalt  }
0x4c: {  	_ =	shalt  }
0x4d: {  	_ =	shalt  }
0x4e: {  	_ =	shalt  }
0x4f: {  	_ =	shalt  }
0x50: {  	_ =	shalt  }
0x51: {  	_ =	shalt  }
0x52: {  	_ =	shalt  }
0x53: {  	_ =	shalt  }
0x54: {  	_ =	shalt  }
0x55: {  	_ =	shalt  }
0x56: {  	_ =	shalt  }
0x57: {  	_ =	shalt  }
0x58: {  	_ =	shalt  }
0x59: {  	_ =	shalt  }
0x5a: {  	_ =	shalt  }
0x5b: {  	_ =	shalt  }
0x5c: {  	_ =	shalt  }
0x5d: {  	_ =	shalt  }
0x5e: {  	_ =	shalt  }
0x5f: {  	_ =	shalt  }
0x60: {  	_ =	shalt  }
0x61: {  	_ =	shalt  }
0x62: {  	_ =	shalt  }
0x63: {  	_ =	shalt  }
0x64: {  	_ =	shalt  }
0x65: {  	_ =	shalt  }
0x66: {  	_ =	shalt  }
0x67: {  	_ =	shalt  }
0x68: {  	_ =	shalt  }
0x69: {  	_ =	shalt  }
0x6a: {  	_ =	shalt  }
0x6b: {  	_ =	shalt  }
0x6c: {  	_ =	shalt  }
0x6d: {  	_ =	shalt  }
0x6e: {  	_ =	shalt  }
0x6f: {  	_ =	shalt  }
0x70: {  	_ =	shalt  }
0x71: {  	_ =	shalt  }
0x72: {  	_ =	shalt  }
0x73: {  	_ =	shalt  }
0x74: {  	_ =	shalt  }
0x75: {  	_ =	shalt  }
0x76: {  	_ =	shalt  }
0x77: {  	_ =	shalt  }
0x78: {  	_ =	shalt  }
0x79: {  	_ =	shalt  }
0x7a: {  	_ =	shalt  }
0x7b: {  	_ =	shalt  }
0x7c: {  	_ =	shalt  }
0x7d: {  	_ =	shalt  }
0x7e: {  	_ =	shalt  }
0x7f: {  	_ =	shalt  }
0x80: {  	_ =	shalt  }
0x81: {  	_ =	shalt  }
0x82: {  	_ =	shalt  }
0x83: {  	_ =	shalt  }
0x84: {  	_ =	shalt  }
0x85: {  	_ =	shalt  }
0x86: {  	_ =	shalt  }
0x87: {  	_ =	shalt  }
.Lfunc_end0:
.L_simem_size_0:
called_computation.4_lowered:
.L_overlay_start_0:
0x88: {  	s2 =	sld [smem:$0x3FD9]  }
0x89: {  	s3 =	sld [smem:$0x3FFE];
	_ =	sdelay $0x1  }
0x8a: {  	s1 =	srdreg.scid  }
0x8b: {  	s0 =	sand.u32 $0x1, s1  }
0x8c: {  	s17 =	sshll.u32 s0, $0xA;
	s2 =	sadd.s32 s3, s2  }
0x8d: {  	s2 =	sadd.s32 s2, s17  }
0x8e: {  	[smem:$0x3FB1] =	sst s2  }
0x8f: {  	_ = 	snop  }
0x90: {  	(tm) =	ssettm $0x1  }
0x91: {  	s18 =	sld [smem:$0x3FFB];
	_ =	sdelay $0x3  }
0x92: {  	_ =	strace s18  }
0x93: {  	s2 =	sld [smem:$0x3FFC];
	_ =	sdelay $0x3  }
0x94: {  	_ =	strace s2  }
0x95: {  	s2 =	sld [smem:$0x3FFD];
	_ =	sdelay $0x3  }
0x96: {  	_ =	strace s2  }
0x97: {  	_ =	strace $0x8FFFFFFF  }
0x98: {  	s19 =	sld [smem:$0x3FDB];
	_ =	sdelay $0x1  }
0x99: {  	s20 =	simm.s32 $_scs_section_size  }
0x9a: {  	s4 =	simm.s32 $_size__tile_overlayer_lowered;
	s5 =	simm.s32 $_tile_overlayer_lowered  }
0x9b: {  	s6 =	simm.s32 $0x1BFF;
	s21 =	sshll.u32 s5, $0x1;
	s3 =	sadd.s32 s20, s19  }
0x9c: {  	s22 =	simm.s32 $0x0;
	s4 =	sshll.u32 s4, $0x1;
	s5 =	sadd.s32 s21, s3  }
0x9d: {  	[timem:s22], [sflag:s6] =	dma.local [hbm:s5], s4  }
0x9e: {  	_ =	swait.ge [sflag:s6], s4  }
0x9f: {  	s4 =	ssub.s32 $0x0, s4;
	[sflag:s6] =	ssyncset.done $0x0  }
0xa0: {  	[sflag:s6] =	ssyncadd.s32 s4;
	_ =	sdelay $0x1  }
0xa1: {  	s23 =	simm.s32 $0x1B8B  }
0xa2: {  	_ =	swait.ge [sflag:s23], $0x1  }
0xa3: {  	[sflag:s23] =	ssyncset.done $0x0  }
0xa4: {  	[sflag:s23] =	ssyncadd.s32 $0xFFFFFFFF  }
0xa5: {  	s4 =	sld [smem:$0x0]  }
0xa6: {  	s5 =	sand.u32 $0xFFFFFFFE, s1  }
0xa7: {  	p0 =	sne.s32 s1, s5  }
0xa8: {  	s5 =	sshll.u32 @p0 s5, $0xE  }
0xa9: {  	s5 =	sadd.s32 @p0 $0x11B8D, s5;
	s6 =	sshll.u32 @p0 s4, $0x11  }
0xaa: {  	s5 =	sor.u32 @p0 s6, s5  }
0xab: {  	[sflag:s5] =	ssyncadd.remote.s32 @p0 $0x1;
	_ =	sdelay $0x1  }
0xac: {  	s5 =	simm.s32 @p0 $0x1B8D  }
0xad: {  	_ =	swait.eq @p0 [sflag:s5], $0x1  }
0xae: {  	[sflag:s5] =	ssyncadd.s32 @p0 $0xFFFFFFFF  }
0xaf: {  	s6 =	sshll.u32 @!p0 s1, $0xE  }
0xb0: {  	s6 =	sor.u32 @!p0 $0x4000, s6;
	s5 =	simm.s32 @!p0 $0x1B8D  }
0xb1: {  	s4 =	sshll.u32 @!p0 s4, $0x11;
	s6 =	sadd.s32 @!p0 $0x11B8D, s6;
	_ =	swait.eq @!p0 [sflag:s5], $0x1  }
0xb2: {  	s4 =	sor.u32 @!p0 s4, s6;
	[sflag:s5] =	ssyncadd.s32 @!p0 $0xFFFFFFFF  }
0xb3: {  	s25 =	simm.s32 $0x1B8E;
	s24 =	sld [smem:$0x3FFE];
	[sflag:s4] =	ssyncadd.remote.s32 @!p0 $0x1  }
0xb4: {  	s26 =	simm.s32 $execute0_lowered;
	[smem:$0x3FD2] =	sst s25  }
0xb5: {  	s5 =	sshll.u32 s26, $0x1;
	_ =	strace $0x80000052;
	[dreg:$0x1] =	wrdreg $0xFFFFFFFF  }
0xb6: {  	s28 =	simm.s32 $_size_execute0_lowered;
	s3 =	sadd.s32 s3, s5;
	[dreg:$0x0] =	wrdreg $0x0  }
0xb7: {  	s5 =	sshll.u32 s28, $0x1;
	[dreg:$0x2] =	wrdreg s3  }
0xb8: {  	[dreg:$0x3] =	wrdreg s5  }
0xb9: {  	[dreg:$0x4] =	wrdreg $0xC0  }
0xba: {  	_ =	task [dreg:s22], $0x5FFFF  }
0xbb: {  	[dreg:$0x1] =	wrdreg $0xFFFFFFFF  }
0xbc: {  	[dreg:$0x0] =	wrdreg $0x60  }
0xbd: {  	[dreg:$0x2] =	wrdreg s24  }
0xbe: {  	[dreg:$0x3] =	wrdreg $0xA  }
0xbf: {  	_ =	task.clear_ibuf [dreg:s22], $0x4FFFF;
	_ =	strace $0x90000052  }
0xc0: {  	s29 =	simm.s32 $0xA;
	_ =	strace $0x80000054  }
0xc1: {  	_ =	swait.ge [sflag:s29], $0x1  }
0xc2: {  	[sflag:s29] =	ssyncadd.s32 $0xFFFFFFFF  }
0xc3: {  	_ =	strace $0x90000054  }
0xc4: {  	_ =	sfence  }
0xc5: {  	s30 =	sld [smem:$0x0];
	_ =	sdelay $0x2  }
0xc6: {  	s31 =	sshll.u32 s1, $0xD;
	s1 =	sshrl.u32 s1, $0x2  }
0xc7: {  	s4 =	sand.u32 $0x4000, s31;
	s1 =	sadd.s32 s1, s30  }
0xc8: {  	s0 =	sor.u32 s4, s0;
	s1 =	sshll.u32 s1, $0x11  }
0xc9: {  	s0 =	sor.u32 s1, s0  }
0xca: {  	s0 =	sadd.s32 $0x8F2B, s0  }
0xcb: {  	[sflag:s0] =	ssyncadd.remote.s32 $0x1  }
0xcc: {  	_ =	sfence.sel $0xFFFF  }
0xcd: {  	[dreg:$0x0] =	wrdreg $0xFFFFFFFF;
	(pc) =	sbr.abs _section_cstart, $3  }
0xce: {  	[dreg:$0x1] =	wrdreg $0xFFFFFFFF  }
0xcf: {  	_ =	task.clear_ibuf [dreg:s22], $0x2FFFF;
	_ =	strace $0x9FFFFFFF  }
0xd0: {  	(tm) =	ssettm $0x7FFFFFFF  }
0xd1: {  	_ =	shalt  }
tec
execute0_lowered:
.L_overlay_start_1:
0x0: {  	(tag) =	ssettag $0x1  }
0x1: {  	s4 =	rddreg [dreg:$0x0];
	s1 =	srdreg.scid  }
0x2: {  	s0 =	rddreg [dreg:$0x1];
	s2 =	simm.s32 $0x0;
	s9 =	simm.s32 $0x2800  }
0x3: {  	s10 =	simm.s32 $0x6800;
	s11 =	simm.s32 $0xA800;
	s12 =	simm.s32 $0xE800  }
0x4: {  	s13 =	simm.s32 $0x1;
	s14 =	simm.s32 $0x2;
	s15 =	simm.s32 $0x3  }
0x5: {  	s16 =	simm.s32 $0x4;
	s17 =	simm.s32 $0x0;
	s3 =	sand.u32 $0x1, s1  }
0x6: {  	s1 =	stileid.u32;
	s5 =	sshll.u32 s3, $0x4;
	s6 =	smul.u32 $0x1400000, s3  }
0x7: {  	[smem:$0x7FF] =	sst s2;
	s7 =	smul.u32 $0x140000, s1;
	s5 =	sor.u32 s1, s5  }
0x8: {  	_ =	strace $0x80000053;
	s8 =	ssub.s32 $0x2, s3;
	s5 =	smul.u32 $0x500, s5  }
0x9: {  	s3 =	sadd.s32 $0x23000, s4;
	s31 =	sshrl.u32 s8, $0x1;
	s6 =	sadd.s32 s7, s6  }
0xa: {  	s7 =	ssub.s32 s8, s31;
	s6 =	sshrl.u32 s6, $0x3;
	s5 =	sadd.s32 s5, s4  }
0xb: {  	s8 =	simm.s32 $0x80;
	s6 =	sadd.s32 s6, s4;
	s4 =	sadd.s32 $0x19000, s5  }
0xc: {  	s5 =	smax.u32 s7, $0x1;
	s6 =	sadd.s32 $0x5A2600, s6;
	s7 =	simm.s32 $0x5  }
.LBB2_1:
0xd: {  	[tilespmem:s2], [sflag:$0x5] =	stream.linear.gather [hbm4b:s4+s2], $0x2800, $0x38;
	[tilespmem:$0x12800] =	vst v63  }
0xe: {  	_ =	swait.ge [sflag:s7], $0x2800  }
0xf: {  	[sflag:s7] =	ssyncset.done $0x0  }
0x10: {  	s18 =	simm.s32 $0x0;
	[sflag:s7] =	ssyncadd.s32 $0xFFFFD800  }
0x11: {  	[tilespmem:s9], [sflag:$0x1] =	stream.indirect.gather [hbm4b:s3+s8], $0x80, s18, s8, $0xb8;
	[tilespmem:$0x12800] =	vst v63  }
0x12: {  	s28 =	simm.s32 $0x80  }
0x13: {  	[tilespmem:s10], [sflag:$0x2] =	stream.indirect.gather [hbm4b:s3+s8], $0x80, s28, s8, $0xb8;
	[tilespmem:$0x12800] =	vst v63  }
0x14: {  	s29 =	simm.s32 $0x100  }
0x15: {  	[tilespmem:s11], [sflag:$0x3] =	stream.indirect.gather [hbm4b:s3+s8], $0x80, s29, s8, $0xb8;
	[tilespmem:$0x12800] =	vst v63  }
0x16: {  	s30 =	simm.s32 $0x180  }
0x17: {  	[tilespmem:s12], [sflag:$0x4] =	stream.indirect.gather [hbm4b:s3+s8], $0x80, s30, s8, $0xb8;
	[tilespmem:$0x12800] =	vst v63  }
0x18: {  	_ =	swait.ge [sflag:s13], $0x4000  }
0x19: {  	[sflag:s13] =	ssyncset.done $0x0  }
0x1a: {  	[sflag:s13] =	ssyncadd.s32 $0xFFFFC000  }
0x1b: {  	_ =	swait.ge [sflag:s14], $0x4000  }
0x1c: {  	[sflag:s14] =	ssyncset.done $0x0  }
0x1d: {  	[sflag:s14] =	ssyncadd.s32 $0xFFFFC000  }
0x1e: {  	_ =	swait.ge [sflag:s15], $0x4000  }
0x1f: {  	[sflag:s15] =	ssyncset.done $0x0  }
0x20: {  	[sflag:s15] =	ssyncadd.s32 $0xFFFFC000  }
0x21: {  	_ =	swait.ge [sflag:s16], $0x4000  }
0x22: {  	[sflag:s16] =	ssyncset.done $0x0  }
0x23: {  	s31 =	sadd.s32 $0x0, s6;
	[sflag:s16] =	ssyncadd.s32 $0xFFFFC000  }
0x24: {  	[hbm4b:s31+s2] =	stream.linear.scatter [tilespmem:s9], [sflag:$0x5], $0x10000, $0x38;
	[tilespmem:$0x12800] =	vst v63  }
0x25: {  	s20 =	simm.s32 $0x4000;
	_ =	swait.ge [sflag:s7], $0x10000  }
0x26: {  	s19 =	simm.s32 $0x380;
	s18 =	simm.s32 $0x2000;
	[sflag:s7] =	ssyncset.done $0x0  }
.LBB2_2:
0x27: {  	p0 =	sne.s32 s20, $0x26000;
	s21 =	sadd.s32 $0xFFFFFE80, s19;
	[sflag:s7] =	ssyncadd.s32 $0xFFFF0000  }
0x28: {  	[tilespmem:s9], [sflag:$0x1] =	stream.indirect.gather [hbm4b:s3+s8], $0x80, s21, s8, $0xb8;
	[tilespmem:$0x12800] =	vst v63  }
0x29: {  	s22 =	smov.u32 s20;
	s20 =	sadd.s32 $0x2000, s20;
	s21 =	sadd.s32 $0xFFFFFF00, s19  }
0x2a: {  	[tilespmem:s10], [sflag:$0x2] =	stream.indirect.gather [hbm4b:s3+s8], $0x80, s21, s8, $0xb8;
	[tilespmem:$0x12800] =	vst v63  }
0x2b: {  	s21 =	sadd.s32 $0xFFFFFF80, s19  }
0x2c: {  	[tilespmem:s11], [sflag:$0x3] =	stream.indirect.gather [hbm4b:s3+s8], $0x80, s21, s8, $0xb8;
	[tilespmem:$0x12800] =	vst v63  }
0x2d: {  	_ = 	snop  }
0x2e: {  	[tilespmem:s12], [sflag:$0x4] =	stream.indirect.gather [hbm4b:s3+s8], $0x80, s19, s8, $0xb8;
	[tilespmem:$0x12800] =	vst v63  }
0x2f: {  	_ =	swait.ge [sflag:s13], $0x4000  }
0x30: {  	[sflag:s13] =	ssyncset.done $0x0  }
0x31: {  	[sflag:s13] =	ssyncadd.s32 $0xFFFFC000  }
0x32: {  	_ =	swait.ge [sflag:s14], $0x4000  }
0x33: {  	[sflag:s14] =	ssyncset.done $0x0  }
0x34: {  	[sflag:s14] =	ssyncadd.s32 $0xFFFFC000  }
0x35: {  	_ =	swait.ge [sflag:s15], $0x4000  }
0x36: {  	[sflag:s15] =	ssyncset.done $0x0  }
0x37: {  	[sflag:s15] =	ssyncadd.s32 $0xFFFFC000  }
0x38: {  	_ =	swait.ge [sflag:s16], $0x4000  }
.Ltmp0:
0x39: {  	[sflag:s16] =	ssyncset.done $0x0;
	(pc) =	sbr.rel @p0 .LBB2_2-.Ltmp0, $4  }
0x3a: {  	s21 =	sadd.s32 s18, s6;
	s18 =	smov.u32 s22;
	[sflag:s16] =	ssyncadd.s32 $0xFFFFC000  }
0x3b: {  	[hbm4b:s21+s2] =	stream.linear.scatter [tilespmem:s9], [sflag:$0x5], $0x10000, $0x38;
	[tilespmem:$0x12800] =	vst v63  }
0x3c: {  	_ =	swait.ge [sflag:s7], $0x10000  }
0x3d: {  	s19 =	sadd.s32 $0x200, s19;
	[sflag:s7] =	ssyncset.done $0x0  }
0x3e: {  	s20 =	sadd.s32 $0xFFFFFE80, s19;
	[sflag:s7] =	ssyncadd.s32 $0xFFFF0000  }
0x3f: {  	[tilespmem:s9], [sflag:$0x1] =	stream.indirect.gather [hbm4b:s3+s8], $0x80, s20, s8, $0xb8;
	[tilespmem:$0x12800] =	vst v63  }
0x40: {  	s30 =	sadd.s32 $0xFFFFFF00, s19  }
0x41: {  	[tilespmem:s10], [sflag:$0x2] =	stream.indirect.gather [hbm4b:s3+s8], $0x80, s30, s8, $0xb8;
	[tilespmem:$0x12800] =	vst v63  }
0x42: {  	s31 =	sadd.s32 $0xFFFFFF80, s19  }
0x43: {  	[tilespmem:s11], [sflag:$0x3] =	stream.indirect.gather [hbm4b:s3+s8], $0x80, s31, s8, $0xb8;
	[tilespmem:$0x12800] =	vst v63  }
0x44: {  	_ = 	snop  }
0x45: {  	[tilespmem:s12], [sflag:$0x4] =	stream.indirect.gather [hbm4b:s3+s8], $0x80, s19, s8, $0xb8;
	[tilespmem:$0x12800] =	vst v63  }
0x46: {  	_ =	swait.ge [sflag:s13], $0x4000  }
0x47: {  	[sflag:s13] =	ssyncset.done $0x0  }
0x48: {  	[sflag:s13] =	ssyncadd.s32 $0xFFFFC000  }
0x49: {  	_ =	swait.ge [sflag:s14], $0x4000  }
0x4a: {  	[sflag:s14] =	ssyncset.done $0x0  }
0x4b: {  	[sflag:s14] =	ssyncadd.s32 $0xFFFFC000  }
0x4c: {  	_ =	swait.ge [sflag:s15], $0x4000  }
0x4d: {  	[sflag:s15] =	ssyncset.done $0x0  }
0x4e: {  	[sflag:s15] =	ssyncadd.s32 $0xFFFFC000  }
0x4f: {  	s17 =	sadd.s32 $0x1, s17;
	_ =	swait.ge [sflag:s16], $0x4000  }
0x50: {  	p0 =	sne.s32 s17, s5;
	[sflag:s16] =	ssyncset.done $0x0  }
.Ltmp1:
0x51: {  	s18 =	sadd.s32 s18, s6;
	[sflag:s16] =	ssyncadd.s32 $0xFFFFC000;
	(pc) =	sbr.rel @p0 .LBB2_1-.Ltmp1, $4  }
0x52: {  	[hbm4b:s18+s2] =	stream.linear.scatter [tilespmem:s9], [sflag:$0x5], $0x10000, $0x38;
	[tilespmem:$0x12800] =	vst v63  }
0x53: {  	_ =	swait.ge [sflag:s7], $0x10000  }
0x54: {  	[sflag:s7] =	ssyncset.done $0x0  }
0x55: {  	[sflag:s7] =	ssyncadd.s32 $0xFFFF0000  }
0x56: {  	_ =	sfence.sel $0x180000  }
0x57: {  	[bflag:$0x0] =	sbarrier.arrive $0xFFFF  }
0x58: {  	p0 =	sne.s32 s1, $0x0;
	_ =	strace $0x90000053  }
0x59: {  	s0 =	sadd.s32 @!p0 $0x100000, s0;
	[bflag:$0x2] =	sbarrier.arrive $0xFFFF  }
0x5a: {  	[sflag:s0] =	ssyncadd.tile.s32 @!p0 $0x1;
	_ =	shalt  }
.Lfunc_end2:
_tile_overlayer_lowered:
.L_overlay_start_2:
0x5b: {  	(tag) =	ssettag $0x2  }
0x5c: {  	s0 =	rddreg [dreg:$0x0];
	s2 =	stileid.u32  }
0x5d: {  	s1 =	rddreg [dreg:$0x1];
	p0 =	sne.s32 s2, $0x0  }
0x5e: {  	s3 =	rddreg [dreg:$0x2];
	[bflag:$0x3] =	sbarrier.arrive $0xFFFF;
	s2 =	simm.s32 @!p0 $0x1C05  }
0x5f: {  	[timem:s3], [sflag:s2] =	dma.local @!p0 [hbm:s0], s1  }
0x60: {  	s0 =	simm.s32 @!p0 $0x5  }
0x61: {  	_ =	swait.ge @!p0 [sflag:s0], s1  }
0x62: {  	s1 =	ssub.s32 @!p0 $0x0, s1;
	[sflag:s0] =	ssyncset.done @!p0 $0x0  }
0x63: {  	[sflag:s0] =	ssyncadd.s32 @!p0 s1  }
0x64: {  	[bflag:$0x3] =	sbarrier.arrive $0xFFFF  }
0x65: {  	_ =	shalt  }

</sc_bundles>
